<compile_context>
chip_gen: v7x
topology: tpu7x:2x2x1
jax: 0.10.2.dev20260603
libtpu: 0.0.44.dev20260713+nightly
codegen_flags: <defaults>
</compile_context>

<pallas_src>
import functools

import jax
import jax.numpy as jnp
from jax import lax
from jax.experimental import pallas as pl
from jax.experimental.pallas import tpu as pltpu
from jax.experimental.pallas import tpu_sc as plsc

_F32 = jnp.float32




def _pick_k(n_chunks):
  for k in (10, 8, 5, 4, 2, 1):
    if n_chunks % k == 0 and n_chunks // k >= 32:
      return k
  for k in (10, 8, 5, 4, 2, 1):
    if n_chunks % k == 0:
      return k
  return 1


def _sc_gather(table, idx_flat):
  v, d = table.shape
  dt = table.dtype
  b = idx_flat.shape[0]
  n_chunks = b // 128
  k = _pick_k(n_chunks)
  c = k * 128
  n_sup = n_chunks // k
  n_loop = -(-n_sup // 32)
  idx3d = idx_flat.reshape(n_sup, k, 128)
  mesh = plsc.VectorSubcoreMesh(core_axis_name="c", subcore_axis_name="s")

  @functools.partial(
      pl.kernel,
      mesh=mesh,
      compiler_params=pltpu.CompilerParams(use_tc_tiling_on_sc=False),
      out_type=jax.ShapeDtypeStruct((b, d), dt),
      scratch_types=[
          pltpu.VMEM((k, 128), jnp.int32),
          pltpu.VMEM((c, d), dt),
          pltpu.SemaphoreType.DMA,
      ],
  )
  def gather(table_hbm, idx_hbm, out_hbm, idx_v, rows_v, sem):
    wid = lax.axis_index("s") * 2 + lax.axis_index("c")

    def body(s, carry):
      sup = s * 32 + wid

      @pl.when(sup < n_sup)
      def _():
        pltpu.sync_copy(idx_hbm.at[sup], idx_v)
        copies = [
            pltpu.async_copy(
                table_hbm.at[idx_v.at[j]],
                rows_v.at[pl.ds(j * 128, 128)],
                sem,
            )
            for j in range(k)
        ]
        for cp in copies:
          cp.wait()
        pltpu.sync_copy(rows_v, out_hbm.at[pl.ds(sup * c, c)])

      return carry

    lax.fori_loop(0, n_loop, body, 0)

  return gather(table, idx3d)




def _pick_block(n, cap):
  for r in range(min(n, cap), 0, -1):
    if n % r == 0 and (r % 8 == 0 or r == n):
      return r
  return n


def _embed_body(a_ref, m_ref, w_ref, masked_ref, af_ref):
  masked = a_ref[...] * m_ref[...]
  masked_ref[...] = masked
  af_ref[...] = jnp.dot(masked, w_ref[...], preferred_element_type=_F32)


def _embed(atom_fea, mask2d, w_embt):
  n, orig = atom_fea.shape
  af_dim = w_embt.shape[1]
  r = _pick_block(n, 2000)
  grid = (n // r,)
  return pl.pallas_call(
      _embed_body,
      grid=grid,
      in_specs=[
          pl.BlockSpec((r, orig), lambda i: (i, 0)),
          pl.BlockSpec((1, orig), lambda i: (0, 0)),
          pl.BlockSpec((orig, af_dim), lambda i: (0, 0)),
      ],
      out_specs=[
          pl.BlockSpec((r, orig), lambda i: (i, 0)),
          pl.BlockSpec((r, af_dim), lambda i: (i, 0)),
      ],
      out_shape=[
          jax.ShapeDtypeStruct((n, orig), _F32),
          jax.ShapeDtypeStruct((n, af_dim), _F32),
      ],
  )(atom_fea, mask2d, w_embt)


def _edge_proj(gpk_ref, nbrp_ref, af_ref, wbd, w8, wsp, bp):
  ep = jnp.dot(gpk_ref[...], wbd, preferred_element_type=_F32)
  nq = jnp.dot(nbrp_ref[...], w8, preferred_element_type=_F32)
  parts = [nq[:, 128 * j:128 * (j + 1)] for j in range(4)]
  ep = ep + jnp.concatenate(parts, axis=0)
  sp = jnp.dot(af_ref[...], wsp, preferred_element_type=_F32)
  sp = sp + bp
  return ep, sp


def _stats_half(r, ppa, e, s):
  esum = jnp.sum(e.reshape(r, ppa, 128), axis=1)
  tot = jnp.sum(esum, axis=0) + ppa * jnp.sum(s, axis=0)
  tot2 = (jnp.sum(e * e, axis=0) + 2.0 * jnp.sum(s * esum, axis=0)
          + ppa * jnp.sum(s * s, axis=0))
  return tot, tot2


def _stats_body(m, gpk_ref, nbrp_ref, af_ref, wbdf, w8f, wspf, bpf, wbdc, w8c,
                wspc, bpc, out_ref):
  r = af_ref.shape[0]
  ppa = m // 2
  ef, sf = _edge_proj(gpk_ref, nbrp_ref, af_ref, wbdf[...], w8f[...],
                      wspf[...], bpf[...])
  ec, sc2 = _edge_proj(gpk_ref, nbrp_ref, af_ref, wbdc[...], w8c[...],
                       wspc[...], bpc[...])
  tf, tf2 = _stats_half(r, ppa, ef, sf)
  tc, tc2 = _stats_half(r, ppa, ec, sc2)

  @pl.when(pl.program_id(0) == 0)
  def _():
    out_ref[...] = jnp.zeros_like(out_ref)

  out_ref[0:1, :] += tf[None, :]
  out_ref[1:2, :] += tf2[None, :]
  out_ref[2:3, :] += tc[None, :]
  out_ref[3:4, :] += tc2[None, :]


def _main_body(m, cnt, gpk_ref, nbrp_ref, af_ref, wbdf, w8f, wspf, bpf, wbdc,
               w8c, wspc, bpc, st_ref, g1f, b1f, g1c, b1c, p_ref, pt_ref,
               sum_ref, out2_ref):
  r = af_ref.shape[0]
  pairs_per_atom = m // 2
  inv = 1.0 / cnt
  p = p_ref[...]
  pt = pt_ref[...]
  st = jnp.dot(st_ref[...], p, preferred_element_type=_F32)
  mf = st[0:1, :] * inv
  vf = st[1:2, :] * inv - mf * mf
  scf = g1f[...] * lax.rsqrt(vf + 1e-5)
  shf = b1f[...] - mf * scf
  mc = st[2:3, :] * inv
  vc = st[3:4, :] * inv - mc * mc
  scc = g1c[...] * lax.rsqrt(vc + 1e-5)
  shc = b1c[...] - mc * scc
  scf_p = jnp.dot(scf, pt, preferred_element_type=_F32)
  shf_p = jnp.dot(shf, pt, preferred_element_type=_F32)
  scc_p = jnp.dot(scc, pt, preferred_element_type=_F32)
  shc_p = jnp.dot(shc, pt, preferred_element_type=_F32)

  scf_p4 = jnp.concatenate([scf_p] * 4, axis=1)
  scc_p4 = jnp.concatenate([scc_p] * 4, axis=1)
  ef, sf = _edge_proj(gpk_ref, nbrp_ref, af_ref, wbdf[...] * scf_p,
                      w8f[...] * scf_p4, wspf[...] * scf_p,
                      bpf[...] * scf_p + shf_p)
  ec, sc2 = _edge_proj(gpk_ref, nbrp_ref, af_ref, wbdc[...] * scc_p,
                       w8c[...] * scc_p4, wspc[...] * scc_p,
                       bpc[...] * scc_p + shc_p)

  filt = jax.nn.sigmoid(ef.reshape(r, pairs_per_atom, 128) + sf[:, None, :])
  core = jax.nn.softplus(ec.reshape(r, pairs_per_atom, 128) + sc2[:, None, :])
  psum = jnp.sum(filt * core, axis=1)
  sm = jnp.dot(psum, p, preferred_element_type=_F32)
  sum_ref[...] = sm

  @pl.when(pl.program_id(0) == 0)
  def _():
    out2_ref[...] = jnp.zeros_like(out2_ref)

  out2_ref[0:1, :] += jnp.sum(sm, axis=0)[None, :]
  out2_ref[1:2, :] += jnp.sum(sm * sm, axis=0)[None, :]


def _update_body(cnt, af_ref, sm_ref, st_ref, g2, b2, out_ref):
  inv = 1.0 / cnt
  mu = st_ref[0:1, :] * inv
  var = st_ref[1:2, :] * inv - mu * mu
  s = g2[...] * lax.rsqrt(var + 1e-5)
  sh = b2[...] - mu * s
  out_ref[...] = jax.nn.softplus(af_ref[...] + sm_ref[...] * s + sh)


def _conv_layer(af, gpk, nbrp, m, r, wbdf, w8f, wspf, bpf, wbdc, w8c, wspc,
                bpc, g1f, b1f, g1c, b1c, g2, b2, p_mat, pt_mat):
  n, af_dim = af.shape
  grid = (n // r,)
  pack_r = r * m // 2
  nbr_r = nbrp.shape[0] // (n // r)

  g_spec = pl.BlockSpec((pack_r, 128), lambda i: (i, 0))
  nbr_spec = pl.BlockSpec((nbr_r, 128), lambda i: (i, 0))
  af_spec = pl.BlockSpec((r, af_dim), lambda i: (i, 0))
  wbd_spec = pl.BlockSpec((128, 128), lambda i: (0, 0))
  w8_spec = pl.BlockSpec((128, 512), lambda i: (0, 0))
  wsp_spec = pl.BlockSpec((af_dim, 128), lambda i: (0, 0))
  bp_spec = pl.BlockSpec((1, 128), lambda i: (0, 0))
  b_spec = pl.BlockSpec((1, af_dim), lambda i: (0, 0))
  stp_spec = pl.BlockSpec((8, 128), lambda i: (0, 0))
  st_spec = pl.BlockSpec((8, af_dim), lambda i: (0, 0))
  p_spec = pl.BlockSpec((128, af_dim), lambda i: (0, 0))
  pt_spec = pl.BlockSpec((af_dim, 128), lambda i: (0, 0))

  stats = pl.pallas_call(
      functools.partial(_stats_body, m),
      grid=grid,
      in_specs=[g_spec, nbr_spec, af_spec, wbd_spec, w8_spec, wsp_spec,
                bp_spec, wbd_spec, w8_spec, wsp_spec, bp_spec],
      out_specs=stp_spec,
      out_shape=jax.ShapeDtypeStruct((8, 128), _F32),
  )(gpk, nbrp, af, wbdf, w8f, wspf, bpf, wbdc, w8c, wspc, bpc)

  summed, st2 = pl.pallas_call(
      functools.partial(_main_body, m, float(n * m)),
      grid=grid,
      in_specs=[g_spec, nbr_spec, af_spec, wbd_spec, w8_spec, wsp_spec,
                bp_spec, wbd_spec, w8_spec, wsp_spec, bp_spec, stp_spec,
                b_spec, b_spec, b_spec, b_spec, p_spec, pt_spec],
      out_specs=[af_spec, st_spec],
      out_shape=[
          jax.ShapeDtypeStruct((n, af_dim), _F32),
          jax.ShapeDtypeStruct((8, af_dim), _F32),
      ],
  )(gpk, nbrp, af, wbdf, w8f, wspf, bpf, wbdc, w8c, wspc, bpc, stats,
    g1f, b1f, g1c, b1c, p_mat, pt_mat)

  r2 = _pick_block(n, 2000)
  return pl.pallas_call(
      functools.partial(_update_body, float(n)),
      grid=(n // r2,),
      in_specs=[
          pl.BlockSpec((r2, af_dim), lambda i: (i, 0)),
          pl.BlockSpec((r2, af_dim), lambda i: (i, 0)),
          st_spec,
          b_spec,
          b_spec,
      ],
      out_specs=pl.BlockSpec((r2, af_dim), lambda i: (i, 0)),
      out_shape=jax.ShapeDtypeStruct((n, af_dim), _F32),
  )(af, summed, st2, g2, b2)


def _readout_body(ncry, apc, g_ref, w1, b1, w2, b2, wo, bo, out_ref):
  g = g_ref[...].astype(_F32)
  nrm = jnp.sqrt(jnp.sum(g * g, axis=1, keepdims=True))
  g = g / jnp.maximum(nrm, 1e-12)
  pooled = jnp.mean(g.reshape(ncry, apc, g.shape[1]), axis=1)
  h = jax.nn.softplus(
      jnp.dot(pooled, w1[...], preferred_element_type=_F32) + b1[...])
  h = jax.nn.softplus(
      jnp.dot(h, w2[...], preferred_element_type=_F32) + b2[...])
  out_ref[...] = jnp.dot(h, wo[...], preferred_element_type=_F32) + bo[...]


def _block_diag2(w):
  af_dim = w.shape[0]
  z = jnp.zeros((af_dim, af_dim), _F32)
  return jnp.concatenate([
      jnp.concatenate([w, z], axis=1),
      jnp.concatenate([z, w], axis=1),
  ], axis=0)


def _w8_expand(we, nbr_dim, af_dim):
  w8 = jnp.zeros((8 * nbr_dim, 8 * af_dim), _F32)
  for j in range(4):
    for h in range(2):
      w8 = lax.dynamic_update_slice(
          w8, we, (32 * j + nbr_dim * h, 128 * j + af_dim * h))
  return w8


def _forward(atom_fea, nbr_fea, nbr_fea_idx, crystal_atom_idx, mask, w_emb,
             conv_params, fc1_w, fc1_b, fc2_w, fc2_b, out_w, out_b,
             gather_fn):
  n, orig = atom_fea.shape
  m = nbr_fea.shape[1]
  nbr_dim = nbr_fea.shape[2]
  af_dim = w_emb.shape[0]
  ncry, apc = crystal_atom_idx.shape

  r = _pick_block(n, 1000)
  blocks = n // r
  quarter = r * m // 8

  idx_flat = nbr_fea_idx.astype(jnp.int32).reshape(-1)
  cidx_flat = crystal_atom_idx.astype(jnp.int32).reshape(-1)
  nbrp = nbr_fea.reshape(blocks, 4, quarter, 2 * nbr_dim).transpose(
      0, 2, 1, 3).reshape(blocks * quarter, 8 * nbr_dim)

  masked, af = _embed(atom_fea, mask.reshape(1, orig), w_emb.T)

  eye = jnp.eye(af_dim, dtype=_F32)
  p_mat = jnp.concatenate([eye, eye], axis=0)
  pt_mat = jnp.concatenate([eye, eye], axis=1)

  for (fw, fb, g1, b1, g2, b2) in conv_params:
    wsf = fw[0:af_dim, 0:af_dim].T
    wsc = fw[af_dim:2 * af_dim, 0:af_dim].T
    wnf = fw[0:af_dim, af_dim:2 * af_dim].T
    wnc = fw[af_dim:2 * af_dim, af_dim:2 * af_dim].T
    wef = fw[0:af_dim, 2 * af_dim:].T
    wec = fw[af_dim:2 * af_dim, 2 * af_dim:].T
    wbdf = _block_diag2(wnf)
    wbdc = _block_diag2(wnc)
    w8f = _w8_expand(wef, nbr_dim, af_dim)
    w8c = _w8_expand(wec, nbr_dim, af_dim)
    wspf = jnp.concatenate([wsf, wsf], axis=1)
    wspc = jnp.concatenate([wsc, wsc], axis=1)
    bpf = jnp.tile(fb[0:af_dim].reshape(1, af_dim), (1, 2))
    bpc = jnp.tile(fb[af_dim:].reshape(1, af_dim), (1, 2))
    g1f = g1[0:af_dim].reshape(1, af_dim)
    g1c = g1[af_dim:].reshape(1, af_dim)
    b1f = b1[0:af_dim].reshape(1, af_dim)
    b1c = b1[af_dim:].reshape(1, af_dim)
    gpk = gather_fn(af, idx_flat).reshape(n * m // 2, 2 * af_dim)
    af = _conv_layer(af, gpk, nbrp, m, r, wbdf, w8f, wspf, bpf, wbdc, w8c,
                     wspc, bpc, g1f, b1f, g1c, b1c, g2.reshape(1, af_dim),
                     b2.reshape(1, af_dim), p_mat, pt_mat)

  g_cry = gather_fn(af, cidx_flat).reshape(ncry * apc, af_dim)

  wo_pad = jnp.pad(out_w.T, ((0, 0), (0, 128 - out_w.shape[0])))
  bo_pad = jnp.pad(out_b.reshape(1, -1), ((0, 0), (0, 128 - out_b.shape[0])))
  out = pl.pallas_call(
      functools.partial(_readout_body, ncry, apc),
      out_shape=jax.ShapeDtypeStruct((ncry, 128), _F32),
  )(g_cry, fc1_w.T, fc1_b.reshape(1, af_dim), fc2_w.T,
    fc2_b.reshape(1, af_dim), wo_pad, bo_pad)
  props = out[:, 0:1]
  return props, masked


def kernel(atom_fea, nbr_fea, nbr_fea_idx, crystal_atom_idx, mask, w_emb,
           conv0_fc_w, conv0_fc_b, conv0_bn1_g, conv0_bn1_b, conv0_bn2_g,
           conv0_bn2_b, conv1_fc_w, conv1_fc_b, conv1_bn1_g, conv1_bn1_b,
           conv1_bn2_g, conv1_bn2_b, conv2_fc_w, conv2_fc_b, conv2_bn1_g,
           conv2_bn1_b, conv2_bn2_g, conv2_bn2_b, fc1_w, fc1_b, fc2_w, fc2_b,
           out_w, out_b):
  conv_params = [
      (conv0_fc_w, conv0_fc_b, conv0_bn1_g, conv0_bn1_b, conv0_bn2_g,
       conv0_bn2_b),
      (conv1_fc_w, conv1_fc_b, conv1_bn1_g, conv1_bn1_b, conv1_bn2_g,
       conv1_bn2_b),
      (conv2_fc_w, conv2_fc_b, conv2_bn1_g, conv2_bn1_b, conv2_bn2_g,
       conv2_bn2_b),
  ]
  return _forward(atom_fea, nbr_fea, nbr_fea_idx, crystal_atom_idx, mask,
                  w_emb, conv_params, fc1_w, fc1_b, fc2_w, fc2_b, out_w,
                  out_b, _sc_gather)

# --- scband reference (transcript-rebuilt; emitter-appended) ---
"""Pipeline reference for scband-property-prediction-deep-13116830122573 (READ-ONLY COPY).

The authoritative reference and input builder live on the scoring server;
editing this copy changes nothing except your own understanding.
"""

import jax, jax.numpy as jnp
import numpy as np

N = 50000; M = 16; ORIG = 128; NBR = 16; AF = 64; H = 64; NCONV = 3; NCRY = 256; APC = 64


def setup_inputs(seed: int = 0):
    key = jax.random.key(seed)
    ks = jax.random.split(key, 16)
    inp = {}
    inp['atom_fea'] = jax.random.normal(ks[0], (N, ORIG), dtype=jnp.float32)
    inp['nbr_fea'] = jax.random.normal(ks[1], (N, M, NBR), dtype=jnp.float32)
    inp['nbr_fea_idx'] = jax.random.randint(ks[2], (N, M), 0, N)
    inp['crystal_atom_idx'] = jax.random.randint(ks[3], (NCRY, APC), 0, N)
    inp['mask'] = jnp.ones((ORIG,), dtype=jnp.float32)
    inp['w_emb'] = jax.random.normal(ks[4], (AF, ORIG), dtype=jnp.float32) * 0.05
    for c in range(NCONV):
        kk = jax.random.fold_in(key, 100 + c)
        inp['conv%d_fc_w' % c] = jax.random.normal(kk, (2 * AF, 2 * AF + NBR), dtype=jnp.float32) * 0.05
        inp['conv%d_fc_b' % c] = jnp.zeros((2 * AF,), dtype=jnp.float32)
        inp['conv%d_bn1_g' % c] = jnp.ones((2 * AF,), dtype=jnp.float32)
        inp['conv%d_bn1_b' % c] = jnp.zeros((2 * AF,), dtype=jnp.float32)
        inp['conv%d_bn2_g' % c] = jnp.ones((AF,), dtype=jnp.float32)
        inp['conv%d_bn2_b' % c] = jnp.zeros((AF,), dtype=jnp.float32)
    inp['fc1_w'] = jax.random.normal(ks[5], (H, H), dtype=jnp.float32) * 0.05
    inp['fc1_b'] = jnp.zeros((H,), dtype=jnp.float32)
    inp['fc2_w'] = jax.random.normal(ks[6], (H, H), dtype=jnp.float32) * 0.05
    inp['fc2_b'] = jnp.zeros((H,), dtype=jnp.float32)
    inp['out_w'] = jax.random.normal(ks[7], (1, H), dtype=jnp.float32) * 0.05
    inp['out_b'] = jnp.zeros((1,), dtype=jnp.float32)
    return inp


def _bn(x, g, b):
    m = x.mean(axis=0)
    v = x.var(axis=0)
    return (x - m) / jnp.sqrt(v + 1e-5) * g + b


def _conv(af, nbr_fea, nbr_idx, fw, fb, g1, b1, g2, b2):
    Nn, Mm = nbr_idx.shape
    atom_nbr = af[nbr_idx]
    atom_exp = jnp.broadcast_to(af[:, None, :], (Nn, Mm, af.shape[1]))
    tot = jnp.concatenate([atom_exp, atom_nbr, nbr_fea], axis=2)
    gated = tot @ fw.T + fb
    flat = _bn(gated.reshape(-1, gated.shape[-1]), g1, b1).reshape(Nn, Mm, -1)
    filt, core = jnp.split(flat, 2, axis=2)
    summed = jnp.sum(jax.nn.sigmoid(filt) * jax.nn.softplus(core), axis=1)
    summed = _bn(summed, g2, b2)
    return jax.nn.softplus(af + summed)


def reference(atom_fea, nbr_fea, nbr_fea_idx, crystal_atom_idx, mask, w_emb,
              conv0_fc_w, conv0_fc_b, conv0_bn1_g, conv0_bn1_b, conv0_bn2_g, conv0_bn2_b,
              conv1_fc_w, conv1_fc_b, conv1_bn1_g, conv1_bn1_b, conv1_bn2_g, conv1_bn2_b,
              conv2_fc_w, conv2_fc_b, conv2_bn1_g, conv2_bn1_b, conv2_bn2_g, conv2_bn2_b,
              fc1_w, fc1_b, fc2_w, fc2_b, out_w, out_b):
    masked = atom_fea * mask[None, :]
    atom_mask_feature = masked
    af = masked @ w_emb.T
    convp = [(conv0_fc_w, conv0_fc_b, conv0_bn1_g, conv0_bn1_b, conv0_bn2_g, conv0_bn2_b),
             (conv1_fc_w, conv1_fc_b, conv1_bn1_g, conv1_bn1_b, conv1_bn2_g, conv1_bn2_b),
             (conv2_fc_w, conv2_fc_b, conv2_bn1_g, conv2_bn1_b, conv2_bn2_g, conv2_bn2_b)]
    for p in convp:
        af = _conv(af, nbr_fea, nbr_fea_idx, *p)
    g = af[crystal_atom_idx]
    nrm = jnp.sqrt(jnp.sum(g * g, axis=2, keepdims=True))
    g = g / jnp.maximum(nrm, 1e-12)
    pooled = jnp.mean(g, axis=1)
    h = jax.nn.softplus(pooled @ fc1_w.T + fc1_b)
    h = jax.nn.softplus(h @ fc2_w.T + fc2_b)
    props = h @ out_w.T + out_b
    return props, atom_mask_feature

if __name__ == "__main__":
    import jax
    _d = setup_inputs()
    print(jax.jit(kernel)(*tuple(_d.values())))

</pallas_src>

<mosaic_0001>
#map = affine_map<(d0, d1) -> (0, 0)>
#map1 = affine_map<(d0, d1) -> (0, 0, 0)>
module attributes {stable_mosaic.version = 14 : i64} {
  func.func @gather(%arg0: i32, %arg1: i32, %arg2: memref<50000x64xf32, #tpu.memory_space<hbm>>, %arg3: memref<625x10x128xi32, #tpu.memory_space<hbm>>, %arg4: memref<800000x64xf32, #tpu.memory_space<hbm>>, %arg5: memref<10x128xi32, #tpu.memory_space<vmem>>, %arg6: memref<1280x64xf32, #tpu.memory_space<vmem>>, %arg7: memref<!tpu.dma_semaphore, #tpu.memory_space<semaphore_mem>>) attributes {dimension_semantics = [#tpu.dimension_semantics<core_parallel>, #tpu.dimension_semantics<subcore_parallel>], iteration_bounds = array<i64: 2, 16>, scalar_prefetch = 0 : i64, scratch_operands = 3 : i64, tpu.core_type = #tpu.core_type<sc_vector_subcore>, window_params = [{transform_indices = #map}, {transform_indices = #map1}, {transform_indices = #map}]} {
    %mul3A = arith.constant 2 : i32
    %mul3A_0 = arith.muli %arg1, %mul3A : i32
    %add3A = arith.addi %mul3A_0, %arg0 : i32
    %scan3A = arith.constant 0 : i32
    %scan3A_1 = arith.constant 0 : i32
    %scan3A_2 = arith.constant 20 : i32
    %scan3A_3 = arith.addi %scan3A_1, %scan3A_2 : i32
    %scan3A_4 = arith.constant 1 : i32
    scf.for %scan3A_6 = %scan3A_1 to %scan3A_3 step %scan3A_4  : i32 {
      %mul3A_7 = arith.constant 32 : i32
      %mul3A_8 = arith.muli %scan3A_6, %mul3A_7 : i32
      %add3A_9 = arith.addi %mul3A_8, %add3A : i32
      %lt3A = arith.constant 625 : i32
      %lt3A_10 = arith.cmpi slt, %add3A_9, %lt3A : i32
      %convert_element_type3A = arith.extui %lt3A_10 : i1 to i32
      %cond3A = arith.constant 0 : i32
      %cond3A_11 = arith.cmpi ne, %convert_element_type3A, %cond3A : i32
      scf.if %cond3A_11 {
        "tpu.region"() ({
          %run_scoped3A = tpu.sem_alloc : memref<!tpu.dma_semaphore, #tpu.memory_space<semaphore_mem>>
          %dma_start3A_212 = arith.constant 0 : i32
          %dma_start3A_213 = arith.constant 0 : i32
          %dma_start3A_214 = tpu.memref_slice %arg3[%add3A_9, %dma_start3A_212, %dma_start3A_213] : memref<625x10x128xi32, #tpu.memory_space<hbm>> -> memref<1x10x128xi32, #tpu.memory_space<hbm>>
          %dma_start3A_215 = tpu.memref_squeeze %dma_start3A_214 : memref<1x10x128xi32, #tpu.memory_space<hbm>> -> memref<10x128xi32, #tpu.memory_space<hbm>>
          %dma_start3A_216 = arith.constant 0 : i32
          %dma_start3A_217 = arith.constant 0 : i32
          %dma_start3A_218 = tpu.memref_slice %arg3[%add3A_9, %dma_start3A_216, %dma_start3A_217] : memref<625x10x128xi32, #tpu.memory_space<hbm>> -> memref<1x10x128xi32, #tpu.memory_space<hbm>>
          %dma_start3A_219 = tpu.memref_squeeze %dma_start3A_218 : memref<1x10x128xi32, #tpu.memory_space<hbm>> -> memref<10x128xi32, #tpu.memory_space<hbm>>
          tpu.enqueue_dma source(%dma_start3A_219 : memref<10x128xi32, #tpu.memory_space<hbm>>) target(%arg5 : memref<10x128xi32, #tpu.memory_space<vmem>>) target_semaphore(%run_scoped3A : memref<!tpu.dma_semaphore, #tpu.memory_space<semaphore_mem>>)
          %dma_wait3A_220 = arith.constant 0 : i32
          %dma_wait3A_221 = arith.constant 0 : i32
          %dma_wait3A_222 = tpu.memref_slice %arg3[%add3A_9, %dma_wait3A_220, %dma_wait3A_221] : memref<625x10x128xi32, #tpu.memory_space<hbm>> -> memref<1x10x128xi32, #tpu.memory_space<hbm>>
          %dma_wait3A_223 = tpu.memref_squeeze %dma_wait3A_222 : memref<1x10x128xi32, #tpu.memory_space<hbm>> -> memref<10x128xi32, #tpu.memory_space<hbm>>
          %dma_wait3A_224 = arith.constant 0 : i32
          %dma_wait3A_225 = arith.constant 0 : i32
          %dma_wait3A_226 = tpu.memref_slice %arg3[%add3A_9, %dma_wait3A_224, %dma_wait3A_225] : memref<625x10x128xi32, #tpu.memory_space<hbm>> -> memref<1x10x128xi32, #tpu.memory_space<hbm>>
          %dma_wait3A_227 = tpu.memref_squeeze %dma_wait3A_226 : memref<1x10x128xi32, #tpu.memory_space<hbm>> -> memref<10x128xi32, #tpu.memory_space<hbm>>
          tpu.wait_dma2 semaphore(%run_scoped3A : memref<!tpu.dma_semaphore, #tpu.memory_space<semaphore_mem>>) src(%dma_wait3A_227 : memref<10x128xi32, #tpu.memory_space<hbm>>) dst(%arg5 : memref<10x128xi32, #tpu.memory_space<vmem>>)
          tpu.yield
        }) : () -> ()
        %dma_start3A = arith.constant 0 : i32
        %dma_start3A_12 = arith.constant 0 : i32
        %dma_start3A_13 = arith.constant 0 : i32
        %dma_start3A_14 = tpu.memref_slice %arg6[%dma_start3A_12, %dma_start3A_13] : memref<1280x64xf32, #tpu.memory_space<vmem>> -> memref<128x64xf32, #tpu.memory_space<vmem>>
        %dma_start3A_15 = arith.constant 0 : i32
        %dma_start3A_16 = tpu.memref_slice %arg5[%dma_start3A, %dma_start3A_15] : memref<10x128xi32, #tpu.memory_space<vmem>> -> memref<1x128xi32, #tpu.memory_space<vmem>>
        %dma_start3A_17 = tpu.memref_squeeze %dma_start3A_16 : memref<1x128xi32, #tpu.memory_space<vmem>> -> memref<128xi32, #tpu.memory_space<vmem>>
        %dma_start3A_18 = arith.constant 0 : i32
        %dma_start3A_19 = arith.constant 0 : i32
        %dma_start3A_20 = tpu.memref_slice %arg2[%dma_start3A_18, %dma_start3A_19] : memref<50000x64xf32, #tpu.memory_space<hbm>> -> memref<50000x64xf32, #tpu.memory_space<hbm>>
        tpu.enqueue_indirect_dma source(%dma_start3A_20 : memref<50000x64xf32, #tpu.memory_space<hbm>>) target(%dma_start3A_14 : memref<128x64xf32, #tpu.memory_space<vmem>>) offsets(%dma_start3A_17 : memref<128xi32, #tpu.memory_space<vmem>>) semaphore(%arg7 : memref<!tpu.dma_semaphore, #tpu.memory_space<semaphore_mem>>)
        %dma_start3A_21 = arith.constant 1 : i32
        %dma_start3A_22 = arith.constant 128 : i32
        %dma_start3A_23 = arith.constant 0 : i32
        %dma_start3A_24 = tpu.memref_slice %arg6[%dma_start3A_22, %dma_start3A_23] : memref<1280x64xf32, #tpu.memory_space<vmem>> -> memref<128x64xf32, #tpu.memory_space<vmem>>
        %dma_start3A_25 = arith.constant 0 : i32
        %dma_start3A_26 = tpu.memref_slice %arg5[%dma_start3A_21, %dma_start3A_25] : memref<10x128xi32, #tpu.memory_space<vmem>> -> memref<1x128xi32, #tpu.memory_space<vmem>>
        %dma_start3A_27 = tpu.memref_squeeze %dma_start3A_26 : memref<1x128xi32, #tpu.memory_space<vmem>> -> memref<128xi32, #tpu.memory_space<vmem>>
        %dma_start3A_28 = arith.constant 0 : i32
        %dma_start3A_29 = arith.constant 0 : i32
        %dma_start3A_30 = tpu.memref_slice %arg2[%dma_start3A_28, %dma_start3A_29] : memref<50000x64xf32, #tpu.memory_space<hbm>> -> memref<50000x64xf32, #tpu.memory_space<hbm>>
        tpu.enqueue_indirect_dma source(%dma_start3A_30 : memref<50000x64xf32, #tpu.memory_space<hbm>>) target(%dma_start3A_24 : memref<128x64xf32, #tpu.memory_space<vmem>>) offsets(%dma_start3A_27 : memref<128xi32, #tpu.memory_space<vmem>>) semaphore(%arg7 : memref<!tpu.dma_semaphore, #tpu.memory_space<semaphore_mem>>)
        %dma_start3A_31 = arith.constant 2 : i32
        %dma_start3A_32 = arith.constant 256 : i32
        %dma_start3A_33 = arith.constant 0 : i32
        %dma_start3A_34 = tpu.memref_slice %arg6[%dma_start3A_32, %dma_start3A_33] : memref<1280x64xf32, #tpu.memory_space<vmem>> -> memref<128x64xf32, #tpu.memory_space<vmem>>
        %dma_start3A_35 = arith.constant 0 : i32
        %dma_start3A_36 = tpu.memref_slice %arg5[%dma_start3A_31, %dma_start3A_35] : memref<10x128xi32, #tpu.memory_space<vmem>> -> memref<1x128xi32, #tpu.memory_space<vmem>>
        %dma_start3A_37 = tpu.memref_squeeze %dma_start3A_36 : memref<1x128xi32, #tpu.memory_space<vmem>> -> memref<128xi32, #tpu.memory_space<vmem>>
        %dma_start3A_38 = arith.constant 0 : i32
        %dma_start3A_39 = arith.constant 0 : i32
        %dma_start3A_40 = tpu.memref_slice %arg2[%dma_start3A_38, %dma_start3A_39] : memref<50000x64xf32, #tpu.memory_space<hbm>> -> memref<50000x64xf32, #tpu.memory_space<hbm>>
        tpu.enqueue_indirect_dma source(%dma_start3A_40 : memref<50000x64xf32, #tpu.memory_space<hbm>>) target(%dma_start3A_34 : memref<128x64xf32, #tpu.memory_space<vmem>>) offsets(%dma_start3A_37 : memref<128xi32, #tpu.memory_space<vmem>>) semaphore(%arg7 : memref<!tpu.dma_semaphore, #tpu.memory_space<semaphore_mem>>)
        %dma_start3A_41 = arith.constant 3 : i32
        %dma_start3A_42 = arith.constant 384 : i32
        %dma_start3A_43 = arith.constant 0 : i32
        %dma_start3A_44 = tpu.memref_slice %arg6[%dma_start3A_42, %dma_start3A_43] : memref<1280x64xf32, #tpu.memory_space<vmem>> -> memref<128x64xf32, #tpu.memory_space<vmem>>
        %dma_start3A_45 = arith.constant 0 : i32
        %dma_start3A_46 = tpu.memref_slice %arg5[%dma_start3A_41, %dma_start3A_45] : memref<10x128xi32, #tpu.memory_space<vmem>> -> memref<1x128xi32, #tpu.memory_space<vmem>>
        %dma_start3A_47 = tpu.memref_squeeze %dma_start3A_46 : memref<1x128xi32, #tpu.memory_space<vmem>> -> memref<128xi32, #tpu.memory_space<vmem>>
        %dma_start3A_48 = arith.constant 0 : i32
        %dma_start3A_49 = arith.constant 0 : i32
        %dma_start3A_50 = tpu.memref_slice %arg2[%dma_start3A_48, %dma_start3A_49] : memref<50000x64xf32, #tpu.memory_space<hbm>> -> memref<50000x64xf32, #tpu.memory_space<hbm>>
        tpu.enqueue_indirect_dma source(%dma_start3A_50 : memref<50000x64xf32, #tpu.memory_space<hbm>>) target(%dma_start3A_44 : memref<128x64xf32, #tpu.memory_space<vmem>>) offsets(%dma_start3A_47 : memref<128xi32, #tpu.memory_space<vmem>>) semaphore(%arg7 : memref<!tpu.dma_semaphore, #tpu.memory_space<semaphore_mem>>)
        %dma_start3A_51 = arith.constant 4 : i32
        %dma_start3A_52 = arith.constant 512 : i32
        %dma_start3A_53 = arith.constant 0 : i32
        %dma_start3A_54 = tpu.memref_slice %arg6[%dma_start3A_52, %dma_start3A_53] : memref<1280x64xf32, #tpu.memory_space<vmem>> -> memref<128x64xf32, #tpu.memory_space<vmem>>
        %dma_start3A_55 = arith.constant 0 : i32
        %dma_start3A_56 = tpu.memref_slice %arg5[%dma_start3A_51, %dma_start3A_55] : memref<10x128xi32, #tpu.memory_space<vmem>> -> memref<1x128xi32, #tpu.memory_space<vmem>>
        %dma_start3A_57 = tpu.memref_squeeze %dma_start3A_56 : memref<1x128xi32, #tpu.memory_space<vmem>> -> memref<128xi32, #tpu.memory_space<vmem>>
        %dma_start3A_58 = arith.constant 0 : i32
        %dma_start3A_59 = arith.constant 0 : i32
        %dma_start3A_60 = tpu.memref_slice %arg2[%dma_start3A_58, %dma_start3A_59] : memref<50000x64xf32, #tpu.memory_space<hbm>> -> memref<50000x64xf32, #tpu.memory_space<hbm>>
        tpu.enqueue_indirect_dma source(%dma_start3A_60 : memref<50000x64xf32, #tpu.memory_space<hbm>>) target(%dma_start3A_54 : memref<128x64xf32, #tpu.memory_space<vmem>>) offsets(%dma_start3A_57 : memref<128xi32, #tpu.memory_space<vmem>>) semaphore(%arg7 : memref<!tpu.dma_semaphore, #tpu.memory_space<semaphore_mem>>)
        %dma_start3A_61 = arith.constant 5 : i32
        %dma_start3A_62 = arith.constant 640 : i32
        %dma_start3A_63 = arith.constant 0 : i32
        %dma_start3A_64 = tpu.memref_slice %arg6[%dma_start3A_62, %dma_start3A_63] : memref<1280x64xf32, #tpu.memory_space<vmem>> -> memref<128x64xf32, #tpu.memory_space<vmem>>
        %dma_start3A_65 = arith.constant 0 : i32
        %dma_start3A_66 = tpu.memref_slice %arg5[%dma_start3A_61, %dma_start3A_65] : memref<10x128xi32, #tpu.memory_space<vmem>> -> memref<1x128xi32, #tpu.memory_space<vmem>>
        %dma_start3A_67 = tpu.memref_squeeze %dma_start3A_66 : memref<1x128xi32, #tpu.memory_space<vmem>> -> memref<128xi32, #tpu.memory_space<vmem>>
        %dma_start3A_68 = arith.constant 0 : i32
        %dma_start3A_69 = arith.constant 0 : i32
        %dma_start3A_70 = tpu.memref_slice %arg2[%dma_start3A_68, %dma_start3A_69] : memref<50000x64xf32, #tpu.memory_space<hbm>> -> memref<50000x64xf32, #tpu.memory_space<hbm>>
        tpu.enqueue_indirect_dma source(%dma_start3A_70 : memref<50000x64xf32, #tpu.memory_space<hbm>>) target(%dma_start3A_64 : memref<128x64xf32, #tpu.memory_space<vmem>>) offsets(%dma_start3A_67 : memref<128xi32, #tpu.memory_space<vmem>>) semaphore(%arg7 : memref<!tpu.dma_semaphore, #tpu.memory_space<semaphore_mem>>)
        %dma_start3A_71 = arith.constant 6 : i32
        %dma_start3A_72 = arith.constant 768 : i32
        %dma_start3A_73 = arith.constant 0 : i32
        %dma_start3A_74 = tpu.memref_slice %arg6[%dma_start3A_72, %dma_start3A_73] : memref<1280x64xf32, #tpu.memory_space<vmem>> -> memref<128x64xf32, #tpu.memory_space<vmem>>
        %dma_start3A_75 = arith.constant 0 : i32
        %dma_start3A_76 = tpu.memref_slice %arg5[%dma_start3A_71, %dma_start3A_75] : memref<10x128xi32, #tpu.memory_space<vmem>> -> memref<1x128xi32, #tpu.memory_space<vmem>>
        %dma_start3A_77 = tpu.memref_squeeze %dma_start3A_76 : memref<1x128xi32, #tpu.memory_space<vmem>> -> memref<128xi32, #tpu.memory_space<vmem>>
        %dma_start3A_78 = arith.constant 0 : i32
        %dma_start3A_79 = arith.constant 0 : i32
        %dma_start3A_80 = tpu.memref_slice %arg2[%dma_start3A_78, %dma_start3A_79] : memref<50000x64xf32, #tpu.memory_space<hbm>> -> memref<50000x64xf32, #tpu.memory_space<hbm>>
        tpu.enqueue_indirect_dma source(%dma_start3A_80 : memref<50000x64xf32, #tpu.memory_space<hbm>>) target(%dma_start3A_74 : memref<128x64xf32, #tpu.memory_space<vmem>>) offsets(%dma_start3A_77 : memref<128xi32, #tpu.memory_space<vmem>>) semaphore(%arg7 : memref<!tpu.dma_semaphore, #tpu.memory_space<semaphore_mem>>)
        %dma_start3A_81 = arith.constant 7 : i32
        %dma_start3A_82 = arith.constant 896 : i32
        %dma_start3A_83 = arith.constant 0 : i32
        %dma_start3A_84 = tpu.memref_slice %arg6[%dma_start3A_82, %dma_start3A_83] : memref<1280x64xf32, #tpu.memory_space<vmem>> -> memref<128x64xf32, #tpu.memory_space<vmem>>
        %dma_start3A_85 = arith.constant 0 : i32
        %dma_start3A_86 = tpu.memref_slice %arg5[%dma_start3A_81, %dma_start3A_85] : memref<10x128xi32, #tpu.memory_space<vmem>> -> memref<1x128xi32, #tpu.memory_space<vmem>>
        %dma_start3A_87 = tpu.memref_squeeze %dma_start3A_86 : memref<1x128xi32, #tpu.memory_space<vmem>> -> memref<128xi32, #tpu.memory_space<vmem>>
        %dma_start3A_88 = arith.constant 0 : i32
        %dma_start3A_89 = arith.constant 0 : i32
        %dma_start3A_90 = tpu.memref_slice %arg2[%dma_start3A_88, %dma_start3A_89] : memref<50000x64xf32, #tpu.memory_space<hbm>> -> memref<50000x64xf32, #tpu.memory_space<hbm>>
        tpu.enqueue_indirect_dma source(%dma_start3A_90 : memref<50000x64xf32, #tpu.memory_space<hbm>>) target(%dma_start3A_84 : memref<128x64xf32, #tpu.memory_space<vmem>>) offsets(%dma_start3A_87 : memref<128xi32, #tpu.memory_space<vmem>>) semaphore(%arg7 : memref<!tpu.dma_semaphore, #tpu.memory_space<semaphore_mem>>)
        %dma_start3A_91 = arith.constant 8 : i32
        %dma_start3A_92 = arith.constant 1024 : i32
        %dma_start3A_93 = arith.constant 0 : i32
        %dma_start3A_94 = tpu.memref_slice %arg6[%dma_start3A_92, %dma_start3A_93] : memref<1280x64xf32, #tpu.memory_space<vmem>> -> memref<128x64xf32, #tpu.memory_space<vmem>>
        %dma_start3A_95 = arith.constant 0 : i32
        %dma_start3A_96 = tpu.memref_slice %arg5[%dma_start3A_91, %dma_start3A_95] : memref<10x128xi32, #tpu.memory_space<vmem>> -> memref<1x128xi32, #tpu.memory_space<vmem>>
        %dma_start3A_97 = tpu.memref_squeeze %dma_start3A_96 : memref<1x128xi32, #tpu.memory_space<vmem>> -> memref<128xi32, #tpu.memory_space<vmem>>
        %dma_start3A_98 = arith.constant 0 : i32
        %dma_start3A_99 = arith.constant 0 : i32
        %dma_start3A_100 = tpu.memref_slice %arg2[%dma_start3A_98, %dma_start3A_99] : memref<50000x64xf32, #tpu.memory_space<hbm>> -> memref<50000x64xf32, #tpu.memory_space<hbm>>
        tpu.enqueue_indirect_dma source(%dma_start3A_100 : memref<50000x64xf32, #tpu.memory_space<hbm>>) target(%dma_start3A_94 : memref<128x64xf32, #tpu.memory_space<vmem>>) offsets(%dma_start3A_97 : memref<128xi32, #tpu.memory_space<vmem>>) semaphore(%arg7 : memref<!tpu.dma_semaphore, #tpu.memory_space<semaphore_mem>>)
        %dma_start3A_101 = arith.constant 9 : i32
        %dma_start3A_102 = arith.constant 1152 : i32
        %dma_start3A_103 = arith.constant 0 : i32
        %dma_start3A_104 = tpu.memref_slice %arg6[%dma_start3A_102, %dma_start3A_103] : memref<1280x64xf32, #tpu.memory_space<vmem>> -> memref<128x64xf32, #tpu.memory_space<vmem>>
        %dma_start3A_105 = arith.constant 0 : i32
        %dma_start3A_106 = tpu.memref_slice %arg5[%dma_start3A_101, %dma_start3A_105] : memref<10x128xi32, #tpu.memory_space<vmem>> -> memref<1x128xi32, #tpu.memory_space<vmem>>
        %dma_start3A_107 = tpu.memref_squeeze %dma_start3A_106 : memref<1x128xi32, #tpu.memory_space<vmem>> -> memref<128xi32, #tpu.memory_space<vmem>>
        %dma_start3A_108 = arith.constant 0 : i32
        %dma_start3A_109 = arith.constant 0 : i32
        %dma_start3A_110 = tpu.memref_slice %arg2[%dma_start3A_108, %dma_start3A_109] : memref<50000x64xf32, #tpu.memory_space<hbm>> -> memref<50000x64xf32, #tpu.memory_space<hbm>>
        tpu.enqueue_indirect_dma source(%dma_start3A_110 : memref<50000x64xf32, #tpu.memory_space<hbm>>) target(%dma_start3A_104 : memref<128x64xf32, #tpu.memory_space<vmem>>) offsets(%dma_start3A_107 : memref<128xi32, #tpu.memory_space<vmem>>) semaphore(%arg7 : memref<!tpu.dma_semaphore, #tpu.memory_space<semaphore_mem>>)
        %dma_wait3A = arith.constant 0 : i32
        %dma_wait3A_111 = arith.constant 0 : i32
        %dma_wait3A_112 = arith.constant 0 : i32
        %dma_wait3A_113 = tpu.memref_slice %arg6[%dma_wait3A_111, %dma_wait3A_112] : memref<1280x64xf32, #tpu.memory_space<vmem>> -> memref<128x64xf32, #tpu.memory_space<vmem>>
        %dma_wait3A_114 = arith.constant 0 : i32
        %dma_wait3A_115 = tpu.memref_slice %arg5[%dma_wait3A, %dma_wait3A_114] : memref<10x128xi32, #tpu.memory_space<vmem>> -> memref<1x128xi32, #tpu.memory_space<vmem>>
        %dma_wait3A_116 = tpu.memref_squeeze %dma_wait3A_115 : memref<1x128xi32, #tpu.memory_space<vmem>> -> memref<128xi32, #tpu.memory_space<vmem>>
        %dma_wait3A_117 = arith.constant 0 : i32
        %dma_wait3A_118 = arith.constant 0 : i32
        %dma_wait3A_119 = tpu.memref_slice %arg2[%dma_wait3A_117, %dma_wait3A_118] : memref<50000x64xf32, #tpu.memory_space<hbm>> -> memref<50000x64xf32, #tpu.memory_space<hbm>>
        tpu.wait_indirect_dma semaphore(%arg7 : memref<!tpu.dma_semaphore, #tpu.memory_space<semaphore_mem>>) src(%dma_wait3A_119 : memref<50000x64xf32, #tpu.memory_space<hbm>>) dst(%dma_wait3A_113 : memref<128x64xf32, #tpu.memory_space<vmem>>)
        %dma_wait3A_120 = arith.constant 1 : i32
        %dma_wait3A_121 = arith.constant 128 : i32
        %dma_wait3A_122 = arith.constant 0 : i32
        %dma_wait3A_123 = tpu.memref_slice %arg6[%dma_wait3A_121, %dma_wait3A_122] : memref<1280x64xf32, #tpu.memory_space<vmem>> -> memref<128x64xf32, #tpu.memory_space<vmem>>
        %dma_wait3A_124 = arith.constant 0 : i32
        %dma_wait3A_125 = tpu.memref_slice %arg5[%dma_wait3A_120, %dma_wait3A_124] : memref<10x128xi32, #tpu.memory_space<vmem>> -> memref<1x128xi32, #tpu.memory_space<vmem>>
        %dma_wait3A_126 = tpu.memref_squeeze %dma_wait3A_125 : memref<1x128xi32, #tpu.memory_space<vmem>> -> memref<128xi32, #tpu.memory_space<vmem>>
        %dma_wait3A_127 = arith.constant 0 : i32
        %dma_wait3A_128 = arith.constant 0 : i32
        %dma_wait3A_129 = tpu.memref_slice %arg2[%dma_wait3A_127, %dma_wait3A_128] : memref<50000x64xf32, #tpu.memory_space<hbm>> -> memref<50000x64xf32, #tpu.memory_space<hbm>>
        tpu.wait_indirect_dma semaphore(%arg7 : memref<!tpu.dma_semaphore, #tpu.memory_space<semaphore_mem>>) src(%dma_wait3A_129 : memref<50000x64xf32, #tpu.memory_space<hbm>>) dst(%dma_wait3A_123 : memref<128x64xf32, #tpu.memory_space<vmem>>)
        %dma_wait3A_130 = arith.constant 2 : i32
        %dma_wait3A_131 = arith.constant 256 : i32
        %dma_wait3A_132 = arith.constant 0 : i32
        %dma_wait3A_133 = tpu.memref_slice %arg6[%dma_wait3A_131, %dma_wait3A_132] : memref<1280x64xf32, #tpu.memory_space<vmem>> -> memref<128x64xf32, #tpu.memory_space<vmem>>
        %dma_wait3A_134 = arith.constant 0 : i32
        %dma_wait3A_135 = tpu.memref_slice %arg5[%dma_wait3A_130, %dma_wait3A_134] : memref<10x128xi32, #tpu.memory_space<vmem>> -> memref<1x128xi32, #tpu.memory_space<vmem>>
        %dma_wait3A_136 = tpu.memref_squeeze %dma_wait3A_135 : memref<1x128xi32, #tpu.memory_space<vmem>> -> memref<128xi32, #tpu.memory_space<vmem>>
        %dma_wait3A_137 = arith.constant 0 : i32
        %dma_wait3A_138 = arith.constant 0 : i32
        %dma_wait3A_139 = tpu.memref_slice %arg2[%dma_wait3A_137, %dma_wait3A_138] : memref<50000x64xf32, #tpu.memory_space<hbm>> -> memref<50000x64xf32, #tpu.memory_space<hbm>>
        tpu.wait_indirect_dma semaphore(%arg7 : memref<!tpu.dma_semaphore, #tpu.memory_space<semaphore_mem>>) src(%dma_wait3A_139 : memref<50000x64xf32, #tpu.memory_space<hbm>>) dst(%dma_wait3A_133 : memref<128x64xf32, #tpu.memory_space<vmem>>)
        %dma_wait3A_140 = arith.constant 3 : i32
        %dma_wait3A_141 = arith.constant 384 : i32
        %dma_wait3A_142 = arith.constant 0 : i32
        %dma_wait3A_143 = tpu.memref_slice %arg6[%dma_wait3A_141, %dma_wait3A_142] : memref<1280x64xf32, #tpu.memory_space<vmem>> -> memref<128x64xf32, #tpu.memory_space<vmem>>
        %dma_wait3A_144 = arith.constant 0 : i32
        %dma_wait3A_145 = tpu.memref_slice %arg5[%dma_wait3A_140, %dma_wait3A_144] : memref<10x128xi32, #tpu.memory_space<vmem>> -> memref<1x128xi32, #tpu.memory_space<vmem>>
        %dma_wait3A_146 = tpu.memref_squeeze %dma_wait3A_145 : memref<1x128xi32, #tpu.memory_space<vmem>> -> memref<128xi32, #tpu.memory_space<vmem>>
        %dma_wait3A_147 = arith.constant 0 : i32
        %dma_wait3A_148 = arith.constant 0 : i32
        %dma_wait3A_149 = tpu.memref_slice %arg2[%dma_wait3A_147, %dma_wait3A_148] : memref<50000x64xf32, #tpu.memory_space<hbm>> -> memref<50000x64xf32, #tpu.memory_space<hbm>>
        tpu.wait_indirect_dma semaphore(%arg7 : memref<!tpu.dma_semaphore, #tpu.memory_space<semaphore_mem>>) src(%dma_wait3A_149 : memref<50000x64xf32, #tpu.memory_space<hbm>>) dst(%dma_wait3A_143 : memref<128x64xf32, #tpu.memory_space<vmem>>)
        %dma_wait3A_150 = arith.constant 4 : i32
        %dma_wait3A_151 = arith.constant 512 : i32
        %dma_wait3A_152 = arith.constant 0 : i32
        %dma_wait3A_153 = tpu.memref_slice %arg6[%dma_wait3A_151, %dma_wait3A_152] : memref<1280x64xf32, #tpu.memory_space<vmem>> -> memref<128x64xf32, #tpu.memory_space<vmem>>
        %dma_wait3A_154 = arith.constant 0 : i32
        %dma_wait3A_155 = tpu.memref_slice %arg5[%dma_wait3A_150, %dma_wait3A_154] : memref<10x128xi32, #tpu.memory_space<vmem>> -> memref<1x128xi32, #tpu.memory_space<vmem>>
        %dma_wait3A_156 = tpu.memref_squeeze %dma_wait3A_155 : memref<1x128xi32, #tpu.memory_space<vmem>> -> memref<128xi32, #tpu.memory_space<vmem>>
        %dma_wait3A_157 = arith.constant 0 : i32
        %dma_wait3A_158 = arith.constant 0 : i32
        %dma_wait3A_159 = tpu.memref_slice %arg2[%dma_wait3A_157, %dma_wait3A_158] : memref<50000x64xf32, #tpu.memory_space<hbm>> -> memref<50000x64xf32, #tpu.memory_space<hbm>>
        tpu.wait_indirect_dma semaphore(%arg7 : memref<!tpu.dma_semaphore, #tpu.memory_space<semaphore_mem>>) src(%dma_wait3A_159 : memref<50000x64xf32, #tpu.memory_space<hbm>>) dst(%dma_wait3A_153 : memref<128x64xf32, #tpu.memory_space<vmem>>)
        %dma_wait3A_160 = arith.constant 5 : i32
        %dma_wait3A_161 = arith.constant 640 : i32
        %dma_wait3A_162 = arith.constant 0 : i32
        %dma_wait3A_163 = tpu.memref_slice %arg6[%dma_wait3A_161, %dma_wait3A_162] : memref<1280x64xf32, #tpu.memory_space<vmem>> -> memref<128x64xf32, #tpu.memory_space<vmem>>
        %dma_wait3A_164 = arith.constant 0 : i32
        %dma_wait3A_165 = tpu.memref_slice %arg5[%dma_wait3A_160, %dma_wait3A_164] : memref<10x128xi32, #tpu.memory_space<vmem>> -> memref<1x128xi32, #tpu.memory_space<vmem>>
        %dma_wait3A_166 = tpu.memref_squeeze %dma_wait3A_165 : memref<1x128xi32, #tpu.memory_space<vmem>> -> memref<128xi32, #tpu.memory_space<vmem>>
        %dma_wait3A_167 = arith.constant 0 : i32
        %dma_wait3A_168 = arith.constant 0 : i32
        %dma_wait3A_169 = tpu.memref_slice %arg2[%dma_wait3A_167, %dma_wait3A_168] : memref<50000x64xf32, #tpu.memory_space<hbm>> -> memref<50000x64xf32, #tpu.memory_space<hbm>>
        tpu.wait_indirect_dma semaphore(%arg7 : memref<!tpu.dma_semaphore, #tpu.memory_space<semaphore_mem>>) src(%dma_wait3A_169 : memref<50000x64xf32, #tpu.memory_space<hbm>>) dst(%dma_wait3A_163 : memref<128x64xf32, #tpu.memory_space<vmem>>)
        %dma_wait3A_170 = arith.constant 6 : i32
        %dma_wait3A_171 = arith.constant 768 : i32
        %dma_wait3A_172 = arith.constant 0 : i32
        %dma_wait3A_173 = tpu.memref_slice %arg6[%dma_wait3A_171, %dma_wait3A_172] : memref<1280x64xf32, #tpu.memory_space<vmem>> -> memref<128x64xf32, #tpu.memory_space<vmem>>
        %dma_wait3A_174 = arith.constant 0 : i32
        %dma_wait3A_175 = tpu.memref_slice %arg5[%dma_wait3A_170, %dma_wait3A_174] : memref<10x128xi32, #tpu.memory_space<vmem>> -> memref<1x128xi32, #tpu.memory_space<vmem>>
        %dma_wait3A_176 = tpu.memref_squeeze %dma_wait3A_175 : memref<1x128xi32, #tpu.memory_space<vmem>> -> memref<128xi32, #tpu.memory_space<vmem>>
        %dma_wait3A_177 = arith.constant 0 : i32
        %dma_wait3A_178 = arith.constant 0 : i32
        %dma_wait3A_179 = tpu.memref_slice %arg2[%dma_wait3A_177, %dma_wait3A_178] : memref<50000x64xf32, #tpu.memory_space<hbm>> -> memref<50000x64xf32, #tpu.memory_space<hbm>>
        tpu.wait_indirect_dma semaphore(%arg7 : memref<!tpu.dma_semaphore, #tpu.memory_space<semaphore_mem>>) src(%dma_wait3A_179 : memref<50000x64xf32, #tpu.memory_space<hbm>>) dst(%dma_wait3A_173 : memref<128x64xf32, #tpu.memory_space<vmem>>)
        %dma_wait3A_180 = arith.constant 7 : i32
        %dma_wait3A_181 = arith.constant 896 : i32
        %dma_wait3A_182 = arith.constant 0 : i32
        %dma_wait3A_183 = tpu.memref_slice %arg6[%dma_wait3A_181, %dma_wait3A_182] : memref<1280x64xf32, #tpu.memory_space<vmem>> -> memref<128x64xf32, #tpu.memory_space<vmem>>
        %dma_wait3A_184 = arith.constant 0 : i32
        %dma_wait3A_185 = tpu.memref_slice %arg5[%dma_wait3A_180, %dma_wait3A_184] : memref<10x128xi32, #tpu.memory_space<vmem>> -> memref<1x128xi32, #tpu.memory_space<vmem>>
        %dma_wait3A_186 = tpu.memref_squeeze %dma_wait3A_185 : memref<1x128xi32, #tpu.memory_space<vmem>> -> memref<128xi32, #tpu.memory_space<vmem>>
        %dma_wait3A_187 = arith.constant 0 : i32
        %dma_wait3A_188 = arith.constant 0 : i32
        %dma_wait3A_189 = tpu.memref_slice %arg2[%dma_wait3A_187, %dma_wait3A_188] : memref<50000x64xf32, #tpu.memory_space<hbm>> -> memref<50000x64xf32, #tpu.memory_space<hbm>>
        tpu.wait_indirect_dma semaphore(%arg7 : memref<!tpu.dma_semaphore, #tpu.memory_space<semaphore_mem>>) src(%dma_wait3A_189 : memref<50000x64xf32, #tpu.memory_space<hbm>>) dst(%dma_wait3A_183 : memref<128x64xf32, #tpu.memory_space<vmem>>)
        %dma_wait3A_190 = arith.constant 8 : i32
        %dma_wait3A_191 = arith.constant 1024 : i32
        %dma_wait3A_192 = arith.constant 0 : i32
        %dma_wait3A_193 = tpu.memref_slice %arg6[%dma_wait3A_191, %dma_wait3A_192] : memref<1280x64xf32, #tpu.memory_space<vmem>> -> memref<128x64xf32, #tpu.memory_space<vmem>>
        %dma_wait3A_194 = arith.constant 0 : i32
        %dma_wait3A_195 = tpu.memref_slice %arg5[%dma_wait3A_190, %dma_wait3A_194] : memref<10x128xi32, #tpu.memory_space<vmem>> -> memref<1x128xi32, #tpu.memory_space<vmem>>
        %dma_wait3A_196 = tpu.memref_squeeze %dma_wait3A_195 : memref<1x128xi32, #tpu.memory_space<vmem>> -> memref<128xi32, #tpu.memory_space<vmem>>
        %dma_wait3A_197 = arith.constant 0 : i32
        %dma_wait3A_198 = arith.constant 0 : i32
        %dma_wait3A_199 = tpu.memref_slice %arg2[%dma_wait3A_197, %dma_wait3A_198] : memref<50000x64xf32, #tpu.memory_space<hbm>> -> memref<50000x64xf32, #tpu.memory_space<hbm>>
        tpu.wait_indirect_dma semaphore(%arg7 : memref<!tpu.dma_semaphore, #tpu.memory_space<semaphore_mem>>) src(%dma_wait3A_199 : memref<50000x64xf32, #tpu.memory_space<hbm>>) dst(%dma_wait3A_193 : memref<128x64xf32, #tpu.memory_space<vmem>>)
        %dma_wait3A_200 = arith.constant 9 : i32
        %dma_wait3A_201 = arith.constant 1152 : i32
        %dma_wait3A_202 = arith.constant 0 : i32
        %dma_wait3A_203 = tpu.memref_slice %arg6[%dma_wait3A_201, %dma_wait3A_202] : memref<1280x64xf32, #tpu.memory_space<vmem>> -> memref<128x64xf32, #tpu.memory_space<vmem>>
        %dma_wait3A_204 = arith.constant 0 : i32
        %dma_wait3A_205 = tpu.memref_slice %arg5[%dma_wait3A_200, %dma_wait3A_204] : memref<10x128xi32, #tpu.memory_space<vmem>> -> memref<1x128xi32, #tpu.memory_space<vmem>>
        %dma_wait3A_206 = tpu.memref_squeeze %dma_wait3A_205 : memref<1x128xi32, #tpu.memory_space<vmem>> -> memref<128xi32, #tpu.memory_space<vmem>>
        %dma_wait3A_207 = arith.constant 0 : i32
        %dma_wait3A_208 = arith.constant 0 : i32
        %dma_wait3A_209 = tpu.memref_slice %arg2[%dma_wait3A_207, %dma_wait3A_208] : memref<50000x64xf32, #tpu.memory_space<hbm>> -> memref<50000x64xf32, #tpu.memory_space<hbm>>
        tpu.wait_indirect_dma semaphore(%arg7 : memref<!tpu.dma_semaphore, #tpu.memory_space<semaphore_mem>>) src(%dma_wait3A_209 : memref<50000x64xf32, #tpu.memory_space<hbm>>) dst(%dma_wait3A_203 : memref<128x64xf32, #tpu.memory_space<vmem>>)
        %mul3A_210 = arith.constant 1280 : i32
        %mul3A_211 = arith.muli %add3A_9, %mul3A_210 : i32
        "tpu.region"() ({
          %run_scoped3A = tpu.sem_alloc : memref<!tpu.dma_semaphore, #tpu.memory_space<semaphore_mem>>
          %dma_start3A_212 = arith.constant 0 : i32
          %dma_start3A_213 = tpu.memref_slice %arg4[%mul3A_211, %dma_start3A_212] : memref<800000x64xf32, #tpu.memory_space<hbm>> -> memref<1280x64xf32, #tpu.memory_space<hbm>>
          %dma_start3A_214 = arith.constant 0 : i32
          %dma_start3A_215 = tpu.memref_slice %arg4[%mul3A_211, %dma_start3A_214] : memref<800000x64xf32, #tpu.memory_space<hbm>> -> memref<1280x64xf32, #tpu.memory_space<hbm>>
          tpu.enqueue_dma source(%arg6 : memref<1280x64xf32, #tpu.memory_space<vmem>>) target(%dma_start3A_215 : memref<1280x64xf32, #tpu.memory_space<hbm>>) target_semaphore(%run_scoped3A : memref<!tpu.dma_semaphore, #tpu.memory_space<semaphore_mem>>)
          %dma_wait3A_216 = arith.constant 0 : i32
          %dma_wait3A_217 = tpu.memref_slice %arg4[%mul3A_211, %dma_wait3A_216] : memref<800000x64xf32, #tpu.memory_space<hbm>> -> memref<1280x64xf32, #tpu.memory_space<hbm>>
          %dma_wait3A_218 = arith.constant 0 : i32
          %dma_wait3A_219 = tpu.memref_slice %arg4[%mul3A_211, %dma_wait3A_218] : memref<800000x64xf32, #tpu.memory_space<hbm>> -> memref<1280x64xf32, #tpu.memory_space<hbm>>
          tpu.wait_dma2 semaphore(%run_scoped3A : memref<!tpu.dma_semaphore, #tpu.memory_space<semaphore_mem>>) src(%arg6 : memref<1280x64xf32, #tpu.memory_space<vmem>>) dst(%dma_wait3A_219 : memref<1280x64xf32, #tpu.memory_space<hbm>>)
          tpu.yield
        }) : () -> ()
      } else {
      }
    }
    %scan3A_5 = arith.constant 20 : i32
    return
  }
}

#map = affine_map<(d0, d1) -> (0, 0)>
#map1 = affine_map<(d0, d1) -> (0, 0, 0)>
module attributes {stable_mosaic.version = 14 : i64} {
  func.func @gather(%arg0: i32, %arg1: i32, %arg2: memref<50000x64xf32, #tpu.memory_space<hbm>>, %arg3: memref<625x10x128xi32, #tpu.memory_space<hbm>>, %arg4: memref<800000x64xf32, #tpu.memory_space<hbm>>, %arg5: memref<10x128xi32, #tpu.memory_space<vmem>>, %arg6: memref<1280x64xf32, #tpu.memory_space<vmem>>, %arg7: memref<!tpu.dma_semaphore, #tpu.memory_space<semaphore_mem>>) attributes {dimension_semantics = [#tpu.dimension_semantics<core_parallel>, #tpu.dimension_semantics<subcore_parallel>], iteration_bounds = array<i64: 2, 16>, scalar_prefetch = 0 : i64, scratch_operands = 3 : i64, tpu.core_type = #tpu.core_type<sc_vector_subcore>, window_params = [{transform_indices = #map}, {transform_indices = #map1}, {transform_indices = #map}]} {
    %mul3A = arith.constant 2 : i32
    %mul3A_0 = arith.muli %arg1, %mul3A : i32
    %add3A = arith.addi %mul3A_0, %arg0 : i32
    %scan3A = arith.constant 0 : i32
    %scan3A_1 = arith.constant 0 : i32
    %scan3A_2 = arith.constant 20 : i32
    %scan3A_3 = arith.addi %scan3A_1, %scan3A_2 : i32
    %scan3A_4 = arith.constant 1 : i32
    scf.for %scan3A_6 = %scan3A_1 to %scan3A_3 step %scan3A_4  : i32 {
      %mul3A_7 = arith.constant 32 : i32
      %mul3A_8 = arith.muli %scan3A_6, %mul3A_7 : i32
      %add3A_9 = arith.addi %mul3A_8, %add3A : i32
      %lt3A = arith.constant 625 : i32
      %lt3A_10 = arith.cmpi slt, %add3A_9, %lt3A : i32
      %convert_element_type3A = arith.extui %lt3A_10 : i1 to i32
      %cond3A = arith.constant 0 : i32
      %cond3A_11 = arith.cmpi ne, %convert_element_type3A, %cond3A : i32
      scf.if %cond3A_11 {
        "tpu.region"() ({
          %run_scoped3A = tpu.sem_alloc : memref<!tpu.dma_semaphore, #tpu.memory_space<semaphore_mem>>
          %dma_start3A_212 = arith.constant 0 : i32
          %dma_start3A_213 = arith.constant 0 : i32
          %dma_start3A_214 = tpu.memref_slice %arg3[%add3A_9, %dma_start3A_212, %dma_start3A_213] : memref<625x10x128xi32, #tpu.memory_space<hbm>> -> memref<1x10x128xi32, #tpu.memory_space<hbm>>
          %dma_start3A_215 = tpu.memref_squeeze %dma_start3A_214 : memref<1x10x128xi32, #tpu.memory_space<hbm>> -> memref<10x128xi32, #tpu.memory_space<hbm>>
          %dma_start3A_216 = arith.constant 0 : i32
          %dma_start3A_217 = arith.constant 0 : i32
          %dma_start3A_218 = tpu.memref_slice %arg3[%add3A_9, %dma_start3A_216, %dma_start3A_217] : memref<625x10x128xi32, #tpu.memory_space<hbm>> -> memref<1x10x128xi32, #tpu.memory_space<hbm>>
          %dma_start3A_219 = tpu.memref_squeeze %dma_start3A_218 : memref<1x10x128xi32, #tpu.memory_space<hbm>> -> memref<10x128xi32, #tpu.memory_space<hbm>>
          tpu.enqueue_dma source(%dma_start3A_219 : memref<10x128xi32, #tpu.memory_space<hbm>>) target(%arg5 : memref<10x128xi32, #tpu.memory_space<vmem>>) target_semaphore(%run_scoped3A : memref<!tpu.dma_semaphore, #tpu.memory_space<semaphore_mem>>)
          %dma_wait3A_220 = arith.constant 0 : i32
          %dma_wait3A_221 = arith.constant 0 : i32
          %dma_wait3A_222 = tpu.memref_slice %arg3[%add3A_9, %dma_wait3A_220, %dma_wait3A_221] : memref<625x10x128xi32, #tpu.memory_space<hbm>> -> memref<1x10x128xi32, #tpu.memory_space<hbm>>
          %dma_wait3A_223 = tpu.memref_squeeze %dma_wait3A_222 : memref<1x10x128xi32, #tpu.memory_space<hbm>> -> memref<10x128xi32, #tpu.memory_space<hbm>>
          %dma_wait3A_224 = arith.constant 0 : i32
          %dma_wait3A_225 = arith.constant 0 : i32
          %dma_wait3A_226 = tpu.memref_slice %arg3[%add3A_9, %dma_wait3A_224, %dma_wait3A_225] : memref<625x10x128xi32, #tpu.memory_space<hbm>> -> memref<1x10x128xi32, #tpu.memory_space<hbm>>
          %dma_wait3A_227 = tpu.memref_squeeze %dma_wait3A_226 : memref<1x10x128xi32, #tpu.memory_space<hbm>> -> memref<10x128xi32, #tpu.memory_space<hbm>>
          tpu.wait_dma2 semaphore(%run_scoped3A : memref<!tpu.dma_semaphore, #tpu.memory_space<semaphore_mem>>) src(%dma_wait3A_227 : memref<10x128xi32, #tpu.memory_space<hbm>>) dst(%arg5 : memref<10x128xi32, #tpu.memory_space<vmem>>)
          tpu.yield
        }) : () -> ()
        %dma_start3A = arith.constant 0 : i32
        %dma_start3A_12 = arith.constant 0 : i32
        %dma_start3A_13 = arith.constant 0 : i32
        %dma_start3A_14 = tpu.memref_slice %arg6[%dma_start3A_12, %dma_start3A_13] : memref<1280x64xf32, #tpu.memory_space<vmem>> -> memref<128x64xf32, #tpu.memory_space<vmem>>
        %dma_start3A_15 = arith.constant 0 : i32
        %dma_start3A_16 = tpu.memref_slice %arg5[%dma_start3A, %dma_start3A_15] : memref<10x128xi32, #tpu.memory_space<vmem>> -> memref<1x128xi32, #tpu.memory_space<vmem>>
        %dma_start3A_17 = tpu.memref_squeeze %dma_start3A_16 : memref<1x128xi32, #tpu.memory_space<vmem>> -> memref<128xi32, #tpu.memory_space<vmem>>
        %dma_start3A_18 = arith.constant 0 : i32
        %dma_start3A_19 = arith.constant 0 : i32
        %dma_start3A_20 = tpu.memref_slice %arg2[%dma_start3A_18, %dma_start3A_19] : memref<50000x64xf32, #tpu.memory_space<hbm>> -> memref<50000x64xf32, #tpu.memory_space<hbm>>
        tpu.enqueue_indirect_dma source(%dma_start3A_20 : memref<50000x64xf32, #tpu.memory_space<hbm>>) target(%dma_start3A_14 : memref<128x64xf32, #tpu.memory_space<vmem>>) offsets(%dma_start3A_17 : memref<128xi32, #tpu.memory_space<vmem>>) semaphore(%arg7 : memref<!tpu.dma_semaphore, #tpu.memory_space<semaphore_mem>>)
        %dma_start3A_21 = arith.constant 1 : i32
        %dma_start3A_22 = arith.constant 128 : i32
        %dma_start3A_23 = arith.constant 0 : i32
        %dma_start3A_24 = tpu.memref_slice %arg6[%dma_start3A_22, %dma_start3A_23] : memref<1280x64xf32, #tpu.memory_space<vmem>> -> memref<128x64xf32, #tpu.memory_space<vmem>>
        %dma_start3A_25 = arith.constant 0 : i32
        %dma_start3A_26 = tpu.memref_slice %arg5[%dma_start3A_21, %dma_start3A_25] : memref<10x128xi32, #tpu.memory_space<vmem>> -> memref<1x128xi32, #tpu.memory_space<vmem>>
        %dma_start3A_27 = tpu.memref_squeeze %dma_start3A_26 : memref<1x128xi32, #tpu.memory_space<vmem>> -> memref<128xi32, #tpu.memory_space<vmem>>
        %dma_start3A_28 = arith.constant 0 : i32
        %dma_start3A_29 = arith.constant 0 : i32
        %dma_start3A_30 = tpu.memref_slice %arg2[%dma_start3A_28, %dma_start3A_29] : memref<50000x64xf32, #tpu.memory_space<hbm>> -> memref<50000x64xf32, #tpu.memory_space<hbm>>
        tpu.enqueue_indirect_dma source(%dma_start3A_30 : memref<50000x64xf32, #tpu.memory_space<hbm>>) target(%dma_start3A_24 : memref<128x64xf32, #tpu.memory_space<vmem>>) offsets(%dma_start3A_27 : memref<128xi32, #tpu.memory_space<vmem>>) semaphore(%arg7 : memref<!tpu.dma_semaphore, #tpu.memory_space<semaphore_mem>>)
        %dma_start3A_31 = arith.constant 2 : i32
        %dma_start3A_32 = arith.constant 256 : i32
        %dma_start3A_33 = arith.constant 0 : i32
        %dma_start3A_34 = tpu.memref_slice %arg6[%dma_start3A_32, %dma_start3A_33] : memref<1280x64xf32, #tpu.memory_space<vmem>> -> memref<128x64xf32, #tpu.memory_space<vmem>>
        %dma_start3A_35 = arith.constant 0 : i32
        %dma_start3A_36 = tpu.memref_slice %arg5[%dma_start3A_31, %dma_start3A_35] : memref<10x128xi32, #tpu.memory_space<vmem>> -> memref<1x128xi32, #tpu.memory_space<vmem>>
        %dma_start3A_37 = tpu.memref_squeeze %dma_start3A_36 : memref<1x128xi32, #tpu.memory_space<vmem>> -> memref<128xi32, #tpu.memory_space<vmem>>
        %dma_start3A_38 = arith.constant 0 : i32
        %dma_start3A_39 = arith.constant 0 : i32
        %dma_start3A_40 = tpu.memref_slice %arg2[%dma_start3A_38, %dma_start3A_39] : memref<50000x64xf32, #tpu.memory_space<hbm>> -> memref<50000x64xf32, #tpu.memory_space<hbm>>
        tpu.enqueue_indirect_dma source(%dma_start3A_40 : memref<50000x64xf32, #tpu.memory_space<hbm>>) target(%dma_start3A_34 : memref<128x64xf32, #tpu.memory_space<vmem>>) offsets(%dma_start3A_37 : memref<128xi32, #tpu.memory_space<vmem>>) semaphore(%arg7 : memref<!tpu.dma_semaphore, #tpu.memory_space<semaphore_mem>>)
        %dma_start3A_41 = arith.constant 3 : i32
        %dma_start3A_42 = arith.constant 384 : i32
        %dma_start3A_43 = arith.constant 0 : i32
        %dma_start3A_44 = tpu.memref_slice %arg6[%dma_start3A_42, %dma_start3A_43] : memref<1280x64xf32, #tpu.memory_space<vmem>> -> memref<128x64xf32, #tpu.memory_space<vmem>>
        %dma_start3A_45 = arith.constant 0 : i32
        %dma_start3A_46 = tpu.memref_slice %arg5[%dma_start3A_41, %dma_start3A_45] : memref<10x128xi32, #tpu.memory_space<vmem>> -> memref<1x128xi32, #tpu.memory_space<vmem>>
        %dma_start3A_47 = tpu.memref_squeeze %dma_start3A_46 : memref<1x128xi32, #tpu.memory_space<vmem>> -> memref<128xi32, #tpu.memory_space<vmem>>
        %dma_start3A_48 = arith.constant 0 : i32
        %dma_start3A_49 = arith.constant 0 : i32
        %dma_start3A_50 = tpu.memref_slice %arg2[%dma_start3A_48, %dma_start3A_49] : memref<50000x64xf32, #tpu.memory_space<hbm>> -> memref<50000x64xf32, #tpu.memory_space<hbm>>
        tpu.enqueue_indirect_dma source(%dma_start3A_50 : memref<50000x64xf32, #tpu.memory_space<hbm>>) target(%dma_start3A_44 : memref<128x64xf32, #tpu.memory_space<vmem>>) offsets(%dma_start3A_47 : memref<128xi32, #tpu.memory_space<vmem>>) semaphore(%arg7 : memref<!tpu.dma_semaphore, #tpu.memory_space<semaphore_mem>>)
        %dma_start3A_51 = arith.constant 4 : i32
        %dma_start3A_52 = arith.constant 512 : i32
        %dma_start3A_53 = arith.constant 0 : i32
        %dma_start3A_54 = tpu.memref_slice %arg6[%dma_start3A_52, %dma_start3A_53] : memref<1280x64xf32, #tpu.memory_space<vmem>> -> memref<128x64xf32, #tpu.memory_space<vmem>>
        %dma_start3A_55 = arith.constant 0 : i32
        %dma_start3A_56 = tpu.memref_slice %arg5[%dma_start3A_51, %dma_start3A_55] : memref<10x128xi32, #tpu.memory_space<vmem>> -> memref<1x128xi32, #tpu.memory_space<vmem>>
        %dma_start3A_57 = tpu.memref_squeeze %dma_start3A_56 : memref<1x128xi32, #tpu.memory_space<vmem>> -> memref<128xi32, #tpu.memory_space<vmem>>
        %dma_start3A_58 = arith.constant 0 : i32
        %dma_start3A_59 = arith.constant 0 : i32
        %dma_start3A_60 = tpu.memref_slice %arg2[%dma_start3A_58, %dma_start3A_59] : memref<50000x64xf32, #tpu.memory_space<hbm>> -> memref<50000x64xf32, #tpu.memory_space<hbm>>
        tpu.enqueue_indirect_dma source(%dma_start3A_60 : memref<50000x64xf32, #tpu.memory_space<hbm>>) target(%dma_start3A_54 : memref<128x64xf32, #tpu.memory_space<vmem>>) offsets(%dma_start3A_57 : memref<128xi32, #tpu.memory_space<vmem>>) semaphore(%arg7 : memref<!tpu.dma_semaphore, #tpu.memory_space<semaphore_mem>>)
        %dma_start3A_61 = arith.constant 5 : i32
        %dma_start3A_62 = arith.constant 640 : i32
        %dma_start3A_63 = arith.constant 0 : i32
        %dma_start3A_64 = tpu.memref_slice %arg6[%dma_start3A_62, %dma_start3A_63] : memref<1280x64xf32, #tpu.memory_space<vmem>> -> memref<128x64xf32, #tpu.memory_space<vmem>>
        %dma_start3A_65 = arith.constant 0 : i32
        %dma_start3A_66 = tpu.memref_slice %arg5[%dma_start3A_61, %dma_start3A_65] : memref<10x128xi32, #tpu.memory_space<vmem>> -> memref<1x128xi32, #tpu.memory_space<vmem>>
        %dma_start3A_67 = tpu.memref_squeeze %dma_start3A_66 : memref<1x128xi32, #tpu.memory_space<vmem>> -> memref<128xi32, #tpu.memory_space<vmem>>
        %dma_start3A_68 = arith.constant 0 : i32
        %dma_start3A_69 = arith.constant 0 : i32
        %dma_start3A_70 = tpu.memref_slice %arg2[%dma_start3A_68, %dma_start3A_69] : memref<50000x64xf32, #tpu.memory_space<hbm>> -> memref<50000x64xf32, #tpu.memory_space<hbm>>
        tpu.enqueue_indirect_dma source(%dma_start3A_70 : memref<50000x64xf32, #tpu.memory_space<hbm>>) target(%dma_start3A_64 : memref<128x64xf32, #tpu.memory_space<vmem>>) offsets(%dma_start3A_67 : memref<128xi32, #tpu.memory_space<vmem>>) semaphore(%arg7 : memref<!tpu.dma_semaphore, #tpu.memory_space<semaphore_mem>>)
        %dma_start3A_71 = arith.constant 6 : i32
        %dma_start3A_72 = arith.constant 768 : i32
        %dma_start3A_73 = arith.constant 0 : i32
        %dma_start3A_74 = tpu.memref_slice %arg6[%dma_start3A_72, %dma_start3A_73] : memref<1280x64xf32, #tpu.memory_space<vmem>> -> memref<128x64xf32, #tpu.memory_space<vmem>>
        %dma_start3A_75 = arith.constant 0 : i32
        %dma_start3A_76 = tpu.memref_slice %arg5[%dma_start3A_71, %dma_start3A_75] : memref<10x128xi32, #tpu.memory_space<vmem>> -> memref<1x128xi32, #tpu.memory_space<vmem>>
        %dma_start3A_77 = tpu.memref_squeeze %dma_start3A_76 : memref<1x128xi32, #tpu.memory_space<vmem>> -> memref<128xi32, #tpu.memory_space<vmem>>
        %dma_start3A_78 = arith.constant 0 : i32
        %dma_start3A_79 = arith.constant 0 : i32
        %dma_start3A_80 = tpu.memref_slice %arg2[%dma_start3A_78, %dma_start3A_79] : memref<50000x64xf32, #tpu.memory_space<hbm>> -> memref<50000x64xf32, #tpu.memory_space<hbm>>
        tpu.enqueue_indirect_dma source(%dma_start3A_80 : memref<50000x64xf32, #tpu.memory_space<hbm>>) target(%dma_start3A_74 : memref<128x64xf32, #tpu.memory_space<vmem>>) offsets(%dma_start3A_77 : memref<128xi32, #tpu.memory_space<vmem>>) semaphore(%arg7 : memref<!tpu.dma_semaphore, #tpu.memory_space<semaphore_mem>>)
        %dma_start3A_81 = arith.constant 7 : i32
        %dma_start3A_82 = arith.constant 896 : i32
        %dma_start3A_83 = arith.constant 0 : i32
        %dma_start3A_84 = tpu.memref_slice %arg6[%dma_start3A_82, %dma_start3A_83] : memref<1280x64xf32, #tpu.memory_space<vmem>> -> memref<128x64xf32, #tpu.memory_space<vmem>>
        %dma_start3A_85 = arith.constant 0 : i32
        %dma_start3A_86 = tpu.memref_slice %arg5[%dma_start3A_81, %dma_start3A_85] : memref<10x128xi32, #tpu.memory_space<vmem>> -> memref<1x128xi32, #tpu.memory_space<vmem>>
        %dma_start3A_87 = tpu.memref_squeeze %dma_start3A_86 : memref<1x128xi32, #tpu.memory_space<vmem>> -> memref<128xi32, #tpu.memory_space<vmem>>
        %dma_start3A_88 = arith.constant 0 : i32
        %dma_start3A_89 = arith.constant 0 : i32
        %dma_start3A_90 = tpu.memref_slice %arg2[%dma_start3A_88, %dma_start3A_89] : memref<50000x64xf32, #tpu.memory_space<hbm>> -> memref<50000x64xf32, #tpu.memory_space<hbm>>
        tpu.enqueue_indirect_dma source(%dma_start3A_90 : memref<50000x64xf32, #tpu.memory_space<hbm>>) target(%dma_start3A_84 : memref<128x64xf32, #tpu.memory_space<vmem>>) offsets(%dma_start3A_87 : memref<128xi32, #tpu.memory_space<vmem>>) semaphore(%arg7 : memref<!tpu.dma_semaphore, #tpu.memory_space<semaphore_mem>>)
        %dma_start3A_91 = arith.constant 8 : i32
        %dma_start3A_92 = arith.constant 1024 : i32
        %dma_start3A_93 = arith.constant 0 : i32
        %dma_start3A_94 = tpu.memref_slice %arg6[%dma_start3A_92, %dma_start3A_93] : memref<1280x64xf32, #tpu.memory_space<vmem>> -> memref<128x64xf32, #tpu.memory_space<vmem>>
        %dma_start3A_95 = arith.constant 0 : i32
        %dma_start3A_96 = tpu.memref_slice %arg5[%dma_start3A_91, %dma_start3A_95] : memref<10x128xi32, #tpu.memory_space<vmem>> -> memref<1x128xi32, #tpu.memory_space<vmem>>
        %dma_start3A_97 = tpu.memref_squeeze %dma_start3A_96 : memref<1x128xi32, #tpu.memory_space<vmem>> -> memref<128xi32, #tpu.memory_space<vmem>>
        %dma_start3A_98 = arith.constant 0 : i32
        %dma_start3A_99 = arith.constant 0 : i32
        %dma_start3A_100 = tpu.memref_slice %arg2[%dma_start3A_98, %dma_start3A_99] : memref<50000x64xf32, #tpu.memory_space<hbm>> -> memref<50000x64xf32, #tpu.memory_space<hbm>>
        tpu.enqueue_indirect_dma source(%dma_start3A_100 : memref<50000x64xf32, #tpu.memory_space<hbm>>) target(%dma_start3A_94 : memref<128x64xf32, #tpu.memory_space<vmem>>) offsets(%dma_start3A_97 : memref<128xi32, #tpu.memory_space<vmem>>) semaphore(%arg7 : memref<!tpu.dma_semaphore, #tpu.memory_space<semaphore_mem>>)
        %dma_start3A_101 = arith.constant 9 : i32
        %dma_start3A_102 = arith.constant 1152 : i32
        %dma_start3A_103 = arith.constant 0 : i32
        %dma_start3A_104 = tpu.memref_slice %arg6[%dma_start3A_102, %dma_start3A_103] : memref<1280x64xf32, #tpu.memory_space<vmem>> -> memref<128x64xf32, #tpu.memory_space<vmem>>
        %dma_start3A_105 = arith.constant 0 : i32
        %dma_start3A_106 = tpu.memref_slice %arg5[%dma_start3A_101, %dma_start3A_105] : memref<10x128xi32, #tpu.memory_space<vmem>> -> memref<1x128xi32, #tpu.memory_space<vmem>>
        %dma_start3A_107 = tpu.memref_squeeze %dma_start3A_106 : memref<1x128xi32, #tpu.memory_space<vmem>> -> memref<128xi32, #tpu.memory_space<vmem>>
        %dma_start3A_108 = arith.constant 0 : i32
        %dma_start3A_109 = arith.constant 0 : i32
        %dma_start3A_110 = tpu.memref_slice %arg2[%dma_start3A_108, %dma_start3A_109] : memref<50000x64xf32, #tpu.memory_space<hbm>> -> memref<50000x64xf32, #tpu.memory_space<hbm>>
        tpu.enqueue_indirect_dma source(%dma_start3A_110 : memref<50000x64xf32, #tpu.memory_space<hbm>>) target(%dma_start3A_104 : memref<128x64xf32, #tpu.memory_space<vmem>>) offsets(%dma_start3A_107 : memref<128xi32, #tpu.memory_space<vmem>>) semaphore(%arg7 : memref<!tpu.dma_semaphore, #tpu.memory_space<semaphore_mem>>)
        %dma_wait3A = arith.constant 0 : i32
        %dma_wait3A_111 = arith.constant 0 : i32
        %dma_wait3A_112 = arith.constant 0 : i32
        %dma_wait3A_113 = tpu.memref_slice %arg6[%dma_wait3A_111, %dma_wait3A_112] : memref<1280x64xf32, #tpu.memory_space<vmem>> -> memref<128x64xf32, #tpu.memory_space<vmem>>
        %dma_wait3A_114 = arith.constant 0 : i32
        %dma_wait3A_115 = tpu.memref_slice %arg5[%dma_wait3A, %dma_wait3A_114] : memref<10x128xi32, #tpu.memory_space<vmem>> -> memref<1x128xi32, #tpu.memory_space<vmem>>
        %dma_wait3A_116 = tpu.memref_squeeze %dma_wait3A_115 : memref<1x128xi32, #tpu.memory_space<vmem>> -> memref<128xi32, #tpu.memory_space<vmem>>
        %dma_wait3A_117 = arith.constant 0 : i32
        %dma_wait3A_118 = arith.constant 0 : i32
        %dma_wait3A_119 = tpu.memref_slice %arg2[%dma_wait3A_117, %dma_wait3A_118] : memref<50000x64xf32, #tpu.memory_space<hbm>> -> memref<50000x64xf32, #tpu.memory_space<hbm>>
        tpu.wait_indirect_dma semaphore(%arg7 : memref<!tpu.dma_semaphore, #tpu.memory_space<semaphore_mem>>) src(%dma_wait3A_119 : memref<50000x64xf32, #tpu.memory_space<hbm>>) dst(%dma_wait3A_113 : memref<128x64xf32, #tpu.memory_space<vmem>>)
        %dma_wait3A_120 = arith.constant 1 : i32
        %dma_wait3A_121 = arith.constant 128 : i32
        %dma_wait3A_122 = arith.constant 0 : i32
        %dma_wait3A_123 = tpu.memref_slice %arg6[%dma_wait3A_121, %dma_wait3A_122] : memref<1280x64xf32, #tpu.memory_space<vmem>> -> memref<128x64xf32, #tpu.memory_space<vmem>>
        %dma_wait3A_124 = arith.constant 0 : i32
        %dma_wait3A_125 = tpu.memref_slice %arg5[%dma_wait3A_120, %dma_wait3A_124] : memref<10x128xi32, #tpu.memory_space<vmem>> -> memref<1x128xi32, #tpu.memory_space<vmem>>
        %dma_wait3A_126 = tpu.memref_squeeze %dma_wait3A_125 : memref<1x128xi32, #tpu.memory_space<vmem>> -> memref<128xi32, #tpu.memory_space<vmem>>
        %dma_wait3A_127 = arith.constant 0 : i32
        %dma_wait3A_128 = arith.constant 0 : i32
        %dma_wait3A_129 = tpu.memref_slice %arg2[%dma_wait3A_127, %dma_wait3A_128] : memref<50000x64xf32, #tpu.memory_space<hbm>> -> memref<50000x64xf32, #tpu.memory_space<hbm>>
        tpu.wait_indirect_dma semaphore(%arg7 : memref<!tpu.dma_semaphore, #tpu.memory_space<semaphore_mem>>) src(%dma_wait3A_129 : memref<50000x64xf32, #tpu.memory_space<hbm>>) dst(%dma_wait3A_123 : memref<128x64xf32, #tpu.memory_space<vmem>>)
        %dma_wait3A_130 = arith.constant 2 : i32
        %dma_wait3A_131 = arith.constant 256 : i32
        %dma_wait3A_132 = arith.constant 0 : i32
        %dma_wait3A_133 = tpu.memref_slice %arg6[%dma_wait3A_131, %dma_wait3A_132] : memref<1280x64xf32, #tpu.memory_space<vmem>> -> memref<128x64xf32, #tpu.memory_space<vmem>>
        %dma_wait3A_134 = arith.constant 0 : i32
        %dma_wait3A_135 = tpu.memref_slice %arg5[%dma_wait3A_130, %dma_wait3A_134] : memref<10x128xi32, #tpu.memory_space<vmem>> -> memref<1x128xi32, #tpu.memory_space<vmem>>
        %dma_wait3A_136 = tpu.memref_squeeze %dma_wait3A_135 : memref<1x128xi32, #tpu.memory_space<vmem>> -> memref<128xi32, #tpu.memory_space<vmem>>
        %dma_wait3A_137 = arith.constant 0 : i32
        %dma_wait3A_138 = arith.constant 0 : i32
        %dma_wait3A_139 = tpu.memref_slice %arg2[%dma_wait3A_137, %dma_wait3A_138] : memref<50000x64xf32, #tpu.memory_space<hbm>> -> memref<50000x64xf32, #tpu.memory_space<hbm>>
        tpu.wait_indirect_dma semaphore(%arg7 : memref<!tpu.dma_semaphore, #tpu.memory_space<semaphore_mem>>) src(%dma_wait3A_139 : memref<50000x64xf32, #tpu.memory_space<hbm>>) dst(%dma_wait3A_133 : memref<128x64xf32, #tpu.memory_space<vmem>>)
        %dma_wait3A_140 = arith.constant 3 : i32
        %dma_wait3A_141 = arith.constant 384 : i32
        %dma_wait3A_142 = arith.constant 0 : i32
        %dma_wait3A_143 = tpu.memref_slice %arg6[%dma_wait3A_141, %dma_wait3A_142] : memref<1280x64xf32, #tpu.memory_space<vmem>> -> memref<128x64xf32, #tpu.memory_space<vmem>>
        %dma_wait3A_144 = arith.constant 0 : i32
        %dma_wait3A_145 = tpu.memref_slice %arg5[%dma_wait3A_140, %dma_wait3A_144] : memref<10x128xi32, #tpu.memory_space<vmem>> -> memref<1x128xi32, #tpu.memory_space<vmem>>
        %dma_wait3A_146 = tpu.memref_squeeze %dma_wait3A_145 : memref<1x128xi32, #tpu.memory_space<vmem>> -> memref<128xi32, #tpu.memory_space<vmem>>
        %dma_wait3A_147 = arith.constant 0 : i32
        %dma_wait3A_148 = arith.constant 0 : i32
        %dma_wait3A_149 = tpu.memref_slice %arg2[%dma_wait3A_147, %dma_wait3A_148] : memref<50000x64xf32, #tpu.memory_space<hbm>> -> memref<50000x64xf32, #tpu.memory_space<hbm>>
        tpu.wait_indirect_dma semaphore(%arg7 : memref<!tpu.dma_semaphore, #tpu.memory_space<semaphore_mem>>) src(%dma_wait3A_149 : memref<50000x64xf32, #tpu.memory_space<hbm>>) dst(%dma_wait3A_143 : memref<128x64xf32, #tpu.memory_space<vmem>>)
        %dma_wait3A_150 = arith.constant 4 : i32
        %dma_wait3A_151 = arith.constant 512 : i32
        %dma_wait3A_152 = arith.constant 0 : i32
        %dma_wait3A_153 = tpu.memref_slice %arg6[%dma_wait3A_151, %dma_wait3A_152] : memref<1280x64xf32, #tpu.memory_space<vmem>> -> memref<128x64xf32, #tpu.memory_space<vmem>>
        %dma_wait3A_154 = arith.constant 0 : i32
        %dma_wait3A_155 = tpu.memref_slice %arg5[%dma_wait3A_150, %dma_wait3A_154] : memref<10x128xi32, #tpu.memory_space<vmem>> -> memref<1x128xi32, #tpu.memory_space<vmem>>
        %dma_wait3A_156 = tpu.memref_squeeze %dma_wait3A_155 : memref<1x128xi32, #tpu.memory_space<vmem>> -> memref<128xi32, #tpu.memory_space<vmem>>
        %dma_wait3A_157 = arith.constant 0 : i32
        %dma_wait3A_158 = arith.constant 0 : i32
        %dma_wait3A_159 = tpu.memref_slice %arg2[%dma_wait3A_157, %dma_wait3A_158] : memref<50000x64xf32, #tpu.memory_space<hbm>> -> memref<50000x64xf32, #tpu.memory_space<hbm>>
        tpu.wait_indirect_dma semaphore(%arg7 : memref<!tpu.dma_semaphore, #tpu.memory_space<semaphore_mem>>) src(%dma_wait3A_159 : memref<50000x64xf32, #tpu.memory_space<hbm>>) dst(%dma_wait3A_153 : memref<128x64xf32, #tpu.memory_space<vmem>>)
        %dma_wait3A_160 = arith.constant 5 : i32
        %dma_wait3A_161 = arith.constant 640 : i32
        %dma_wait3A_162 = arith.constant 0 : i32
        %dma_wait3A_163 = tpu.memref_slice %arg6[%dma_wait3A_161, %dma_wait3A_162] : memref<1280x64xf32, #tpu.memory_space<vmem>> -> memref<128x64xf32, #tpu.memory_space<vmem>>
        %dma_wait3A_164 = arith.constant 0 : i32
        %dma_wait3A_165 = tpu.memref_slice %arg5[%dma_wait3A_160, %dma_wait3A_164] : memref<10x128xi32, #tpu.memory_space<vmem>> -> memref<1x128xi32, #tpu.memory_space<vmem>>
        %dma_wait3A_166 = tpu.memref_squeeze %dma_wait3A_165 : memref<1x128xi32, #tpu.memory_space<vmem>> -> memref<128xi32, #tpu.memory_space<vmem>>
        %dma_wait3A_167 = arith.constant 0 : i32
        %dma_wait3A_168 = arith.constant 0 : i32
        %dma_wait3A_169 = tpu.memref_slice %arg2[%dma_wait3A_167, %dma_wait3A_168] : memref<50000x64xf32, #tpu.memory_space<hbm>> -> memref<50000x64xf32, #tpu.memory_space<hbm>>
        tpu.wait_indirect_dma semaphore(%arg7 : memref<!tpu.dma_semaphore, #tpu.memory_space<semaphore_mem>>) src(%dma_wait3A_169 : memref<50000x64xf32, #tpu.memory_space<hbm>>) dst(%dma_wait3A_163 : memref<128x64xf32, #tpu.memory_space<vmem>>)
        %dma_wait3A_170 = arith.constant 6 : i32
        %dma_wait3A_171 = arith.constant 768 : i32
        %dma_wait3A_172 = arith.constant 0 : i32
        %dma_wait3A_173 = tpu.memref_slice %arg6[%dma_wait3A_171, %dma_wait3A_172] : memref<1280x64xf32, #tpu.memory_space<vmem>> -> memref<128x64xf32, #tpu.memory_space<vmem>>
        %dma_wait3A_174 = arith.constant 0 : i32
        %dma_wait3A_175 = tpu.memref_slice %arg5[%dma_wait3A_170, %dma_wait3A_174] : memref<10x128xi32, #tpu.memory_space<vmem>> -> memref<1x128xi32, #tpu.memory_space<vmem>>
        %dma_wait3A_176 = tpu.memref_squeeze %dma_wait3A_175 : memref<1x128xi32, #tpu.memory_space<vmem>> -> memref<128xi32, #tpu.memory_space<vmem>>
        %dma_wait3A_177 = arith.constant 0 : i32
        %dma_wait3A_178 = arith.constant 0 : i32
        %dma_wait3A_179 = tpu.memref_slice %arg2[%dma_wait3A_177, %dma_wait3A_178] : memref<50000x64xf32, #tpu.memory_space<hbm>> -> memref<50000x64xf32, #tpu.memory_space<hbm>>
        tpu.wait_indirect_dma semaphore(%arg7 : memref<!tpu.dma_semaphore, #tpu.memory_space<semaphore_mem>>) src(%dma_wait3A_179 : memref<50000x64xf32, #tpu.memory_space<hbm>>) dst(%dma_wait3A_173 : memref<128x64xf32, #tpu.memory_space<vmem>>)
        %dma_wait3A_180 = arith.constant 7 : i32
        %dma_wait3A_181 = arith.constant 896 : i32
        %dma_wait3A_182 = arith.constant 0 : i32
        %dma_wait3A_183 = tpu.memref_slice %arg6[%dma_wait3A_181, %dma_wait3A_182] : memref<1280x64xf32, #tpu.memory_space<vmem>> -> memref<128x64xf32, #tpu.memory_space<vmem>>
        %dma_wait3A_184 = arith.constant 0 : i32
        %dma_wait3A_185 = tpu.memref_slice %arg5[%dma_wait3A_180, %dma_wait3A_184] : memref<10x128xi32, #tpu.memory_space<vmem>> -> memref<1x128xi32, #tpu.memory_space<vmem>>
        %dma_wait3A_186 = tpu.memref_squeeze %dma_wait3A_185 : memref<1x128xi32, #tpu.memory_space<vmem>> -> memref<128xi32, #tpu.memory_space<vmem>>
        %dma_wait3A_187 = arith.constant 0 : i32
        %dma_wait3A_188 = arith.constant 0 : i32
        %dma_wait3A_189 = tpu.memref_slice %arg2[%dma_wait3A_187, %dma_wait3A_188] : memref<50000x64xf32, #tpu.memory_space<hbm>> -> memref<50000x64xf32, #tpu.memory_space<hbm>>
        tpu.wait_indirect_dma semaphore(%arg7 : memref<!tpu.dma_semaphore, #tpu.memory_space<semaphore_mem>>) src(%dma_wait3A_189 : memref<50000x64xf32, #tpu.memory_space<hbm>>) dst(%dma_wait3A_183 : memref<128x64xf32, #tpu.memory_space<vmem>>)
        %dma_wait3A_190 = arith.constant 8 : i32
        %dma_wait3A_191 = arith.constant 1024 : i32
        %dma_wait3A_192 = arith.constant 0 : i32
        %dma_wait3A_193 = tpu.memref_slice %arg6[%dma_wait3A_191, %dma_wait3A_192] : memref<1280x64xf32, #tpu.memory_space<vmem>> -> memref<128x64xf32, #tpu.memory_space<vmem>>
        %dma_wait3A_194 = arith.constant 0 : i32
        %dma_wait3A_195 = tpu.memref_slice %arg5[%dma_wait3A_190, %dma_wait3A_194] : memref<10x128xi32, #tpu.memory_space<vmem>> -> memref<1x128xi32, #tpu.memory_space<vmem>>
        %dma_wait3A_196 = tpu.memref_squeeze %dma_wait3A_195 : memref<1x128xi32, #tpu.memory_space<vmem>> -> memref<128xi32, #tpu.memory_space<vmem>>
        %dma_wait3A_197 = arith.constant 0 : i32
        %dma_wait3A_198 = arith.constant 0 : i32
        %dma_wait3A_199 = tpu.memref_slice %arg2[%dma_wait3A_197, %dma_wait3A_198] : memref<50000x64xf32, #tpu.memory_space<hbm>> -> memref<50000x64xf32, #tpu.memory_space<hbm>>
        tpu.wait_indirect_dma semaphore(%arg7 : memref<!tpu.dma_semaphore, #tpu.memory_space<semaphore_mem>>) src(%dma_wait3A_199 : memref<50000x64xf32, #tpu.memory_space<hbm>>) dst(%dma_wait3A_193 : memref<128x64xf32, #tpu.memory_space<vmem>>)
        %dma_wait3A_200 = arith.constant 9 : i32
        %dma_wait3A_201 = arith.constant 1152 : i32
        %dma_wait3A_202 = arith.constant 0 : i32
        %dma_wait3A_203 = tpu.memref_slice %arg6[%dma_wait3A_201, %dma_wait3A_202] : memref<1280x64xf32, #tpu.memory_space<vmem>> -> memref<128x64xf32, #tpu.memory_space<vmem>>
        %dma_wait3A_204 = arith.constant 0 : i32
        %dma_wait3A_205 = tpu.memref_slice %arg5[%dma_wait3A_200, %dma_wait3A_204] : memref<10x128xi32, #tpu.memory_space<vmem>> -> memref<1x128xi32, #tpu.memory_space<vmem>>
        %dma_wait3A_206 = tpu.memref_squeeze %dma_wait3A_205 : memref<1x128xi32, #tpu.memory_space<vmem>> -> memref<128xi32, #tpu.memory_space<vmem>>
        %dma_wait3A_207 = arith.constant 0 : i32
        %dma_wait3A_208 = arith.constant 0 : i32
        %dma_wait3A_209 = tpu.memref_slice %arg2[%dma_wait3A_207, %dma_wait3A_208] : memref<50000x64xf32, #tpu.memory_space<hbm>> -> memref<50000x64xf32, #tpu.memory_space<hbm>>
        tpu.wait_indirect_dma semaphore(%arg7 : memref<!tpu.dma_semaphore, #tpu.memory_space<semaphore_mem>>) src(%dma_wait3A_209 : memref<50000x64xf32, #tpu.memory_space<hbm>>) dst(%dma_wait3A_203 : memref<128x64xf32, #tpu.memory_space<vmem>>)
        %mul3A_210 = arith.constant 1280 : i32
        %mul3A_211 = arith.muli %add3A_9, %mul3A_210 : i32
        "tpu.region"() ({
          %run_scoped3A = tpu.sem_alloc : memref<!tpu.dma_semaphore, #tpu.memory_space<semaphore_mem>>
          %dma_start3A_212 = arith.constant 0 : i32
          %dma_start3A_213 = tpu.memref_slice %arg4[%mul3A_211, %dma_start3A_212] : memref<800000x64xf32, #tpu.memory_space<hbm>> -> memref<1280x64xf32, #tpu.memory_space<hbm>>
          %dma_start3A_214 = arith.constant 0 : i32
          %dma_start3A_215 = tpu.memref_slice %arg4[%mul3A_211, %dma_start3A_214] : memref<800000x64xf32, #tpu.memory_space<hbm>> -> memref<1280x64xf32, #tpu.memory_space<hbm>>
          tpu.enqueue_dma source(%arg6 : memref<1280x64xf32, #tpu.memory_space<vmem>>) target(%dma_start3A_215 : memref<1280x64xf32, #tpu.memory_space<hbm>>) target_semaphore(%run_scoped3A : memref<!tpu.dma_semaphore, #tpu.memory_space<semaphore_mem>>)
          %dma_wait3A_216 = arith.constant 0 : i32
          %dma_wait3A_217 = tpu.memref_slice %arg4[%mul3A_211, %dma_wait3A_216] : memref<800000x64xf32, #tpu.memory_space<hbm>> -> memref<1280x64xf32, #tpu.memory_space<hbm>>
          %dma_wait3A_218 = arith.constant 0 : i32
          %dma_wait3A_219 = tpu.memref_slice %arg4[%mul3A_211, %dma_wait3A_218] : memref<800000x64xf32, #tpu.memory_space<hbm>> -> memref<1280x64xf32, #tpu.memory_space<hbm>>
          tpu.wait_dma2 semaphore(%run_scoped3A : memref<!tpu.dma_semaphore, #tpu.memory_space<semaphore_mem>>) src(%arg6 : memref<1280x64xf32, #tpu.memory_space<vmem>>) dst(%dma_wait3A_219 : memref<1280x64xf32, #tpu.memory_space<hbm>>)
          tpu.yield
        }) : () -> ()
      } else {
      }
    }
    %scan3A_5 = arith.constant 20 : i32
    return
  }
}

#map = affine_map<(d0, d1) -> (0, 0)>
#map1 = affine_map<(d0, d1) -> (0, 0, 0)>
module attributes {stable_mosaic.version = 14 : i64} {
  func.func @gather(%arg0: i32, %arg1: i32, %arg2: memref<50000x64xf32, #tpu.memory_space<hbm>>, %arg3: memref<625x10x128xi32, #tpu.memory_space<hbm>>, %arg4: memref<800000x64xf32, #tpu.memory_space<hbm>>, %arg5: memref<10x128xi32, #tpu.memory_space<vmem>>, %arg6: memref<1280x64xf32, #tpu.memory_space<vmem>>, %arg7: memref<!tpu.dma_semaphore, #tpu.memory_space<semaphore_mem>>) attributes {dimension_semantics = [#tpu.dimension_semantics<core_parallel>, #tpu.dimension_semantics<subcore_parallel>], iteration_bounds = array<i64: 2, 16>, scalar_prefetch = 0 : i64, scratch_operands = 3 : i64, tpu.core_type = #tpu.core_type<sc_vector_subcore>, window_params = [{transform_indices = #map}, {transform_indices = #map1}, {transform_indices = #map}]} {
    %mul3A = arith.constant 2 : i32
    %mul3A_0 = arith.muli %arg1, %mul3A : i32
    %add3A = arith.addi %mul3A_0, %arg0 : i32
    %scan3A = arith.constant 0 : i32
    %scan3A_1 = arith.constant 0 : i32
    %scan3A_2 = arith.constant 20 : i32
    %scan3A_3 = arith.addi %scan3A_1, %scan3A_2 : i32
    %scan3A_4 = arith.constant 1 : i32
    scf.for %scan3A_6 = %scan3A_1 to %scan3A_3 step %scan3A_4  : i32 {
      %mul3A_7 = arith.constant 32 : i32
      %mul3A_8 = arith.muli %scan3A_6, %mul3A_7 : i32
      %add3A_9 = arith.addi %mul3A_8, %add3A : i32
      %lt3A = arith.constant 625 : i32
      %lt3A_10 = arith.cmpi slt, %add3A_9, %lt3A : i32
      %convert_element_type3A = arith.extui %lt3A_10 : i1 to i32
      %cond3A = arith.constant 0 : i32
      %cond3A_11 = arith.cmpi ne, %convert_element_type3A, %cond3A : i32
      scf.if %cond3A_11 {
        "tpu.region"() ({
          %run_scoped3A = tpu.sem_alloc : memref<!tpu.dma_semaphore, #tpu.memory_space<semaphore_mem>>
          %dma_start3A_212 = arith.constant 0 : i32
          %dma_start3A_213 = arith.constant 0 : i32
          %dma_start3A_214 = tpu.memref_slice %arg3[%add3A_9, %dma_start3A_212, %dma_start3A_213] : memref<625x10x128xi32, #tpu.memory_space<hbm>> -> memref<1x10x128xi32, #tpu.memory_space<hbm>>
          %dma_start3A_215 = tpu.memref_squeeze %dma_start3A_214 : memref<1x10x128xi32, #tpu.memory_space<hbm>> -> memref<10x128xi32, #tpu.memory_space<hbm>>
          %dma_start3A_216 = arith.constant 0 : i32
          %dma_start3A_217 = arith.constant 0 : i32
          %dma_start3A_218 = tpu.memref_slice %arg3[%add3A_9, %dma_start3A_216, %dma_start3A_217] : memref<625x10x128xi32, #tpu.memory_space<hbm>> -> memref<1x10x128xi32, #tpu.memory_space<hbm>>
          %dma_start3A_219 = tpu.memref_squeeze %dma_start3A_218 : memref<1x10x128xi32, #tpu.memory_space<hbm>> -> memref<10x128xi32, #tpu.memory_space<hbm>>
          tpu.enqueue_dma source(%dma_start3A_219 : memref<10x128xi32, #tpu.memory_space<hbm>>) target(%arg5 : memref<10x128xi32, #tpu.memory_space<vmem>>) target_semaphore(%run_scoped3A : memref<!tpu.dma_semaphore, #tpu.memory_space<semaphore_mem>>)
          %dma_wait3A_220 = arith.constant 0 : i32
          %dma_wait3A_221 = arith.constant 0 : i32
          %dma_wait3A_222 = tpu.memref_slice %arg3[%add3A_9, %dma_wait3A_220, %dma_wait3A_221] : memref<625x10x128xi32, #tpu.memory_space<hbm>> -> memref<1x10x128xi32, #tpu.memory_space<hbm>>
          %dma_wait3A_223 = tpu.memref_squeeze %dma_wait3A_222 : memref<1x10x128xi32, #tpu.memory_space<hbm>> -> memref<10x128xi32, #tpu.memory_space<hbm>>
          %dma_wait3A_224 = arith.constant 0 : i32
          %dma_wait3A_225 = arith.constant 0 : i32
          %dma_wait3A_226 = tpu.memref_slice %arg3[%add3A_9, %dma_wait3A_224, %dma_wait3A_225] : memref<625x10x128xi32, #tpu.memory_space<hbm>> -> memref<1x10x128xi32, #tpu.memory_space<hbm>>
          %dma_wait3A_227 = tpu.memref_squeeze %dma_wait3A_226 : memref<1x10x128xi32, #tpu.memory_space<hbm>> -> memref<10x128xi32, #tpu.memory_space<hbm>>
          tpu.wait_dma2 semaphore(%run_scoped3A : memref<!tpu.dma_semaphore, #tpu.memory_space<semaphore_mem>>) src(%dma_wait3A_227 : memref<10x128xi32, #tpu.memory_space<hbm>>) dst(%arg5 : memref<10x128xi32, #tpu.memory_space<vmem>>)
          tpu.yield
        }) : () -> ()
        %dma_start3A = arith.constant 0 : i32
        %dma_start3A_12 = arith.constant 0 : i32
        %dma_start3A_13 = arith.constant 0 : i32
        %dma_start3A_14 = tpu.memref_slice %arg6[%dma_start3A_12, %dma_start3A_13] : memref<1280x64xf32, #tpu.memory_space<vmem>> -> memref<128x64xf32, #tpu.memory_space<vmem>>
        %dma_start3A_15 = arith.constant 0 : i32
        %dma_start3A_16 = tpu.memref_slice %arg5[%dma_start3A, %dma_start3A_15] : memref<10x128xi32, #tpu.memory_space<vmem>> -> memref<1x128xi32, #tpu.memory_space<vmem>>
        %dma_start3A_17 = tpu.memref_squeeze %dma_start3A_16 : memref<1x128xi32, #tpu.memory_space<vmem>> -> memref<128xi32, #tpu.memory_space<vmem>>
        %dma_start3A_18 = arith.constant 0 : i32
        %dma_start3A_19 = arith.constant 0 : i32
        %dma_start3A_20 = tpu.memref_slice %arg2[%dma_start3A_18, %dma_start3A_19] : memref<50000x64xf32, #tpu.memory_space<hbm>> -> memref<50000x64xf32, #tpu.memory_space<hbm>>
        tpu.enqueue_indirect_dma source(%dma_start3A_20 : memref<50000x64xf32, #tpu.memory_space<hbm>>) target(%dma_start3A_14 : memref<128x64xf32, #tpu.memory_space<vmem>>) offsets(%dma_start3A_17 : memref<128xi32, #tpu.memory_space<vmem>>) semaphore(%arg7 : memref<!tpu.dma_semaphore, #tpu.memory_space<semaphore_mem>>)
        %dma_start3A_21 = arith.constant 1 : i32
        %dma_start3A_22 = arith.constant 128 : i32
        %dma_start3A_23 = arith.constant 0 : i32
        %dma_start3A_24 = tpu.memref_slice %arg6[%dma_start3A_22, %dma_start3A_23] : memref<1280x64xf32, #tpu.memory_space<vmem>> -> memref<128x64xf32, #tpu.memory_space<vmem>>
        %dma_start3A_25 = arith.constant 0 : i32
        %dma_start3A_26 = tpu.memref_slice %arg5[%dma_start3A_21, %dma_start3A_25] : memref<10x128xi32, #tpu.memory_space<vmem>> -> memref<1x128xi32, #tpu.memory_space<vmem>>
        %dma_start3A_27 = tpu.memref_squeeze %dma_start3A_26 : memref<1x128xi32, #tpu.memory_space<vmem>> -> memref<128xi32, #tpu.memory_space<vmem>>
        %dma_start3A_28 = arith.constant 0 : i32
        %dma_start3A_29 = arith.constant 0 : i32
        %dma_start3A_30 = tpu.memref_slice %arg2[%dma_start3A_28, %dma_start3A_29] : memref<50000x64xf32, #tpu.memory_space<hbm>> -> memref<50000x64xf32, #tpu.memory_space<hbm>>
        tpu.enqueue_indirect_dma source(%dma_start3A_30 : memref<50000x64xf32, #tpu.memory_space<hbm>>) target(%dma_start3A_24 : memref<128x64xf32, #tpu.memory_space<vmem>>) offsets(%dma_start3A_27 : memref<128xi32, #tpu.memory_space<vmem>>) semaphore(%arg7 : memref<!tpu.dma_semaphore, #tpu.memory_space<semaphore_mem>>)
        %dma_start3A_31 = arith.constant 2 : i32
        %dma_start3A_32 = arith.constant 256 : i32
        %dma_start3A_33 = arith.constant 0 : i32
        %dma_start3A_34 = tpu.memref_slice %arg6[%dma_start3A_32, %dma_start3A_33] : memref<1280x64xf32, #tpu.memory_space<vmem>> -> memref<128x64xf32, #tpu.memory_space<vmem>>
        %dma_start3A_35 = arith.constant 0 : i32
        %dma_start3A_36 = tpu.memref_slice %arg5[%dma_start3A_31, %dma_start3A_35] : memref<10x128xi32, #tpu.memory_space<vmem>> -> memref<1x128xi32, #tpu.memory_space<vmem>>
        %dma_start3A_37 = tpu.memref_squeeze %dma_start3A_36 : memref<1x128xi32, #tpu.memory_space<vmem>> -> memref<128xi32, #tpu.memory_space<vmem>>
        %dma_start3A_38 = arith.constant 0 : i32
        %dma_start3A_39 = arith.constant 0 : i32
        %dma_start3A_40 = tpu.memref_slice %arg2[%dma_start3A_38, %dma_start3A_39] : memref<50000x64xf32, #tpu.memory_space<hbm>> -> memref<50000x64xf32, #tpu.memory_space<hbm>>
        tpu.enqueue_indirect_dma source(%dma_start3A_40 : memref<50000x64xf32, #tpu.memory_space<hbm>>) target(%dma_start3A_34 : memref<128x64xf32, #tpu.memory_space<vmem>>) offsets(%dma_start3A_37 : memref<128xi32, #tpu.memory_space<vmem>>) semaphore(%arg7 : memref<!tpu.dma_semaphore, #tpu.memory_space<semaphore_mem>>)
        %dma_start3A_41 = arith.constant 3 : i32
        %dma_start3A_42 = arith.constant 384 : i32
        %dma_start3A_43 = arith.constant 0 : i32
        %dma_start3A_44 = tpu.memref_slice %arg6[%dma_start3A_42, %dma_start3A_43] : memref<1280x64xf32, #tpu.memory_space<vmem>> -> memref<128x64xf32, #tpu.memory_space<vmem>>
        %dma_start3A_45 = arith.constant 0 : i32
        %dma_start3A_46 = tpu.memref_slice %arg5[%dma_start3A_41, %dma_start3A_45] : memref<10x128xi32, #tpu.memory_space<vmem>> -> memref<1x128xi32, #tpu.memory_space<vmem>>
        %dma_start3A_47 = tpu.memref_squeeze %dma_start3A_46 : memref<1x128xi32, #tpu.memory_space<vmem>> -> memref<128xi32, #tpu.memory_space<vmem>>
        %dma_start3A_48 = arith.constant 0 : i32
        %dma_start3A_49 = arith.constant 0 : i32
        %dma_start3A_50 = tpu.memref_slice %arg2[%dma_start3A_48, %dma_start3A_49] : memref<50000x64xf32, #tpu.memory_space<hbm>> -> memref<50000x64xf32, #tpu.memory_space<hbm>>
        tpu.enqueue_indirect_dma source(%dma_start3A_50 : memref<50000x64xf32, #tpu.memory_space<hbm>>) target(%dma_start3A_44 : memref<128x64xf32, #tpu.memory_space<vmem>>) offsets(%dma_start3A_47 : memref<128xi32, #tpu.memory_space<vmem>>) semaphore(%arg7 : memref<!tpu.dma_semaphore, #tpu.memory_space<semaphore_mem>>)
        %dma_start3A_51 = arith.constant 4 : i32
        %dma_start3A_52 = arith.constant 512 : i32
        %dma_start3A_53 = arith.constant 0 : i32
        %dma_start3A_54 = tpu.memref_slice %arg6[%dma_start3A_52, %dma_start3A_53] : memref<1280x64xf32, #tpu.memory_space<vmem>> -> memref<128x64xf32, #tpu.memory_space<vmem>>
        %dma_start3A_55 = arith.constant 0 : i32
        %dma_start3A_56 = tpu.memref_slice %arg5[%dma_start3A_51, %dma_start3A_55] : memref<10x128xi32, #tpu.memory_space<vmem>> -> memref<1x128xi32, #tpu.memory_space<vmem>>
        %dma_start3A_57 = tpu.memref_squeeze %dma_start3A_56 : memref<1x128xi32, #tpu.memory_space<vmem>> -> memref<128xi32, #tpu.memory_space<vmem>>
        %dma_start3A_58 = arith.constant 0 : i32
        %dma_start3A_59 = arith.constant 0 : i32
        %dma_start3A_60 = tpu.memref_slice %arg2[%dma_start3A_58, %dma_start3A_59] : memref<50000x64xf32, #tpu.memory_space<hbm>> -> memref<50000x64xf32, #tpu.memory_space<hbm>>
        tpu.enqueue_indirect_dma source(%dma_start3A_60 : memref<50000x64xf32, #tpu.memory_space<hbm>>) target(%dma_start3A_54 : memref<128x64xf32, #tpu.memory_space<vmem>>) offsets(%dma_start3A_57 : memref<128xi32, #tpu.memory_space<vmem>>) semaphore(%arg7 : memref<!tpu.dma_semaphore, #tpu.memory_space<semaphore_mem>>)
        %dma_start3A_61 = arith.constant 5 : i32
        %dma_start3A_62 = arith.constant 640 : i32
        %dma_start3A_63 = arith.constant 0 : i32
        %dma_start3A_64 = tpu.memref_slice %arg6[%dma_start3A_62, %dma_start3A_63] : memref<1280x64xf32, #tpu.memory_space<vmem>> -> memref<128x64xf32, #tpu.memory_space<vmem>>
        %dma_start3A_65 = arith.constant 0 : i32
        %dma_start3A_66 = tpu.memref_slice %arg5[%dma_start3A_61, %dma_start3A_65] : memref<10x128xi32, #tpu.memory_space<vmem>> -> memref<1x128xi32, #tpu.memory_space<vmem>>
        %dma_start3A_67 = tpu.memref_squeeze %dma_start3A_66 : memref<1x128xi32, #tpu.memory_space<vmem>> -> memref<128xi32, #tpu.memory_space<vmem>>
        %dma_start3A_68 = arith.constant 0 : i32
        %dma_start3A_69 = arith.constant 0 : i32
        %dma_start3A_70 = tpu.memref_slice %arg2[%dma_start3A_68, %dma_start3A_69] : memref<50000x64xf32, #tpu.memory_space<hbm>> -> memref<50000x64xf32, #tpu.memory_space<hbm>>
        tpu.enqueue_indirect_dma source(%dma_start3A_70 : memref<50000x64xf32, #tpu.memory_space<hbm>>) target(%dma_start3A_64 : memref<128x64xf32, #tpu.memory_space<vmem>>) offsets(%dma_start3A_67 : memref<128xi32, #tpu.memory_space<vmem>>) semaphore(%arg7 : memref<!tpu.dma_semaphore, #tpu.memory_space<semaphore_mem>>)
        %dma_start3A_71 = arith.constant 6 : i32
        %dma_start3A_72 = arith.constant 768 : i32
        %dma_start3A_73 = arith.constant 0 : i32
        %dma_start3A_74 = tpu.memref_slice %arg6[%dma_start3A_72, %dma_start3A_73] : memref<1280x64xf32, #tpu.memory_space<vmem>> -> memref<128x64xf32, #tpu.memory_space<vmem>>
        %dma_start3A_75 = arith.constant 0 : i32
        %dma_start3A_76 = tpu.memref_slice %arg5[%dma_start3A_71, %dma_start3A_75] : memref<10x128xi32, #tpu.memory_space<vmem>> -> memref<1x128xi32, #tpu.memory_space<vmem>>
        %dma_start3A_77 = tpu.memref_squeeze %dma_start3A_76 : memref<1x128xi32, #tpu.memory_space<vmem>> -> memref<128xi32, #tpu.memory_space<vmem>>
        %dma_start3A_78 = arith.constant 0 : i32
        %dma_start3A_79 = arith.constant 0 : i32
        %dma_start3A_80 = tpu.memref_slice %arg2[%dma_start3A_78, %dma_start3A_79] : memref<50000x64xf32, #tpu.memory_space<hbm>> -> memref<50000x64xf32, #tpu.memory_space<hbm>>
        tpu.enqueue_indirect_dma source(%dma_start3A_80 : memref<50000x64xf32, #tpu.memory_space<hbm>>) target(%dma_start3A_74 : memref<128x64xf32, #tpu.memory_space<vmem>>) offsets(%dma_start3A_77 : memref<128xi32, #tpu.memory_space<vmem>>) semaphore(%arg7 : memref<!tpu.dma_semaphore, #tpu.memory_space<semaphore_mem>>)
        %dma_start3A_81 = arith.constant 7 : i32
        %dma_start3A_82 = arith.constant 896 : i32
        %dma_start3A_83 = arith.constant 0 : i32
        %dma_start3A_84 = tpu.memref_slice %arg6[%dma_start3A_82, %dma_start3A_83] : memref<1280x64xf32, #tpu.memory_space<vmem>> -> memref<128x64xf32, #tpu.memory_space<vmem>>
        %dma_start3A_85 = arith.constant 0 : i32
        %dma_start3A_86 = tpu.memref_slice %arg5[%dma_start3A_81, %dma_start3A_85] : memref<10x128xi32, #tpu.memory_space<vmem>> -> memref<1x128xi32, #tpu.memory_space<vmem>>
        %dma_start3A_87 = tpu.memref_squeeze %dma_start3A_86 : memref<1x128xi32, #tpu.memory_space<vmem>> -> memref<128xi32, #tpu.memory_space<vmem>>
        %dma_start3A_88 = arith.constant 0 : i32
        %dma_start3A_89 = arith.constant 0 : i32
        %dma_start3A_90 = tpu.memref_slice %arg2[%dma_start3A_88, %dma_start3A_89] : memref<50000x64xf32, #tpu.memory_space<hbm>> -> memref<50000x64xf32, #tpu.memory_space<hbm>>
        tpu.enqueue_indirect_dma source(%dma_start3A_90 : memref<50000x64xf32, #tpu.memory_space<hbm>>) target(%dma_start3A_84 : memref<128x64xf32, #tpu.memory_space<vmem>>) offsets(%dma_start3A_87 : memref<128xi32, #tpu.memory_space<vmem>>) semaphore(%arg7 : memref<!tpu.dma_semaphore, #tpu.memory_space<semaphore_mem>>)
        %dma_start3A_91 = arith.constant 8 : i32
        %dma_start3A_92 = arith.constant 1024 : i32
        %dma_start3A_93 = arith.constant 0 : i32
        %dma_start3A_94 = tpu.memref_slice %arg6[%dma_start3A_92, %dma_start3A_93] : memref<1280x64xf32, #tpu.memory_space<vmem>> -> memref<128x64xf32, #tpu.memory_space<vmem>>
        %dma_start3A_95 = arith.constant 0 : i32
        %dma_start3A_96 = tpu.memref_slice %arg5[%dma_start3A_91, %dma_start3A_95] : memref<10x128xi32, #tpu.memory_space<vmem>> -> memref<1x128xi32, #tpu.memory_space<vmem>>
        %dma_start3A_97 = tpu.memref_squeeze %dma_start3A_96 : memref<1x128xi32, #tpu.memory_space<vmem>> -> memref<128xi32, #tpu.memory_space<vmem>>
        %dma_start3A_98 = arith.constant 0 : i32
        %dma_start3A_99 = arith.constant 0 : i32
        %dma_start3A_100 = tpu.memref_slice %arg2[%dma_start3A_98, %dma_start3A_99] : memref<50000x64xf32, #tpu.memory_space<hbm>> -> memref<50000x64xf32, #tpu.memory_space<hbm>>
        tpu.enqueue_indirect_dma source(%dma_start3A_100 : memref<50000x64xf32, #tpu.memory_space<hbm>>) target(%dma_start3A_94 : memref<128x64xf32, #tpu.memory_space<vmem>>) offsets(%dma_start3A_97 : memref<128xi32, #tpu.memory_space<vmem>>) semaphore(%arg7 : memref<!tpu.dma_semaphore, #tpu.memory_space<semaphore_mem>>)
        %dma_start3A_101 = arith.constant 9 : i32
        %dma_start3A_102 = arith.constant 1152 : i32
        %dma_start3A_103 = arith.constant 0 : i32
        %dma_start3A_104 = tpu.memref_slice %arg6[%dma_start3A_102, %dma_start3A_103] : memref<1280x64xf32, #tpu.memory_space<vmem>> -> memref<128x64xf32, #tpu.memory_space<vmem>>
        %dma_start3A_105 = arith.constant 0 : i32
        %dma_start3A_106 = tpu.memref_slice %arg5[%dma_start3A_101, %dma_start3A_105] : memref<10x128xi32, #tpu.memory_space<vmem>> -> memref<1x128xi32, #tpu.memory_space<vmem>>
        %dma_start3A_107 = tpu.memref_squeeze %dma_start3A_106 : memref<1x128xi32, #tpu.memory_space<vmem>> -> memref<128xi32, #tpu.memory_space<vmem>>
        %dma_start3A_108 = arith.constant 0 : i32
        %dma_start3A_109 = arith.constant 0 : i32
        %dma_start3A_110 = tpu.memref_slice %arg2[%dma_start3A_108, %dma_start3A_109] : memref<50000x64xf32, #tpu.memory_space<hbm>> -> memref<50000x64xf32, #tpu.memory_space<hbm>>
        tpu.enqueue_indirect_dma source(%dma_start3A_110 : memref<50000x64xf32, #tpu.memory_space<hbm>>) target(%dma_start3A_104 : memref<128x64xf32, #tpu.memory_space<vmem>>) offsets(%dma_start3A_107 : memref<128xi32, #tpu.memory_space<vmem>>) semaphore(%arg7 : memref<!tpu.dma_semaphore, #tpu.memory_space<semaphore_mem>>)
        %dma_wait3A = arith.constant 0 : i32
        %dma_wait3A_111 = arith.constant 0 : i32
        %dma_wait3A_112 = arith.constant 0 : i32
        %dma_wait3A_113 = tpu.memref_slice %arg6[%dma_wait3A_111, %dma_wait3A_112] : memref<1280x64xf32, #tpu.memory_space<vmem>> -> memref<128x64xf32, #tpu.memory_space<vmem>>
        %dma_wait3A_114 = arith.constant 0 : i32
        %dma_wait3A_115 = tpu.memref_slice %arg5[%dma_wait3A, %dma_wait3A_114] : memref<10x128xi32, #tpu.memory_space<vmem>> -> memref<1x128xi32, #tpu.memory_space<vmem>>
        %dma_wait3A_116 = tpu.memref_squeeze %dma_wait3A_115 : memref<1x128xi32, #tpu.memory_space<vmem>> -> memref<128xi32, #tpu.memory_space<vmem>>
        %dma_wait3A_117 = arith.constant 0 : i32
        %dma_wait3A_118 = arith.constant 0 : i32
        %dma_wait3A_119 = tpu.memref_slice %arg2[%dma_wait3A_117, %dma_wait3A_118] : memref<50000x64xf32, #tpu.memory_space<hbm>> -> memref<50000x64xf32, #tpu.memory_space<hbm>>
        tpu.wait_indirect_dma semaphore(%arg7 : memref<!tpu.dma_semaphore, #tpu.memory_space<semaphore_mem>>) src(%dma_wait3A_119 : memref<50000x64xf32, #tpu.memory_space<hbm>>) dst(%dma_wait3A_113 : memref<128x64xf32, #tpu.memory_space<vmem>>)
        %dma_wait3A_120 = arith.constant 1 : i32
        %dma_wait3A_121 = arith.constant 128 : i32
        %dma_wait3A_122 = arith.constant 0 : i32
        %dma_wait3A_123 = tpu.memref_slice %arg6[%dma_wait3A_121, %dma_wait3A_122] : memref<1280x64xf32, #tpu.memory_space<vmem>> -> memref<128x64xf32, #tpu.memory_space<vmem>>
        %dma_wait3A_124 = arith.constant 0 : i32
        %dma_wait3A_125 = tpu.memref_slice %arg5[%dma_wait3A_120, %dma_wait3A_124] : memref<10x128xi32, #tpu.memory_space<vmem>> -> memref<1x128xi32, #tpu.memory_space<vmem>>
        %dma_wait3A_126 = tpu.memref_squeeze %dma_wait3A_125 : memref<1x128xi32, #tpu.memory_space<vmem>> -> memref<128xi32, #tpu.memory_space<vmem>>
        %dma_wait3A_127 = arith.constant 0 : i32
        %dma_wait3A_128 = arith.constant 0 : i32
        %dma_wait3A_129 = tpu.memref_slice %arg2[%dma_wait3A_127, %dma_wait3A_128] : memref<50000x64xf32, #tpu.memory_space<hbm>> -> memref<50000x64xf32, #tpu.memory_space<hbm>>
        tpu.wait_indirect_dma semaphore(%arg7 : memref<!tpu.dma_semaphore, #tpu.memory_space<semaphore_mem>>) src(%dma_wait3A_129 : memref<50000x64xf32, #tpu.memory_space<hbm>>) dst(%dma_wait3A_123 : memref<128x64xf32, #tpu.memory_space<vmem>>)
        %dma_wait3A_130 = arith.constant 2 : i32
        %dma_wait3A_131 = arith.constant 256 : i32
        %dma_wait3A_132 = arith.constant 0 : i32
        %dma_wait3A_133 = tpu.memref_slice %arg6[%dma_wait3A_131, %dma_wait3A_132] : memref<1280x64xf32, #tpu.memory_space<vmem>> -> memref<128x64xf32, #tpu.memory_space<vmem>>
        %dma_wait3A_134 = arith.constant 0 : i32
        %dma_wait3A_135 = tpu.memref_slice %arg5[%dma_wait3A_130, %dma_wait3A_134] : memref<10x128xi32, #tpu.memory_space<vmem>> -> memref<1x128xi32, #tpu.memory_space<vmem>>
        %dma_wait3A_136 = tpu.memref_squeeze %dma_wait3A_135 : memref<1x128xi32, #tpu.memory_space<vmem>> -> memref<128xi32, #tpu.memory_space<vmem>>
        %dma_wait3A_137 = arith.constant 0 : i32
        %dma_wait3A_138 = arith.constant 0 : i32
        %dma_wait3A_139 = tpu.memref_slice %arg2[%dma_wait3A_137, %dma_wait3A_138] : memref<50000x64xf32, #tpu.memory_space<hbm>> -> memref<50000x64xf32, #tpu.memory_space<hbm>>
        tpu.wait_indirect_dma semaphore(%arg7 : memref<!tpu.dma_semaphore, #tpu.memory_space<semaphore_mem>>) src(%dma_wait3A_139 : memref<50000x64xf32, #tpu.memory_space<hbm>>) dst(%dma_wait3A_133 : memref<128x64xf32, #tpu.memory_space<vmem>>)
        %dma_wait3A_140 = arith.constant 3 : i32
        %dma_wait3A_141 = arith.constant 384 : i32
        %dma_wait3A_142 = arith.constant 0 : i32
        %dma_wait3A_143 = tpu.memref_slice %arg6[%dma_wait3A_141, %dma_wait3A_142] : memref<1280x64xf32, #tpu.memory_space<vmem>> -> memref<128x64xf32, #tpu.memory_space<vmem>>
        %dma_wait3A_144 = arith.constant 0 : i32
        %dma_wait3A_145 = tpu.memref_slice %arg5[%dma_wait3A_140, %dma_wait3A_144] : memref<10x128xi32, #tpu.memory_space<vmem>> -> memref<1x128xi32, #tpu.memory_space<vmem>>
        %dma_wait3A_146 = tpu.memref_squeeze %dma_wait3A_145 : memref<1x128xi32, #tpu.memory_space<vmem>> -> memref<128xi32, #tpu.memory_space<vmem>>
        %dma_wait3A_147 = arith.constant 0 : i32
        %dma_wait3A_148 = arith.constant 0 : i32
        %dma_wait3A_149 = tpu.memref_slice %arg2[%dma_wait3A_147, %dma_wait3A_148] : memref<50000x64xf32, #tpu.memory_space<hbm>> -> memref<50000x64xf32, #tpu.memory_space<hbm>>
        tpu.wait_indirect_dma semaphore(%arg7 : memref<!tpu.dma_semaphore, #tpu.memory_space<semaphore_mem>>) src(%dma_wait3A_149 : memref<50000x64xf32, #tpu.memory_space<hbm>>) dst(%dma_wait3A_143 : memref<128x64xf32, #tpu.memory_space<vmem>>)
        %dma_wait3A_150 = arith.constant 4 : i32
        %dma_wait3A_151 = arith.constant 512 : i32
        %dma_wait3A_152 = arith.constant 0 : i32
        %dma_wait3A_153 = tpu.memref_slice %arg6[%dma_wait3A_151, %dma_wait3A_152] : memref<1280x64xf32, #tpu.memory_space<vmem>> -> memref<128x64xf32, #tpu.memory_space<vmem>>
        %dma_wait3A_154 = arith.constant 0 : i32
        %dma_wait3A_155 = tpu.memref_slice %arg5[%dma_wait3A_150, %dma_wait3A_154] : memref<10x128xi32, #tpu.memory_space<vmem>> -> memref<1x128xi32, #tpu.memory_space<vmem>>
        %dma_wait3A_156 = tpu.memref_squeeze %dma_wait3A_155 : memref<1x128xi32, #tpu.memory_space<vmem>> -> memref<128xi32, #tpu.memory_space<vmem>>
        %dma_wait3A_157 = arith.constant 0 : i32
        %dma_wait3A_158 = arith.constant 0 : i32
        %dma_wait3A_159 = tpu.memref_slice %arg2[%dma_wait3A_157, %dma_wait3A_158] : memref<50000x64xf32, #tpu.memory_space<hbm>> -> memref<50000x64xf32, #tpu.memory_space<hbm>>
        tpu.wait_indirect_dma semaphore(%arg7 : memref<!tpu.dma_semaphore, #tpu.memory_space<semaphore_mem>>) src(%dma_wait3A_159 : memref<50000x64xf32, #tpu.memory_space<hbm>>) dst(%dma_wait3A_153 : memref<128x64xf32, #tpu.memory_space<vmem>>)
        %dma_wait3A_160 = arith.constant 5 : i32
        %dma_wait3A_161 = arith.constant 640 : i32
        %dma_wait3A_162 = arith.constant 0 : i32
        %dma_wait3A_163 = tpu.memref_slice %arg6[%dma_wait3A_161, %dma_wait3A_162] : memref<1280x64xf32, #tpu.memory_space<vmem>> -> memref<128x64xf32, #tpu.memory_space<vmem>>
        %dma_wait3A_164 = arith.constant 0 : i32
        %dma_wait3A_165 = tpu.memref_slice %arg5[%dma_wait3A_160, %dma_wait3A_164] : memref<10x128xi32, #tpu.memory_space<vmem>> -> memref<1x128xi32, #tpu.memory_space<vmem>>
        %dma_wait3A_166 = tpu.memref_squeeze %dma_wait3A_165 : memref<1x128xi32, #tpu.memory_space<vmem>> -> memref<128xi32, #tpu.memory_space<vmem>>
        %dma_wait3A_167 = arith.constant 0 : i32
        %dma_wait3A_168 = arith.constant 0 : i32
        %dma_wait3A_169 = tpu.memref_slice %arg2[%dma_wait3A_167, %dma_wait3A_168] : memref<50000x64xf32, #tpu.memory_space<hbm>> -> memref<50000x64xf32, #tpu.memory_space<hbm>>
        tpu.wait_indirect_dma semaphore(%arg7 : memref<!tpu.dma_semaphore, #tpu.memory_space<semaphore_mem>>) src(%dma_wait3A_169 : memref<50000x64xf32, #tpu.memory_space<hbm>>) dst(%dma_wait3A_163 : memref<128x64xf32, #tpu.memory_space<vmem>>)
        %dma_wait3A_170 = arith.constant 6 : i32
        %dma_wait3A_171 = arith.constant 768 : i32
        %dma_wait3A_172 = arith.constant 0 : i32
        %dma_wait3A_173 = tpu.memref_slice %arg6[%dma_wait3A_171, %dma_wait3A_172] : memref<1280x64xf32, #tpu.memory_space<vmem>> -> memref<128x64xf32, #tpu.memory_space<vmem>>
        %dma_wait3A_174 = arith.constant 0 : i32
        %dma_wait3A_175 = tpu.memref_slice %arg5[%dma_wait3A_170, %dma_wait3A_174] : memref<10x128xi32, #tpu.memory_space<vmem>> -> memref<1x128xi32, #tpu.memory_space<vmem>>
        %dma_wait3A_176 = tpu.memref_squeeze %dma_wait3A_175 : memref<1x128xi32, #tpu.memory_space<vmem>> -> memref<128xi32, #tpu.memory_space<vmem>>
        %dma_wait3A_177 = arith.constant 0 : i32
        %dma_wait3A_178 = arith.constant 0 : i32
        %dma_wait3A_179 = tpu.memref_slice %arg2[%dma_wait3A_177, %dma_wait3A_178] : memref<50000x64xf32, #tpu.memory_space<hbm>> -> memref<50000x64xf32, #tpu.memory_space<hbm>>
        tpu.wait_indirect_dma semaphore(%arg7 : memref<!tpu.dma_semaphore, #tpu.memory_space<semaphore_mem>>) src(%dma_wait3A_179 : memref<50000x64xf32, #tpu.memory_space<hbm>>) dst(%dma_wait3A_173 : memref<128x64xf32, #tpu.memory_space<vmem>>)
        %dma_wait3A_180 = arith.constant 7 : i32
        %dma_wait3A_181 = arith.constant 896 : i32
        %dma_wait3A_182 = arith.constant 0 : i32
        %dma_wait3A_183 = tpu.memref_slice %arg6[%dma_wait3A_181, %dma_wait3A_182] : memref<1280x64xf32, #tpu.memory_space<vmem>> -> memref<128x64xf32, #tpu.memory_space<vmem>>
        %dma_wait3A_184 = arith.constant 0 : i32
        %dma_wait3A_185 = tpu.memref_slice %arg5[%dma_wait3A_180, %dma_wait3A_184] : memref<10x128xi32, #tpu.memory_space<vmem>> -> memref<1x128xi32, #tpu.memory_space<vmem>>
        %dma_wait3A_186 = tpu.memref_squeeze %dma_wait3A_185 : memref<1x128xi32, #tpu.memory_space<vmem>> -> memref<128xi32, #tpu.memory_space<vmem>>
        %dma_wait3A_187 = arith.constant 0 : i32
        %dma_wait3A_188 = arith.constant 0 : i32
        %dma_wait3A_189 = tpu.memref_slice %arg2[%dma_wait3A_187, %dma_wait3A_188] : memref<50000x64xf32, #tpu.memory_space<hbm>> -> memref<50000x64xf32, #tpu.memory_space<hbm>>
        tpu.wait_indirect_dma semaphore(%arg7 : memref<!tpu.dma_semaphore, #tpu.memory_space<semaphore_mem>>) src(%dma_wait3A_189 : memref<50000x64xf32, #tpu.memory_space<hbm>>) dst(%dma_wait3A_183 : memref<128x64xf32, #tpu.memory_space<vmem>>)
        %dma_wait3A_190 = arith.constant 8 : i32
        %dma_wait3A_191 = arith.constant 1024 : i32
        %dma_wait3A_192 = arith.constant 0 : i32
        %dma_wait3A_193 = tpu.memref_slice %arg6[%dma_wait3A_191, %dma_wait3A_192] : memref<1280x64xf32, #tpu.memory_space<vmem>> -> memref<128x64xf32, #tpu.memory_space<vmem>>
        %dma_wait3A_194 = arith.constant 0 : i32
        %dma_wait3A_195 = tpu.memref_slice %arg5[%dma_wait3A_190, %dma_wait3A_194] : memref<10x128xi32, #tpu.memory_space<vmem>> -> memref<1x128xi32, #tpu.memory_space<vmem>>
        %dma_wait3A_196 = tpu.memref_squeeze %dma_wait3A_195 : memref<1x128xi32, #tpu.memory_space<vmem>> -> memref<128xi32, #tpu.memory_space<vmem>>
        %dma_wait3A_197 = arith.constant 0 : i32
        %dma_wait3A_198 = arith.constant 0 : i32
        %dma_wait3A_199 = tpu.memref_slice %arg2[%dma_wait3A_197, %dma_wait3A_198] : memref<50000x64xf32, #tpu.memory_space<hbm>> -> memref<50000x64xf32, #tpu.memory_space<hbm>>
        tpu.wait_indirect_dma semaphore(%arg7 : memref<!tpu.dma_semaphore, #tpu.memory_space<semaphore_mem>>) src(%dma_wait3A_199 : memref<50000x64xf32, #tpu.memory_space<hbm>>) dst(%dma_wait3A_193 : memref<128x64xf32, #tpu.memory_space<vmem>>)
        %dma_wait3A_200 = arith.constant 9 : i32
        %dma_wait3A_201 = arith.constant 1152 : i32
        %dma_wait3A_202 = arith.constant 0 : i32
        %dma_wait3A_203 = tpu.memref_slice %arg6[%dma_wait3A_201, %dma_wait3A_202] : memref<1280x64xf32, #tpu.memory_space<vmem>> -> memref<128x64xf32, #tpu.memory_space<vmem>>
        %dma_wait3A_204 = arith.constant 0 : i32
        %dma_wait3A_205 = tpu.memref_slice %arg5[%dma_wait3A_200, %dma_wait3A_204] : memref<10x128xi32, #tpu.memory_space<vmem>> -> memref<1x128xi32, #tpu.memory_space<vmem>>
        %dma_wait3A_206 = tpu.memref_squeeze %dma_wait3A_205 : memref<1x128xi32, #tpu.memory_space<vmem>> -> memref<128xi32, #tpu.memory_space<vmem>>
        %dma_wait3A_207 = arith.constant 0 : i32
        %dma_wait3A_208 = arith.constant 0 : i32
        %dma_wait3A_209 = tpu.memref_slice %arg2[%dma_wait3A_207, %dma_wait3A_208] : memref<50000x64xf32, #tpu.memory_space<hbm>> -> memref<50000x64xf32, #tpu.memory_space<hbm>>
        tpu.wait_indirect_dma semaphore(%arg7 : memref<!tpu.dma_semaphore, #tpu.memory_space<semaphore_mem>>) src(%dma_wait3A_209 : memref<50000x64xf32, #tpu.memory_space<hbm>>) dst(%dma_wait3A_203 : memref<128x64xf32, #tpu.memory_space<vmem>>)
        %mul3A_210 = arith.constant 1280 : i32
        %mul3A_211 = arith.muli %add3A_9, %mul3A_210 : i32
        "tpu.region"() ({
          %run_scoped3A = tpu.sem_alloc : memref<!tpu.dma_semaphore, #tpu.memory_space<semaphore_mem>>
          %dma_start3A_212 = arith.constant 0 : i32
          %dma_start3A_213 = tpu.memref_slice %arg4[%mul3A_211, %dma_start3A_212] : memref<800000x64xf32, #tpu.memory_space<hbm>> -> memref<1280x64xf32, #tpu.memory_space<hbm>>
          %dma_start3A_214 = arith.constant 0 : i32
          %dma_start3A_215 = tpu.memref_slice %arg4[%mul3A_211, %dma_start3A_214] : memref<800000x64xf32, #tpu.memory_space<hbm>> -> memref<1280x64xf32, #tpu.memory_space<hbm>>
          tpu.enqueue_dma source(%arg6 : memref<1280x64xf32, #tpu.memory_space<vmem>>) target(%dma_start3A_215 : memref<1280x64xf32, #tpu.memory_space<hbm>>) target_semaphore(%run_scoped3A : memref<!tpu.dma_semaphore, #tpu.memory_space<semaphore_mem>>)
          %dma_wait3A_216 = arith.constant 0 : i32
          %dma_wait3A_217 = tpu.memref_slice %arg4[%mul3A_211, %dma_wait3A_216] : memref<800000x64xf32, #tpu.memory_space<hbm>> -> memref<1280x64xf32, #tpu.memory_space<hbm>>
          %dma_wait3A_218 = arith.constant 0 : i32
          %dma_wait3A_219 = tpu.memref_slice %arg4[%mul3A_211, %dma_wait3A_218] : memref<800000x64xf32, #tpu.memory_space<hbm>> -> memref<1280x64xf32, #tpu.memory_space<hbm>>
          tpu.wait_dma2 semaphore(%run_scoped3A : memref<!tpu.dma_semaphore, #tpu.memory_space<semaphore_mem>>) src(%arg6 : memref<1280x64xf32, #tpu.memory_space<vmem>>) dst(%dma_wait3A_219 : memref<1280x64xf32, #tpu.memory_space<hbm>>)
          tpu.yield
        }) : () -> ()
      } else {
      }
    }
    %scan3A_5 = arith.constant 20 : i32
    return
  }
}

#map = affine_map<(d0, d1) -> (0, 0)>
#map1 = affine_map<(d0, d1) -> (0, 0, 0)>
module attributes {stable_mosaic.version = 14 : i64} {
  func.func @gather(%arg0: i32, %arg1: i32, %arg2: memref<50000x64xf32, #tpu.memory_space<hbm>>, %arg3: memref<32x4x128xi32, #tpu.memory_space<hbm>>, %arg4: memref<16384x64xf32, #tpu.memory_space<hbm>>, %arg5: memref<4x128xi32, #tpu.memory_space<vmem>>, %arg6: memref<512x64xf32, #tpu.memory_space<vmem>>, %arg7: memref<!tpu.dma_semaphore, #tpu.memory_space<semaphore_mem>>) attributes {dimension_semantics = [#tpu.dimension_semantics<core_parallel>, #tpu.dimension_semantics<subcore_parallel>], iteration_bounds = array<i64: 2, 16>, scalar_prefetch = 0 : i64, scratch_operands = 3 : i64, tpu.core_type = #tpu.core_type<sc_vector_subcore>, window_params = [{transform_indices = #map}, {transform_indices = #map1}, {transform_indices = #map}]} {
    %mul3A = arith.constant 2 : i32
    %mul3A_0 = arith.muli %arg1, %mul3A : i32
    %add3A = arith.addi %mul3A_0, %arg0 : i32
    %scan3A = arith.constant 0 : i32
    %scan3A_1 = arith.constant 0 : i32
    %mul3A_2 = arith.constant 32 : i32
    %mul3A_3 = arith.muli %scan3A_1, %mul3A_2 : i32
    %add3A_4 = arith.addi %mul3A_3, %add3A : i32
    %lt3A = arith.constant 32 : i32
    %lt3A_5 = arith.cmpi slt, %add3A_4, %lt3A : i32
    %convert_element_type3A = arith.extui %lt3A_5 : i1 to i32
    %cond3A = arith.constant 0 : i32
    %cond3A_6 = arith.cmpi ne, %convert_element_type3A, %cond3A : i32
    scf.if %cond3A_6 {
      "tpu.region"() ({
        %run_scoped3A = tpu.sem_alloc : memref<!tpu.dma_semaphore, #tpu.memory_space<semaphore_mem>>
        %dma_start3A_88 = arith.constant 0 : i32
        %dma_start3A_89 = arith.constant 0 : i32
        %dma_start3A_90 = tpu.memref_slice %arg3[%add3A_4, %dma_start3A_88, %dma_start3A_89] : memref<32x4x128xi32, #tpu.memory_space<hbm>> -> memref<1x4x128xi32, #tpu.memory_space<hbm>>
        %dma_start3A_91 = tpu.memref_squeeze %dma_start3A_90 : memref<1x4x128xi32, #tpu.memory_space<hbm>> -> memref<4x128xi32, #tpu.memory_space<hbm>>
        %dma_start3A_92 = arith.constant 0 : i32
        %dma_start3A_93 = arith.constant 0 : i32
        %dma_start3A_94 = tpu.memref_slice %arg3[%add3A_4, %dma_start3A_92, %dma_start3A_93] : memref<32x4x128xi32, #tpu.memory_space<hbm>> -> memref<1x4x128xi32, #tpu.memory_space<hbm>>
        %dma_start3A_95 = tpu.memref_squeeze %dma_start3A_94 : memref<1x4x128xi32, #tpu.memory_space<hbm>> -> memref<4x128xi32, #tpu.memory_space<hbm>>
        tpu.enqueue_dma source(%dma_start3A_95 : memref<4x128xi32, #tpu.memory_space<hbm>>) target(%arg5 : memref<4x128xi32, #tpu.memory_space<vmem>>) target_semaphore(%run_scoped3A : memref<!tpu.dma_semaphore, #tpu.memory_space<semaphore_mem>>)
        %dma_wait3A_96 = arith.constant 0 : i32
        %dma_wait3A_97 = arith.constant 0 : i32
        %dma_wait3A_98 = tpu.memref_slice %arg3[%add3A_4, %dma_wait3A_96, %dma_wait3A_97] : memref<32x4x128xi32, #tpu.memory_space<hbm>> -> memref<1x4x128xi32, #tpu.memory_space<hbm>>
        %dma_wait3A_99 = tpu.memref_squeeze %dma_wait3A_98 : memref<1x4x128xi32, #tpu.memory_space<hbm>> -> memref<4x128xi32, #tpu.memory_space<hbm>>
        %dma_wait3A_100 = arith.constant 0 : i32
        %dma_wait3A_101 = arith.constant 0 : i32
        %dma_wait3A_102 = tpu.memref_slice %arg3[%add3A_4, %dma_wait3A_100, %dma_wait3A_101] : memref<32x4x128xi32, #tpu.memory_space<hbm>> -> memref<1x4x128xi32, #tpu.memory_space<hbm>>
        %dma_wait3A_103 = tpu.memref_squeeze %dma_wait3A_102 : memref<1x4x128xi32, #tpu.memory_space<hbm>> -> memref<4x128xi32, #tpu.memory_space<hbm>>
        tpu.wait_dma2 semaphore(%run_scoped3A : memref<!tpu.dma_semaphore, #tpu.memory_space<semaphore_mem>>) src(%dma_wait3A_103 : memref<4x128xi32, #tpu.memory_space<hbm>>) dst(%arg5 : memref<4x128xi32, #tpu.memory_space<vmem>>)
        tpu.yield
      }) : () -> ()
      %dma_start3A = arith.constant 0 : i32
      %dma_start3A_8 = arith.constant 0 : i32
      %dma_start3A_9 = arith.constant 0 : i32
      %dma_start3A_10 = tpu.memref_slice %arg6[%dma_start3A_8, %dma_start3A_9] : memref<512x64xf32, #tpu.memory_space<vmem>> -> memref<128x64xf32, #tpu.memory_space<vmem>>
      %dma_start3A_11 = arith.constant 0 : i32
      %dma_start3A_12 = tpu.memref_slice %arg5[%dma_start3A, %dma_start3A_11] : memref<4x128xi32, #tpu.memory_space<vmem>> -> memref<1x128xi32, #tpu.memory_space<vmem>>
      %dma_start3A_13 = tpu.memref_squeeze %dma_start3A_12 : memref<1x128xi32, #tpu.memory_space<vmem>> -> memref<128xi32, #tpu.memory_space<vmem>>
      %dma_start3A_14 = arith.constant 0 : i32
      %dma_start3A_15 = arith.constant 0 : i32
      %dma_start3A_16 = tpu.memref_slice %arg2[%dma_start3A_14, %dma_start3A_15] : memref<50000x64xf32, #tpu.memory_space<hbm>> -> memref<50000x64xf32, #tpu.memory_space<hbm>>
      tpu.enqueue_indirect_dma source(%dma_start3A_16 : memref<50000x64xf32, #tpu.memory_space<hbm>>) target(%dma_start3A_10 : memref<128x64xf32, #tpu.memory_space<vmem>>) offsets(%dma_start3A_13 : memref<128xi32, #tpu.memory_space<vmem>>) semaphore(%arg7 : memref<!tpu.dma_semaphore, #tpu.memory_space<semaphore_mem>>)
      %dma_start3A_17 = arith.constant 1 : i32
      %dma_start3A_18 = arith.constant 128 : i32
      %dma_start3A_19 = arith.constant 0 : i32
      %dma_start3A_20 = tpu.memref_slice %arg6[%dma_start3A_18, %dma_start3A_19] : memref<512x64xf32, #tpu.memory_space<vmem>> -> memref<128x64xf32, #tpu.memory_space<vmem>>
      %dma_start3A_21 = arith.constant 0 : i32
      %dma_start3A_22 = tpu.memref_slice %arg5[%dma_start3A_17, %dma_start3A_21] : memref<4x128xi32, #tpu.memory_space<vmem>> -> memref<1x128xi32, #tpu.memory_space<vmem>>
      %dma_start3A_23 = tpu.memref_squeeze %dma_start3A_22 : memref<1x128xi32, #tpu.memory_space<vmem>> -> memref<128xi32, #tpu.memory_space<vmem>>
      %dma_start3A_24 = arith.constant 0 : i32
      %dma_start3A_25 = arith.constant 0 : i32
      %dma_start3A_26 = tpu.memref_slice %arg2[%dma_start3A_24, %dma_start3A_25] : memref<50000x64xf32, #tpu.memory_space<hbm>> -> memref<50000x64xf32, #tpu.memory_space<hbm>>
      tpu.enqueue_indirect_dma source(%dma_start3A_26 : memref<50000x64xf32, #tpu.memory_space<hbm>>) target(%dma_start3A_20 : memref<128x64xf32, #tpu.memory_space<vmem>>) offsets(%dma_start3A_23 : memref<128xi32, #tpu.memory_space<vmem>>) semaphore(%arg7 : memref<!tpu.dma_semaphore, #tpu.memory_space<semaphore_mem>>)
      %dma_start3A_27 = arith.constant 2 : i32
      %dma_start3A_28 = arith.constant 256 : i32
      %dma_start3A_29 = arith.constant 0 : i32
      %dma_start3A_30 = tpu.memref_slice %arg6[%dma_start3A_28, %dma_start3A_29] : memref<512x64xf32, #tpu.memory_space<vmem>> -> memref<128x64xf32, #tpu.memory_space<vmem>>
      %dma_start3A_31 = arith.constant 0 : i32
      %dma_start3A_32 = tpu.memref_slice %arg5[%dma_start3A_27, %dma_start3A_31] : memref<4x128xi32, #tpu.memory_space<vmem>> -> memref<1x128xi32, #tpu.memory_space<vmem>>
      %dma_start3A_33 = tpu.memref_squeeze %dma_start3A_32 : memref<1x128xi32, #tpu.memory_space<vmem>> -> memref<128xi32, #tpu.memory_space<vmem>>
      %dma_start3A_34 = arith.constant 0 : i32
      %dma_start3A_35 = arith.constant 0 : i32
      %dma_start3A_36 = tpu.memref_slice %arg2[%dma_start3A_34, %dma_start3A_35] : memref<50000x64xf32, #tpu.memory_space<hbm>> -> memref<50000x64xf32, #tpu.memory_space<hbm>>
      tpu.enqueue_indirect_dma source(%dma_start3A_36 : memref<50000x64xf32, #tpu.memory_space<hbm>>) target(%dma_start3A_30 : memref<128x64xf32, #tpu.memory_space<vmem>>) offsets(%dma_start3A_33 : memref<128xi32, #tpu.memory_space<vmem>>) semaphore(%arg7 : memref<!tpu.dma_semaphore, #tpu.memory_space<semaphore_mem>>)
      %dma_start3A_37 = arith.constant 3 : i32
      %dma_start3A_38 = arith.constant 384 : i32
      %dma_start3A_39 = arith.constant 0 : i32
      %dma_start3A_40 = tpu.memref_slice %arg6[%dma_start3A_38, %dma_start3A_39] : memref<512x64xf32, #tpu.memory_space<vmem>> -> memref<128x64xf32, #tpu.memory_space<vmem>>
      %dma_start3A_41 = arith.constant 0 : i32
      %dma_start3A_42 = tpu.memref_slice %arg5[%dma_start3A_37, %dma_start3A_41] : memref<4x128xi32, #tpu.memory_space<vmem>> -> memref<1x128xi32, #tpu.memory_space<vmem>>
      %dma_start3A_43 = tpu.memref_squeeze %dma_start3A_42 : memref<1x128xi32, #tpu.memory_space<vmem>> -> memref<128xi32, #tpu.memory_space<vmem>>
      %dma_start3A_44 = arith.constant 0 : i32
      %dma_start3A_45 = arith.constant 0 : i32
      %dma_start3A_46 = tpu.memref_slice %arg2[%dma_start3A_44, %dma_start3A_45] : memref<50000x64xf32, #tpu.memory_space<hbm>> -> memref<50000x64xf32, #tpu.memory_space<hbm>>
      tpu.enqueue_indirect_dma source(%dma_start3A_46 : memref<50000x64xf32, #tpu.memory_space<hbm>>) target(%dma_start3A_40 : memref<128x64xf32, #tpu.memory_space<vmem>>) offsets(%dma_start3A_43 : memref<128xi32, #tpu.memory_space<vmem>>) semaphore(%arg7 : memref<!tpu.dma_semaphore, #tpu.memory_space<semaphore_mem>>)
      %dma_wait3A = arith.constant 0 : i32
      %dma_wait3A_47 = arith.constant 0 : i32
      %dma_wait3A_48 = arith.constant 0 : i32
      %dma_wait3A_49 = tpu.memref_slice %arg6[%dma_wait3A_47, %dma_wait3A_48] : memref<512x64xf32, #tpu.memory_space<vmem>> -> memref<128x64xf32, #tpu.memory_space<vmem>>
      %dma_wait3A_50 = arith.constant 0 : i32
      %dma_wait3A_51 = tpu.memref_slice %arg5[%dma_wait3A, %dma_wait3A_50] : memref<4x128xi32, #tpu.memory_space<vmem>> -> memref<1x128xi32, #tpu.memory_space<vmem>>
      %dma_wait3A_52 = tpu.memref_squeeze %dma_wait3A_51 : memref<1x128xi32, #tpu.memory_space<vmem>> -> memref<128xi32, #tpu.memory_space<vmem>>
      %dma_wait3A_53 = arith.constant 0 : i32
      %dma_wait3A_54 = arith.constant 0 : i32
      %dma_wait3A_55 = tpu.memref_slice %arg2[%dma_wait3A_53, %dma_wait3A_54] : memref<50000x64xf32, #tpu.memory_space<hbm>> -> memref<50000x64xf32, #tpu.memory_space<hbm>>
      tpu.wait_indirect_dma semaphore(%arg7 : memref<!tpu.dma_semaphore, #tpu.memory_space<semaphore_mem>>) src(%dma_wait3A_55 : memref<50000x64xf32, #tpu.memory_space<hbm>>) dst(%dma_wait3A_49 : memref<128x64xf32, #tpu.memory_space<vmem>>)
      %dma_wait3A_56 = arith.constant 1 : i32
      %dma_wait3A_57 = arith.constant 128 : i32
      %dma_wait3A_58 = arith.constant 0 : i32
      %dma_wait3A_59 = tpu.memref_slice %arg6[%dma_wait3A_57, %dma_wait3A_58] : memref<512x64xf32, #tpu.memory_space<vmem>> -> memref<128x64xf32, #tpu.memory_space<vmem>>
      %dma_wait3A_60 = arith.constant 0 : i32
      %dma_wait3A_61 = tpu.memref_slice %arg5[%dma_wait3A_56, %dma_wait3A_60] : memref<4x128xi32, #tpu.memory_space<vmem>> -> memref<1x128xi32, #tpu.memory_space<vmem>>
      %dma_wait3A_62 = tpu.memref_squeeze %dma_wait3A_61 : memref<1x128xi32, #tpu.memory_space<vmem>> -> memref<128xi32, #tpu.memory_space<vmem>>
      %dma_wait3A_63 = arith.constant 0 : i32
      %dma_wait3A_64 = arith.constant 0 : i32
      %dma_wait3A_65 = tpu.memref_slice %arg2[%dma_wait3A_63, %dma_wait3A_64] : memref<50000x64xf32, #tpu.memory_space<hbm>> -> memref<50000x64xf32, #tpu.memory_space<hbm>>
      tpu.wait_indirect_dma semaphore(%arg7 : memref<!tpu.dma_semaphore, #tpu.memory_space<semaphore_mem>>) src(%dma_wait3A_65 : memref<50000x64xf32, #tpu.memory_space<hbm>>) dst(%dma_wait3A_59 : memref<128x64xf32, #tpu.memory_space<vmem>>)
      %dma_wait3A_66 = arith.constant 2 : i32
      %dma_wait3A_67 = arith.constant 256 : i32
      %dma_wait3A_68 = arith.constant 0 : i32
      %dma_wait3A_69 = tpu.memref_slice %arg6[%dma_wait3A_67, %dma_wait3A_68] : memref<512x64xf32, #tpu.memory_space<vmem>> -> memref<128x64xf32, #tpu.memory_space<vmem>>
      %dma_wait3A_70 = arith.constant 0 : i32
      %dma_wait3A_71 = tpu.memref_slice %arg5[%dma_wait3A_66, %dma_wait3A_70] : memref<4x128xi32, #tpu.memory_space<vmem>> -> memref<1x128xi32, #tpu.memory_space<vmem>>
      %dma_wait3A_72 = tpu.memref_squeeze %dma_wait3A_71 : memref<1x128xi32, #tpu.memory_space<vmem>> -> memref<128xi32, #tpu.memory_space<vmem>>
      %dma_wait3A_73 = arith.constant 0 : i32
      %dma_wait3A_74 = arith.constant 0 : i32
      %dma_wait3A_75 = tpu.memref_slice %arg2[%dma_wait3A_73, %dma_wait3A_74] : memref<50000x64xf32, #tpu.memory_space<hbm>> -> memref<50000x64xf32, #tpu.memory_space<hbm>>
      tpu.wait_indirect_dma semaphore(%arg7 : memref<!tpu.dma_semaphore, #tpu.memory_space<semaphore_mem>>) src(%dma_wait3A_75 : memref<50000x64xf32, #tpu.memory_space<hbm>>) dst(%dma_wait3A_69 : memref<128x64xf32, #tpu.memory_space<vmem>>)
      %dma_wait3A_76 = arith.constant 3 : i32
      %dma_wait3A_77 = arith.constant 384 : i32
      %dma_wait3A_78 = arith.constant 0 : i32
      %dma_wait3A_79 = tpu.memref_slice %arg6[%dma_wait3A_77, %dma_wait3A_78] : memref<512x64xf32, #tpu.memory_space<vmem>> -> memref<128x64xf32, #tpu.memory_space<vmem>>
      %dma_wait3A_80 = arith.constant 0 : i32
      %dma_wait3A_81 = tpu.memref_slice %arg5[%dma_wait3A_76, %dma_wait3A_80] : memref<4x128xi32, #tpu.memory_space<vmem>> -> memref<1x128xi32, #tpu.memory_space<vmem>>
      %dma_wait3A_82 = tpu.memref_squeeze %dma_wait3A_81 : memref<1x128xi32, #tpu.memory_space<vmem>> -> memref<128xi32, #tpu.memory_space<vmem>>
      %dma_wait3A_83 = arith.constant 0 : i32
      %dma_wait3A_84 = arith.constant 0 : i32
      %dma_wait3A_85 = tpu.memref_slice %arg2[%dma_wait3A_83, %dma_wait3A_84] : memref<50000x64xf32, #tpu.memory_space<hbm>> -> memref<50000x64xf32, #tpu.memory_space<hbm>>
      tpu.wait_indirect_dma semaphore(%arg7 : memref<!tpu.dma_semaphore, #tpu.memory_space<semaphore_mem>>) src(%dma_wait3A_85 : memref<50000x64xf32, #tpu.memory_space<hbm>>) dst(%dma_wait3A_79 : memref<128x64xf32, #tpu.memory_space<vmem>>)
      %mul3A_86 = arith.constant 512 : i32
      %mul3A_87 = arith.muli %add3A_4, %mul3A_86 : i32
      "tpu.region"() ({
        %run_scoped3A = tpu.sem_alloc : memref<!tpu.dma_semaphore, #tpu.memory_space<semaphore_mem>>
        %dma_start3A_88 = arith.constant 0 : i32
        %dma_start3A_89 = tpu.memref_slice %arg4[%mul3A_87, %dma_start3A_88] : memref<16384x64xf32, #tpu.memory_space<hbm>> -> memref<512x64xf32, #tpu.memory_space<hbm>>
        %dma_start3A_90 = arith.constant 0 : i32
        %dma_start3A_91 = tpu.memref_slice %arg4[%mul3A_87, %dma_start3A_90] : memref<16384x64xf32, #tpu.memory_space<hbm>> -> memref<512x64xf32, #tpu.memory_space<hbm>>
        tpu.enqueue_dma source(%arg6 : memref<512x64xf32, #tpu.memory_space<vmem>>) target(%dma_start3A_91 : memref<512x64xf32, #tpu.memory_space<hbm>>) target_semaphore(%run_scoped3A : memref<!tpu.dma_semaphore, #tpu.memory_space<semaphore_mem>>)
        %dma_wait3A_92 = arith.constant 0 : i32
        %dma_wait3A_93 = tpu.memref_slice %arg4[%mul3A_87, %dma_wait3A_92] : memref<16384x64xf32, #tpu.memory_space<hbm>> -> memref<512x64xf32, #tpu.memory_space<hbm>>
        %dma_wait3A_94 = arith.constant 0 : i32
        %dma_wait3A_95 = tpu.memref_slice %arg4[%mul3A_87, %dma_wait3A_94] : memref<16384x64xf32, #tpu.memory_space<hbm>> -> memref<512x64xf32, #tpu.memory_space<hbm>>
        tpu.wait_dma2 semaphore(%run_scoped3A : memref<!tpu.dma_semaphore, #tpu.memory_space<semaphore_mem>>) src(%arg6 : memref<512x64xf32, #tpu.memory_space<vmem>>) dst(%dma_wait3A_95 : memref<512x64xf32, #tpu.memory_space<hbm>>)
        tpu.yield
      }) : () -> ()
    } else {
    }
    %scan3A_7 = arith.constant 1 : i32
    return
  }
}

module attributes {stable_mosaic.version = 14 : i64} {
  func.func @_embed_body(%arg0: i32, %arg1: memref<2000x128xf32, #tpu.memory_space<vmem>>, %arg2: memref<1x128xf32, #tpu.memory_space<vmem>>, %arg3: memref<128x64xf32, #tpu.memory_space<vmem>>, %arg4: memref<2000x128xf32, #tpu.memory_space<vmem>>, %arg5: memref<2000x64xf32, #tpu.memory_space<vmem>>) attributes {dimension_semantics = [#tpu.dimension_semantics<arbitrary>], iteration_bounds = array<i64: 25>, scalar_prefetch = 0 : i64, scratch_operands = 0 : i64, tpu.core_type = #tpu.core_type<tc>, window_params = [{transform_indices = @transform_0, window_bounds = array<i64: 2000, 128>}, {pipeline_mode = #tpu.pipeline_mode<synchronous>, transform_indices = @transform_1, window_bounds = array<i64: 1, 128>}, {pipeline_mode = #tpu.pipeline_mode<synchronous>, transform_indices = @transform_2, window_bounds = array<i64: 128, 64>}, {transform_indices = @transform_3, window_bounds = array<i64: 2000, 128>}, {transform_indices = @transform_4, window_bounds = array<i64: 2000, 64>}]} {
    %get3A = arith.constant 0 : index
    %get3A_0 = arith.constant 0 : index
    %get3A_1 = vector.load %arg1[%get3A, %get3A_0] : memref<2000x128xf32, #tpu.memory_space<vmem>>, vector<2000x128xf32>
    %get3A_2 = arith.constant 0 : index
    %get3A_3 = arith.constant 0 : index
    %get3A_4 = vector.load %arg2[%get3A_2, %get3A_3] : memref<1x128xf32, #tpu.memory_space<vmem>>, vector<1x128xf32>
    %mul3A = vector.broadcast %get3A_4 : vector<1x128xf32> to vector<2000x128xf32>
    %mul3A_5 = arith.mulf %get3A_1, %mul3A : vector<2000x128xf32>
    %swap3A = arith.constant 0 : index
    %swap3A_6 = arith.constant 0 : index
    %swap3A_7 = vector.load %arg4[%swap3A, %swap3A_6] : memref<2000x128xf32, #tpu.memory_space<vmem>>, vector<2000x128xf32>
    tpu.vector_store %arg4[%swap3A, %swap3A_6], %mul3A_5 {strides = array<i32>} : memref<2000x128xf32, #tpu.memory_space<vmem>>, vector<2000x128xf32>,
    %get3A_8 = arith.constant 0 : index
    %get3A_9 = arith.constant 0 : index
    %get3A_10 = vector.load %arg3[%get3A_8, %get3A_9] : memref<128x64xf32, #tpu.memory_space<vmem>>, vector<128x64xf32>
    %dot_general3A = arith.constant dense<0.000000e+00> : vector<2000x64xf32>
    %dot_general3A_11 = tpu.matmul %mul3A_5, %get3A_10, %dot_general3A {dimension_numbers = #tpu.dot_dimension_numbers<[1], [0], [0], [1], [0, 0, 1, 1], [], []>, transpose_lhs_hint = false} : vector<2000x128xf32>, vector<128x64xf32>, vector<2000x64xf32> -> vector<2000x64xf32>
    %swap3A_12 = arith.constant 0 : index
    %swap3A_13 = arith.constant 0 : index
    %swap3A_14 = vector.load %arg5[%swap3A_12, %swap3A_13] : memref<2000x64xf32, #tpu.memory_space<vmem>>, vector<2000x64xf32>
    tpu.vector_store %arg5[%swap3A_12, %swap3A_13], %dot_general3A_11 {strides = array<i32>} : memref<2000x64xf32, #tpu.memory_space<vmem>>, vector<2000x64xf32>,
    return
  }
  func.func @transform_0(%arg0: i32) -> (i32, i32) {
    %c0_i32 = arith.constant 0 : i32
    %c0_i32_0 = arith.constant 0 : i32
    return %arg0, %c0_i32 : i32, i32
  }
  func.func @transform_1(%arg0: i32) -> (i32, i32) {
    %c0_i32 = arith.constant 0 : i32
    %c0_i32_0 = arith.constant 0 : i32
    %c0_i32_1 = arith.constant 0 : i32
    return %c0_i32, %c0_i32_0 : i32, i32
  }
  func.func @transform_2(%arg0: i32) -> (i32, i32) {
    %c0_i32 = arith.constant 0 : i32
    %c0_i32_0 = arith.constant 0 : i32
    %c0_i32_1 = arith.constant 0 : i32
    return %c0_i32, %c0_i32_0 : i32, i32
  }
  func.func @transform_3(%arg0: i32) -> (i32, i32) {
    %c0_i32 = arith.constant 0 : i32
    %c0_i32_0 = arith.constant 0 : i32
    return %arg0, %c0_i32 : i32, i32
  }
  func.func @transform_4(%arg0: i32) -> (i32, i32) {
    %c0_i32 = arith.constant 0 : i32
    %c0_i32_0 = arith.constant 0 : i32
    return %arg0, %c0_i32 : i32, i32
  }
}

module attributes {stable_mosaic.version = 14 : i64} {
  func.func @_stats_body(%arg0: i32, %arg1: memref<8000x128xf32, #tpu.memory_space<vmem>>, %arg2: memref<2000x128xf32, #tpu.memory_space<vmem>>, %arg3: memref<1000x64xf32, #tpu.memory_space<vmem>>, %arg4: memref<128x128xf32, #tpu.memory_space<vmem>>, %arg5: memref<128x512xf32, #tpu.memory_space<vmem>>, %arg6: memref<64x128xf32, #tpu.memory_space<vmem>>, %arg7: memref<1x128xf32, #tpu.memory_space<vmem>>, %arg8: memref<128x128xf32, #tpu.memory_space<vmem>>, %arg9: memref<128x512xf32, #tpu.memory_space<vmem>>, %arg10: memref<64x128xf32, #tpu.memory_space<vmem>>, %arg11: memref<1x128xf32, #tpu.memory_space<vmem>>, %arg12: memref<8x128xf32, #tpu.memory_space<vmem>>) attributes {dimension_semantics = [#tpu.dimension_semantics<arbitrary>], iteration_bounds = array<i64: 50>, scalar_prefetch = 0 : i64, scratch_operands = 0 : i64, tpu.core_type = #tpu.core_type<tc>, window_params = [{transform_indices = @transform_0, window_bounds = array<i64: 8000, 128>}, {transform_indices = @transform_1, window_bounds = array<i64: 2000, 128>}, {transform_indices = @transform_2, window_bounds = array<i64: 1000, 64>}, {pipeline_mode = #tpu.pipeline_mode<synchronous>, transform_indices = @transform_3, window_bounds = array<i64: 128, 128>}, {pipeline_mode = #tpu.pipeline_mode<synchronous>, transform_indices = @transform_4, window_bounds = array<i64: 128, 512>}, {pipeline_mode = #tpu.pipeline_mode<synchronous>, transform_indices = @transform_5, window_bounds = array<i64: 64, 128>}, {pipeline_mode = #tpu.pipeline_mode<synchronous>, transform_indices = @transform_6, window_bounds = array<i64: 1, 128>}, {pipeline_mode = #tpu.pipeline_mode<synchronous>, transform_indices = @transform_7, window_bounds = array<i64: 128, 128>}, {pipeline_mode = #tpu.pipeline_mode<synchronous>, transform_indices = @transform_8, window_bounds = array<i64: 128, 512>}, {pipeline_mode = #tpu.pipeline_mode<synchronous>, transform_indices = @transform_9, window_bounds = array<i64: 64, 128>}, {pipeline_mode = #tpu.pipeline_mode<synchronous>, transform_indices = @transform_10, window_bounds = array<i64: 1, 128>}, {pipeline_mode = #tpu.pipeline_mode<synchronous>, transform_indices = @transform_11, window_bounds = array<i64: 8, 128>}]} {
    %get3A = arith.constant 0 : index
    %get3A_0 = arith.constant 0 : index
    %get3A_1 = vector.load %arg4[%get3A, %get3A_0] : memref<128x128xf32, #tpu.memory_space<vmem>>, vector<128x128xf32>
    %get3A_2 = arith.constant 0 : index
    %get3A_3 = arith.constant 0 : index
    %get3A_4 = vector.load %arg5[%get3A_2, %get3A_3] : memref<128x512xf32, #tpu.memory_space<vmem>>, vector<128x512xf32>
    %get3A_5 = arith.constant 0 : index
    %get3A_6 = arith.constant 0 : index
    %get3A_7 = vector.load %arg6[%get3A_5, %get3A_6] : memref<64x128xf32, #tpu.memory_space<vmem>>, vector<64x128xf32>
    %get3A_8 = arith.constant 0 : index
    %get3A_9 = arith.constant 0 : index
    %get3A_10 = vector.load %arg7[%get3A_8, %get3A_9] : memref<1x128xf32, #tpu.memory_space<vmem>>, vector<1x128xf32>
    %get3A_11 = arith.constant 0 : index
    %get3A_12 = arith.constant 0 : index
    %get3A_13 = vector.load %arg1[%get3A_11, %get3A_12] : memref<8000x128xf32, #tpu.memory_space<vmem>>, vector<8000x128xf32>
    %dot_general3A = arith.constant dense<0.000000e+00> : vector<8000x128xf32>
    %dot_general3A_14 = tpu.matmul %get3A_13, %get3A_1, %dot_general3A {dimension_numbers = #tpu.dot_dimension_numbers<[1], [0], [0], [1], [0, 0, 1, 1], [], []>, transpose_lhs_hint = false} : vector<8000x128xf32>, vector<128x128xf32>, vector<8000x128xf32> -> vector<8000x128xf32>
    %get3A_15 = arith.constant 0 : index
    %get3A_16 = arith.constant 0 : index
    %get3A_17 = vector.load %arg2[%get3A_15, %get3A_16] : memref<2000x128xf32, #tpu.memory_space<vmem>>, vector<2000x128xf32>
    %dot_general3A_18 = arith.constant dense<0.000000e+00> : vector<2000x512xf32>
    %dot_general3A_19 = tpu.matmul %get3A_17, %get3A_4, %dot_general3A_18 {dimension_numbers = #tpu.dot_dimension_numbers<[1], [0], [0], [1], [0, 0, 1, 1], [], []>, transpose_lhs_hint = false} : vector<2000x128xf32>, vector<128x512xf32>, vector<2000x512xf32> -> vector<2000x512xf32>
    %slice3A = vector.extract_strided_slice %dot_general3A_19 {offsets = [0, 0], sizes = [2000, 128], strides = [1, 1]} : vector<2000x512xf32> to vector<2000x128xf32>
    %slice3A_20 = vector.extract_strided_slice %dot_general3A_19 {offsets = [0, 128], sizes = [2000, 128], strides = [1, 1]} : vector<2000x512xf32> to vector<2000x128xf32>
    %slice3A_21 = vector.extract_strided_slice %dot_general3A_19 {offsets = [0, 256], sizes = [2000, 128], strides = [1, 1]} : vector<2000x512xf32> to vector<2000x128xf32>
    %slice3A_22 = vector.extract_strided_slice %dot_general3A_19 {offsets = [0, 384], sizes = [2000, 128], strides = [1, 1]} : vector<2000x512xf32> to vector<2000x128xf32>
    %concatenate3A = tpu.concatenate %slice3A, %slice3A_20, %slice3A_21, %slice3A_22 in 0 : vector<2000x128xf32>, vector<2000x128xf32>, vector<2000x128xf32>, vector<2000x128xf32> -> vector<8000x128xf32>
    %add3A = arith.addf %dot_general3A_14, %concatenate3A : vector<8000x128xf32>
    %get3A_23 = arith.constant 0 : index
    %get3A_24 = arith.constant 0 : index
    %get3A_25 = vector.load %arg3[%get3A_23, %get3A_24] : memref<1000x64xf32, #tpu.memory_space<vmem>>, vector<1000x64xf32>
    %dot_general3A_26 = arith.constant dense<0.000000e+00> : vector<1000x128xf32>
    %dot_general3A_27 = tpu.matmul %get3A_25, %get3A_7, %dot_general3A_26 {dimension_numbers = #tpu.dot_dimension_numbers<[1], [0], [0], [1], [0, 0, 1, 1], [], []>, transpose_lhs_hint = false} : vector<1000x64xf32>, vector<64x128xf32>, vector<1000x128xf32> -> vector<1000x128xf32>
    %add3A_28 = vector.broadcast %get3A_10 : vector<1x128xf32> to vector<1000x128xf32>
    %add3A_29 = arith.addf %dot_general3A_27, %add3A_28 : vector<1000x128xf32>
    %get3A_30 = arith.constant 0 : index
    %get3A_31 = arith.constant 0 : index
    %get3A_32 = vector.load %arg8[%get3A_30, %get3A_31] : memref<128x128xf32, #tpu.memory_space<vmem>>, vector<128x128xf32>
    %get3A_33 = arith.constant 0 : index
    %get3A_34 = arith.constant 0 : index
    %get3A_35 = vector.load %arg9[%get3A_33, %get3A_34] : memref<128x512xf32, #tpu.memory_space<vmem>>, vector<128x512xf32>
    %get3A_36 = arith.constant 0 : index
    %get3A_37 = arith.constant 0 : index
    %get3A_38 = vector.load %arg10[%get3A_36, %get3A_37] : memref<64x128xf32, #tpu.memory_space<vmem>>, vector<64x128xf32>
    %get3A_39 = arith.constant 0 : index
    %get3A_40 = arith.constant 0 : index
    %get3A_41 = vector.load %arg11[%get3A_39, %get3A_40] : memref<1x128xf32, #tpu.memory_space<vmem>>, vector<1x128xf32>
    %get3A_42 = arith.constant 0 : index
    %get3A_43 = arith.constant 0 : index
    %get3A_44 = vector.load %arg1[%get3A_42, %get3A_43] : memref<8000x128xf32, #tpu.memory_space<vmem>>, vector<8000x128xf32>
    %dot_general3A_45 = arith.constant dense<0.000000e+00> : vector<8000x128xf32>
    %dot_general3A_46 = tpu.matmul %get3A_44, %get3A_32, %dot_general3A_45 {dimension_numbers = #tpu.dot_dimension_numbers<[1], [0], [0], [1], [0, 0, 1, 1], [], []>, transpose_lhs_hint = false} : vector<8000x128xf32>, vector<128x128xf32>, vector<8000x128xf32> -> vector<8000x128xf32>
    %get3A_47 = arith.constant 0 : index
    %get3A_48 = arith.constant 0 : index
    %get3A_49 = vector.load %arg2[%get3A_47, %get3A_48] : memref<2000x128xf32, #tpu.memory_space<vmem>>, vector<2000x128xf32>
    %dot_general3A_50 = arith.constant dense<0.000000e+00> : vector<2000x512xf32>
    %dot_general3A_51 = tpu.matmul %get3A_49, %get3A_35, %dot_general3A_50 {dimension_numbers = #tpu.dot_dimension_numbers<[1], [0], [0], [1], [0, 0, 1, 1], [], []>, transpose_lhs_hint = false} : vector<2000x128xf32>, vector<128x512xf32>, vector<2000x512xf32> -> vector<2000x512xf32>
    %slice3A_52 = vector.extract_strided_slice %dot_general3A_51 {offsets = [0, 0], sizes = [2000, 128], strides = [1, 1]} : vector<2000x512xf32> to vector<2000x128xf32>
    %slice3A_53 = vector.extract_strided_slice %dot_general3A_51 {offsets = [0, 128], sizes = [2000, 128], strides = [1, 1]} : vector<2000x512xf32> to vector<2000x128xf32>
    %slice3A_54 = vector.extract_strided_slice %dot_general3A_51 {offsets = [0, 256], sizes = [2000, 128], strides = [1, 1]} : vector<2000x512xf32> to vector<2000x128xf32>
    %slice3A_55 = vector.extract_strided_slice %dot_general3A_51 {offsets = [0, 384], sizes = [2000, 128], strides = [1, 1]} : vector<2000x512xf32> to vector<2000x128xf32>
    %concatenate3A_56 = tpu.concatenate %slice3A_52, %slice3A_53, %slice3A_54, %slice3A_55 in 0 : vector<2000x128xf32>, vector<2000x128xf32>, vector<2000x128xf32>, vector<2000x128xf32> -> vector<8000x128xf32>
    %add3A_57 = arith.addf %dot_general3A_46, %concatenate3A_56 : vector<8000x128xf32>
    %get3A_58 = arith.constant 0 : index
    %get3A_59 = arith.constant 0 : index
    %get3A_60 = vector.load %arg3[%get3A_58, %get3A_59] : memref<1000x64xf32, #tpu.memory_space<vmem>>, vector<1000x64xf32>
    %dot_general3A_61 = arith.constant dense<0.000000e+00> : vector<1000x128xf32>
    %dot_general3A_62 = tpu.matmul %get3A_60, %get3A_38, %dot_general3A_61 {dimension_numbers = #tpu.dot_dimension_numbers<[1], [0], [0], [1], [0, 0, 1, 1], [], []>, transpose_lhs_hint = false} : vector<1000x64xf32>, vector<64x128xf32>, vector<1000x128xf32> -> vector<1000x128xf32>
    %add3A_63 = vector.broadcast %get3A_41 : vector<1x128xf32> to vector<1000x128xf32>
    %add3A_64 = arith.addf %dot_general3A_62, %add3A_63 : vector<1000x128xf32>
    %reshape3A = vector.shape_cast %add3A : vector<8000x128xf32> to vector<1000x8x128xf32>
    %reduce_sum3A = arith.constant dense<0.000000e+00> : vector<1000x128xf32>
    %reduce_sum3A_65 = vector.multi_reduction <add>, %reshape3A, %reduce_sum3A [1] : vector<1000x8x128xf32> to vector<1000x128xf32>
    %reduce_sum3A_66 = arith.constant dense<0.000000e+00> : vector<128xf32>
    %reduce_sum3A_67 = vector.multi_reduction <add>, %reduce_sum3A_65, %reduce_sum3A_66 [0] : vector<1000x128xf32> to vector<128xf32>
    %reduce_sum3A_68 = arith.constant dense<0.000000e+00> : vector<128xf32>
    %reduce_sum3A_69 = vector.multi_reduction <add>, %add3A_29, %reduce_sum3A_68 [0] : vector<1000x128xf32> to vector<128xf32>
    %mul3A = arith.constant 8.000000e+00 : f32
    %mul3A_70 = vector.broadcast %mul3A : f32 to vector<128xf32>
    %mul3A_71 = arith.mulf %mul3A_70, %reduce_sum3A_69 : vector<128xf32>
    %add3A_72 = arith.addf %reduce_sum3A_67, %mul3A_71 : vector<128xf32>
    %mul3A_73 = arith.mulf %add3A, %add3A : vector<8000x128xf32>
    %reduce_sum3A_74 = arith.constant dense<0.000000e+00> : vector<128xf32>
    %reduce_sum3A_75 = vector.multi_reduction <add>, %mul3A_73, %reduce_sum3A_74 [0] : vector<8000x128xf32> to vector<128xf32>
    %mul3A_76 = arith.mulf %add3A_29, %reduce_sum3A_65 : vector<1000x128xf32>
    %reduce_sum3A_77 = arith.constant dense<0.000000e+00> : vector<128xf32>
    %reduce_sum3A_78 = vector.multi_reduction <add>, %mul3A_76, %reduce_sum3A_77 [0] : vector<1000x128xf32> to vector<128xf32>
    %mul3A_79 = arith.constant 2.000000e+00 : f32
    %mul3A_80 = vector.broadcast %mul3A_79 : f32 to vector<128xf32>
    %mul3A_81 = arith.mulf %mul3A_80, %reduce_sum3A_78 : vector<128xf32>
    %add3A_82 = arith.addf %reduce_sum3A_75, %mul3A_81 : vector<128xf32>
    %mul3A_83 = arith.mulf %add3A_29, %add3A_29 : vector<1000x128xf32>
    %reduce_sum3A_84 = arith.constant dense<0.000000e+00> : vector<128xf32>
    %reduce_sum3A_85 = vector.multi_reduction <add>, %mul3A_83, %reduce_sum3A_84 [0] : vector<1000x128xf32> to vector<128xf32>
    %mul3A_86 = arith.constant 8.000000e+00 : f32
    %mul3A_87 = vector.broadcast %mul3A_86 : f32 to vector<128xf32>
    %mul3A_88 = arith.mulf %mul3A_87, %reduce_sum3A_85 : vector<128xf32>
    %add3A_89 = arith.addf %add3A_82, %mul3A_88 : vector<128xf32>
    %reshape3A_90 = vector.shape_cast %add3A_57 : vector<8000x128xf32> to vector<1000x8x128xf32>
    %reduce_sum3A_91 = arith.constant dense<0.000000e+00> : vector<1000x128xf32>
    %reduce_sum3A_92 = vector.multi_reduction <add>, %reshape3A_90, %reduce_sum3A_91 [1] : vector<1000x8x128xf32> to vector<1000x128xf32>
    %reduce_sum3A_93 = arith.constant dense<0.000000e+00> : vector<128xf32>
    %reduce_sum3A_94 = vector.multi_reduction <add>, %reduce_sum3A_92, %reduce_sum3A_93 [0] : vector<1000x128xf32> to vector<128xf32>
    %reduce_sum3A_95 = arith.constant dense<0.000000e+00> : vector<128xf32>
    %reduce_sum3A_96 = vector.multi_reduction <add>, %add3A_64, %reduce_sum3A_95 [0] : vector<1000x128xf32> to vector<128xf32>
    %mul3A_97 = arith.constant 8.000000e+00 : f32
    %mul3A_98 = vector.broadcast %mul3A_97 : f32 to vector<128xf32>
    %mul3A_99 = arith.mulf %mul3A_98, %reduce_sum3A_96 : vector<128xf32>
    %add3A_100 = arith.addf %reduce_sum3A_94, %mul3A_99 : vector<128xf32>
    %mul3A_101 = arith.mulf %add3A_57, %add3A_57 : vector<8000x128xf32>
    %reduce_sum3A_102 = arith.constant dense<0.000000e+00> : vector<128xf32>
    %reduce_sum3A_103 = vector.multi_reduction <add>, %mul3A_101, %reduce_sum3A_102 [0] : vector<8000x128xf32> to vector<128xf32>
    %mul3A_104 = arith.mulf %add3A_64, %reduce_sum3A_92 : vector<1000x128xf32>
    %reduce_sum3A_105 = arith.constant dense<0.000000e+00> : vector<128xf32>
    %reduce_sum3A_106 = vector.multi_reduction <add>, %mul3A_104, %reduce_sum3A_105 [0] : vector<1000x128xf32> to vector<128xf32>
    %mul3A_107 = arith.constant 2.000000e+00 : f32
    %mul3A_108 = vector.broadcast %mul3A_107 : f32 to vector<128xf32>
    %mul3A_109 = arith.mulf %mul3A_108, %reduce_sum3A_106 : vector<128xf32>
    %add3A_110 = arith.addf %reduce_sum3A_103, %mul3A_109 : vector<128xf32>
    %mul3A_111 = arith.mulf %add3A_64, %add3A_64 : vector<1000x128xf32>
    %reduce_sum3A_112 = arith.constant dense<0.000000e+00> : vector<128xf32>
    %reduce_sum3A_113 = vector.multi_reduction <add>, %mul3A_111, %reduce_sum3A_112 [0] : vector<1000x128xf32> to vector<128xf32>
    %mul3A_114 = arith.constant 8.000000e+00 : f32
    %mul3A_115 = vector.broadcast %mul3A_114 : f32 to vector<128xf32>
    %mul3A_116 = arith.mulf %mul3A_115, %reduce_sum3A_113 : vector<128xf32>
    %add3A_117 = arith.addf %add3A_110, %mul3A_116 : vector<128xf32>
    %eq3A = arith.constant 0 : i32
    %eq3A_118 = arith.cmpi eq, %arg0, %eq3A : i32
    %convert_element_type3A = arith.extui %eq3A_118 : i1 to i32
    %cond3A = arith.constant 0 : i32
    %cond3A_119 = arith.cmpi ne, %convert_element_type3A, %cond3A : i32
    scf.if %cond3A_119 {
      %broadcast_in_dim3A_150 = arith.constant 0.000000e+00 : f32
      %broadcast_in_dim3A_151 = vector.broadcast %broadcast_in_dim3A_150 : f32 to vector<8x128xf32>
      %swap3A_152 = arith.constant 0 : index
      %swap3A_153 = arith.constant 0 : index
      %swap3A_154 = vector.load %arg12[%swap3A_152, %swap3A_153] : memref<8x128xf32, #tpu.memory_space<vmem>>, vector<8x128xf32>
      tpu.vector_store %arg12[%swap3A_152, %swap3A_153], %broadcast_in_dim3A_151 {strides = array<i32>} : memref<8x128xf32, #tpu.memory_space<vmem>>, vector<8x128xf32>,
    } else {
    }
    %get3A_120 = arith.constant 0 : index
    %get3A_121 = arith.constant 0 : index
    %get3A_122 = vector.load %arg12[%get3A_120, %get3A_121] : memref<8x128xf32, #tpu.memory_space<vmem>>, vector<1x128xf32>
    %broadcast_in_dim3A = vector.shape_cast %add3A_72 : vector<128xf32> to vector<1x128xf32>
    %add3A_123 = arith.addf %get3A_122, %broadcast_in_dim3A : vector<1x128xf32>
    %swap3A = arith.constant 0 : index
    %swap3A_124 = arith.constant 0 : index
    %swap3A_125 = vector.load %arg12[%swap3A, %swap3A_124] : memref<8x128xf32, #tpu.memory_space<vmem>>, vector<1x128xf32>
    tpu.vector_store %arg12[%swap3A, %swap3A_124], %add3A_123 {strides = array<i32>} : memref<8x128xf32, #tpu.memory_space<vmem>>, vector<1x128xf32>,
    %get3A_126 = arith.constant 1 : index
    %get3A_127 = arith.constant 0 : index
    %get3A_128 = vector.load %arg12[%get3A_126, %get3A_127] : memref<8x128xf32, #tpu.memory_space<vmem>>, vector<1x128xf32>
    %broadcast_in_dim3A_129 = vector.shape_cast %add3A_89 : vector<128xf32> to vector<1x128xf32>
    %add3A_130 = arith.addf %get3A_128, %broadcast_in_dim3A_129 : vector<1x128xf32>
    %swap3A_131 = arith.constant 1 : index
    %swap3A_132 = arith.constant 0 : index
    %swap3A_133 = vector.load %arg12[%swap3A_131, %swap3A_132] : memref<8x128xf32, #tpu.memory_space<vmem>>, vector<1x128xf32>
    tpu.vector_store %arg12[%swap3A_131, %swap3A_132], %add3A_130 {strides = array<i32>} : memref<8x128xf32, #tpu.memory_space<vmem>>, vector<1x128xf32>,
    %get3A_134 = arith.constant 2 : index
    %get3A_135 = arith.constant 0 : index
    %get3A_136 = vector.load %arg12[%get3A_134, %get3A_135] : memref<8x128xf32, #tpu.memory_space<vmem>>, vector<1x128xf32>
    %broadcast_in_dim3A_137 = vector.shape_cast %add3A_100 : vector<128xf32> to vector<1x128xf32>
    %add3A_138 = arith.addf %get3A_136, %broadcast_in_dim3A_137 : vector<1x128xf32>
    %swap3A_139 = arith.constant 2 : index
    %swap3A_140 = arith.constant 0 : index
    %swap3A_141 = vector.load %arg12[%swap3A_139, %swap3A_140] : memref<8x128xf32, #tpu.memory_space<vmem>>, vector<1x128xf32>
    tpu.vector_store %arg12[%swap3A_139, %swap3A_140], %add3A_138 {strides = array<i32>} : memref<8x128xf32, #tpu.memory_space<vmem>>, vector<1x128xf32>,
    %get3A_142 = arith.constant 3 : index
    %get3A_143 = arith.constant 0 : index
    %get3A_144 = vector.load %arg12[%get3A_142, %get3A_143] : memref<8x128xf32, #tpu.memory_space<vmem>>, vector<1x128xf32>
    %broadcast_in_dim3A_145 = vector.shape_cast %add3A_117 : vector<128xf32> to vector<1x128xf32>
    %add3A_146 = arith.addf %get3A_144, %broadcast_in_dim3A_145 : vector<1x128xf32>
    %swap3A_147 = arith.constant 3 : index
    %swap3A_148 = arith.constant 0 : index
    %swap3A_149 = vector.load %arg12[%swap3A_147, %swap3A_148] : memref<8x128xf32, #tpu.memory_space<vmem>>, vector<1x128xf32>
    tpu.vector_store %arg12[%swap3A_147, %swap3A_148], %add3A_146 {strides = array<i32>} : memref<8x128xf32, #tpu.memory_space<vmem>>, vector<1x128xf32>,
    return
  }
  func.func @transform_0(%arg0: i32) -> (i32, i32) {
    %c0_i32 = arith.constant 0 : i32
    %c0_i32_0 = arith.constant 0 : i32
    return %arg0, %c0_i32 : i32, i32
  }
  func.func @transform_1(%arg0: i32) -> (i32, i32) {
    %c0_i32 = arith.constant 0 : i32
    %c0_i32_0 = arith.constant 0 : i32
    return %arg0, %c0_i32 : i32, i32
  }
  func.func @transform_2(%arg0: i32) -> (i32, i32) {
    %c0_i32 = arith.constant 0 : i32
    %c0_i32_0 = arith.constant 0 : i32
    return %arg0, %c0_i32 : i32, i32
  }
  func.func @transform_3(%arg0: i32) -> (i32, i32) {
    %c0_i32 = arith.constant 0 : i32
    %c0_i32_0 = arith.constant 0 : i32
    %c0_i32_1 = arith.constant 0 : i32
    return %c0_i32, %c0_i32_0 : i32, i32
  }
  func.func @transform_4(%arg0: i32) -> (i32, i32) {
    %c0_i32 = arith.constant 0 : i32
    %c0_i32_0 = arith.constant 0 : i32
    %c0_i32_1 = arith.constant 0 : i32
    return %c0_i32, %c0_i32_0 : i32, i32
  }
  func.func @transform_5(%arg0: i32) -> (i32, i32) {
    %c0_i32 = arith.constant 0 : i32
    %c0_i32_0 = arith.constant 0 : i32
    %c0_i32_1 = arith.constant 0 : i32
    return %c0_i32, %c0_i32_0 : i32, i32
  }
  func.func @transform_6(%arg0: i32) -> (i32, i32) {
    %c0_i32 = arith.constant 0 : i32
    %c0_i32_0 = arith.constant 0 : i32
    %c0_i32_1 = arith.constant 0 : i32
    return %c0_i32, %c0_i32_0 : i32, i32
  }
  func.func @transform_7(%arg0: i32) -> (i32, i32) {
    %c0_i32 = arith.constant 0 : i32
    %c0_i32_0 = arith.constant 0 : i32
    %c0_i32_1 = arith.constant 0 : i32
    return %c0_i32, %c0_i32_0 : i32, i32
  }
  func.func @transform_8(%arg0: i32) -> (i32, i32) {
    %c0_i32 = arith.constant 0 : i32
    %c0_i32_0 = arith.constant 0 : i32
    %c0_i32_1 = arith.constant 0 : i32
    return %c0_i32, %c0_i32_0 : i32, i32
  }
  func.func @transform_9(%arg0: i32) -> (i32, i32) {
    %c0_i32 = arith.constant 0 : i32
    %c0_i32_0 = arith.constant 0 : i32
    %c0_i32_1 = arith.constant 0 : i32
    return %c0_i32, %c0_i32_0 : i32, i32
  }
  func.func @transform_10(%arg0: i32) -> (i32, i32) {
    %c0_i32 = arith.constant 0 : i32
    %c0_i32_0 = arith.constant 0 : i32
    %c0_i32_1 = arith.constant 0 : i32
    return %c0_i32, %c0_i32_0 : i32, i32
  }
  func.func @transform_11(%arg0: i32) -> (i32, i32) {
    %c0_i32 = arith.constant 0 : i32
    %c0_i32_0 = arith.constant 0 : i32
    %c0_i32_1 = arith.constant 0 : i32
    return %c0_i32, %c0_i32_0 : i32, i32
  }
}

module attributes {stable_mosaic.version = 14 : i64} {
  func.func @_main_body(%arg0: i32, %arg1: memref<8000x128xf32, #tpu.memory_space<vmem>>, %arg2: memref<2000x128xf32, #tpu.memory_space<vmem>>, %arg3: memref<1000x64xf32, #tpu.memory_space<vmem>>, %arg4: memref<128x128xf32, #tpu.memory_space<vmem>>, %arg5: memref<128x512xf32, #tpu.memory_space<vmem>>, %arg6: memref<64x128xf32, #tpu.memory_space<vmem>>, %arg7: memref<1x128xf32, #tpu.memory_space<vmem>>, %arg8: memref<128x128xf32, #tpu.memory_space<vmem>>, %arg9: memref<128x512xf32, #tpu.memory_space<vmem>>, %arg10: memref<64x128xf32, #tpu.memory_space<vmem>>, %arg11: memref<1x128xf32, #tpu.memory_space<vmem>>, %arg12: memref<8x128xf32, #tpu.memory_space<vmem>>, %arg13: memref<1x64xf32, #tpu.memory_space<vmem>>, %arg14: memref<1x64xf32, #tpu.memory_space<vmem>>, %arg15: memref<1x64xf32, #tpu.memory_space<vmem>>, %arg16: memref<1x64xf32, #tpu.memory_space<vmem>>, %arg17: memref<128x64xf32, #tpu.memory_space<vmem>>, %arg18: memref<64x128xf32, #tpu.memory_space<vmem>>, %arg19: memref<1000x64xf32, #tpu.memory_space<vmem>>, %arg20: memref<8x64xf32, #tpu.memory_space<vmem>>) attributes {dimension_semantics = [#tpu.dimension_semantics<arbitrary>], iteration_bounds = array<i64: 50>, scalar_prefetch = 0 : i64, scratch_operands = 0 : i64, tpu.core_type = #tpu.core_type<tc>, window_params = [{transform_indices = @transform_0, window_bounds = array<i64: 8000, 128>}, {transform_indices = @transform_1, window_bounds = array<i64: 2000, 128>}, {transform_indices = @transform_2, window_bounds = array<i64: 1000, 64>}, {pipeline_mode = #tpu.pipeline_mode<synchronous>, transform_indices = @transform_3, window_bounds = array<i64: 128, 128>}, {pipeline_mode = #tpu.pipeline_mode<synchronous>, transform_indices = @transform_4, window_bounds = array<i64: 128, 512>}, {pipeline_mode = #tpu.pipeline_mode<synchronous>, transform_indices = @transform_5, window_bounds = array<i64: 64, 128>}, {pipeline_mode = #tpu.pipeline_mode<synchronous>, transform_indices = @transform_6, window_bounds = array<i64: 1, 128>}, {pipeline_mode = #tpu.pipeline_mode<synchronous>, transform_indices = @transform_7, window_bounds = array<i64: 128, 128>}, {pipeline_mode = #tpu.pipeline_mode<synchronous>, transform_indices = @transform_8, window_bounds = array<i64: 128, 512>}, {pipeline_mode = #tpu.pipeline_mode<synchronous>, transform_indices = @transform_9, window_bounds = array<i64: 64, 128>}, {pipeline_mode = #tpu.pipeline_mode<synchronous>, transform_indices = @transform_10, window_bounds = array<i64: 1, 128>}, {pipeline_mode = #tpu.pipeline_mode<synchronous>, transform_indices = @transform_11, window_bounds = array<i64: 8, 128>}, {pipeline_mode = #tpu.pipeline_mode<synchronous>, transform_indices = @transform_12, window_bounds = array<i64: 1, 64>}, {pipeline_mode = #tpu.pipeline_mode<synchronous>, transform_indices = @transform_13, window_bounds = array<i64: 1, 64>}, {pipeline_mode = #tpu.pipeline_mode<synchronous>, transform_indices = @transform_14, window_bounds = array<i64: 1, 64>}, {pipeline_mode = #tpu.pipeline_mode<synchronous>, transform_indices = @transform_15, window_bounds = array<i64: 1, 64>}, {pipeline_mode = #tpu.pipeline_mode<synchronous>, transform_indices = @transform_16, window_bounds = array<i64: 128, 64>}, {pipeline_mode = #tpu.pipeline_mode<synchronous>, transform_indices = @transform_17, window_bounds = array<i64: 64, 128>}, {transform_indices = @transform_18, window_bounds = array<i64: 1000, 64>}, {pipeline_mode = #tpu.pipeline_mode<synchronous>, transform_indices = @transform_19, window_bounds = array<i64: 8, 64>}]} {
    %get3A = arith.constant 0 : index
    %get3A_0 = arith.constant 0 : index
    %get3A_1 = vector.load %arg17[%get3A, %get3A_0] : memref<128x64xf32, #tpu.memory_space<vmem>>, vector<128x64xf32>
    %get3A_2 = arith.constant 0 : index
    %get3A_3 = arith.constant 0 : index
    %get3A_4 = vector.load %arg18[%get3A_2, %get3A_3] : memref<64x128xf32, #tpu.memory_space<vmem>>, vector<64x128xf32>
    %get3A_5 = arith.constant 0 : index
    %get3A_6 = arith.constant 0 : index
    %get3A_7 = vector.load %arg12[%get3A_5, %get3A_6] : memref<8x128xf32, #tpu.memory_space<vmem>>, vector<8x128xf32>
    %dot_general3A = arith.constant dense<0.000000e+00> : vector<8x64xf32>
    %dot_general3A_8 = tpu.matmul %get3A_7, %get3A_1, %dot_general3A {dimension_numbers = #tpu.dot_dimension_numbers<[1], [0], [0], [1], [0, 0, 1, 1], [], []>, transpose_lhs_hint = false} : vector<8x128xf32>, vector<128x64xf32>, vector<8x64xf32> -> vector<8x64xf32>
    %slice3A = vector.extract_strided_slice %dot_general3A_8 {offsets = [0, 0], sizes = [1, 64], strides = [1, 1]} : vector<8x64xf32> to vector<1x64xf32>
    %mul3A = arith.constant 1.250000e-06 : f32
    %mul3A_9 = vector.broadcast %mul3A : f32 to vector<1x64xf32>
    %mul3A_10 = arith.mulf %slice3A, %mul3A_9 : vector<1x64xf32>
    %slice3A_11 = vector.extract_strided_slice %dot_general3A_8 {offsets = [1, 0], sizes = [1, 64], strides = [1, 1]} : vector<8x64xf32> to vector<1x64xf32>
    %mul3A_12 = arith.constant 1.250000e-06 : f32
    %mul3A_13 = vector.broadcast %mul3A_12 : f32 to vector<1x64xf32>
    %mul3A_14 = arith.mulf %slice3A_11, %mul3A_13 : vector<1x64xf32>
    %mul3A_15 = arith.mulf %mul3A_10, %mul3A_10 : vector<1x64xf32>
    %sub3A = arith.subf %mul3A_14, %mul3A_15 : vector<1x64xf32>
    %get3A_16 = arith.constant 0 : index
    %get3A_17 = arith.constant 0 : index
    %get3A_18 = vector.load %arg13[%get3A_16, %get3A_17] : memref<1x64xf32, #tpu.memory_space<vmem>>, vector<1x64xf32>
    %add3A = arith.constant 9.99999974E-6 : f32
    %add3A_19 = vector.broadcast %add3A : f32 to vector<1x64xf32>
    %add3A_20 = arith.addf %sub3A, %add3A_19 : vector<1x64xf32>
    %rsqrt3A = math.rsqrt %add3A_20 : vector<1x64xf32>
    %mul3A_21 = arith.mulf %get3A_18, %rsqrt3A : vector<1x64xf32>
    %get3A_22 = arith.constant 0 : index
    %get3A_23 = arith.constant 0 : index
    %get3A_24 = vector.load %arg14[%get3A_22, %get3A_23] : memref<1x64xf32, #tpu.memory_space<vmem>>, vector<1x64xf32>
    %mul3A_25 = arith.mulf %mul3A_10, %mul3A_21 : vector<1x64xf32>
    %sub3A_26 = arith.subf %get3A_24, %mul3A_25 : vector<1x64xf32>
    %slice3A_27 = vector.extract_strided_slice %dot_general3A_8 {offsets = [2, 0], sizes = [1, 64], strides = [1, 1]} : vector<8x64xf32> to vector<1x64xf32>
    %mul3A_28 = arith.constant 1.250000e-06 : f32
    %mul3A_29 = vector.broadcast %mul3A_28 : f32 to vector<1x64xf32>
    %mul3A_30 = arith.mulf %slice3A_27, %mul3A_29 : vector<1x64xf32>
    %slice3A_31 = vector.extract_strided_slice %dot_general3A_8 {offsets = [3, 0], sizes = [1, 64], strides = [1, 1]} : vector<8x64xf32> to vector<1x64xf32>
    %mul3A_32 = arith.constant 1.250000e-06 : f32
    %mul3A_33 = vector.broadcast %mul3A_32 : f32 to vector<1x64xf32>
    %mul3A_34 = arith.mulf %slice3A_31, %mul3A_33 : vector<1x64xf32>
    %mul3A_35 = arith.mulf %mul3A_30, %mul3A_30 : vector<1x64xf32>
    %sub3A_36 = arith.subf %mul3A_34, %mul3A_35 : vector<1x64xf32>
    %get3A_37 = arith.constant 0 : index
    %get3A_38 = arith.constant 0 : index
    %get3A_39 = vector.load %arg15[%get3A_37, %get3A_38] : memref<1x64xf32, #tpu.memory_space<vmem>>, vector<1x64xf32>
    %add3A_40 = arith.constant 9.99999974E-6 : f32
    %add3A_41 = vector.broadcast %add3A_40 : f32 to vector<1x64xf32>
    %add3A_42 = arith.addf %sub3A_36, %add3A_41 : vector<1x64xf32>
    %rsqrt3A_43 = math.rsqrt %add3A_42 : vector<1x64xf32>
    %mul3A_44 = arith.mulf %get3A_39, %rsqrt3A_43 : vector<1x64xf32>
    %get3A_45 = arith.constant 0 : index
    %get3A_46 = arith.constant 0 : index
    %get3A_47 = vector.load %arg16[%get3A_45, %get3A_46] : memref<1x64xf32, #tpu.memory_space<vmem>>, vector<1x64xf32>
    %mul3A_48 = arith.mulf %mul3A_30, %mul3A_44 : vector<1x64xf32>
    %sub3A_49 = arith.subf %get3A_47, %mul3A_48 : vector<1x64xf32>
    %dot_general3A_50 = arith.constant dense<0.000000e+00> : vector<1x128xf32>
    %dot_general3A_51 = tpu.matmul %mul3A_21, %get3A_4, %dot_general3A_50 {dimension_numbers = #tpu.dot_dimension_numbers<[1], [0], [0], [1], [0, 0, 1, 1], [], []>, transpose_lhs_hint = false} : vector<1x64xf32>, vector<64x128xf32>, vector<1x128xf32> -> vector<1x128xf32>
    %dot_general3A_52 = arith.constant dense<0.000000e+00> : vector<1x128xf32>
    %dot_general3A_53 = tpu.matmul %sub3A_26, %get3A_4, %dot_general3A_52 {dimension_numbers = #tpu.dot_dimension_numbers<[1], [0], [0], [1], [0, 0, 1, 1], [], []>, transpose_lhs_hint = false} : vector<1x64xf32>, vector<64x128xf32>, vector<1x128xf32> -> vector<1x128xf32>
    %dot_general3A_54 = arith.constant dense<0.000000e+00> : vector<1x128xf32>
    %dot_general3A_55 = tpu.matmul %mul3A_44, %get3A_4, %dot_general3A_54 {dimension_numbers = #tpu.dot_dimension_numbers<[1], [0], [0], [1], [0, 0, 1, 1], [], []>, transpose_lhs_hint = false} : vector<1x64xf32>, vector<64x128xf32>, vector<1x128xf32> -> vector<1x128xf32>
    %dot_general3A_56 = arith.constant dense<0.000000e+00> : vector<1x128xf32>
    %dot_general3A_57 = tpu.matmul %sub3A_49, %get3A_4, %dot_general3A_56 {dimension_numbers = #tpu.dot_dimension_numbers<[1], [0], [0], [1], [0, 0, 1, 1], [], []>, transpose_lhs_hint = false} : vector<1x64xf32>, vector<64x128xf32>, vector<1x128xf32> -> vector<1x128xf32>
    %concatenate3A = tpu.concatenate %dot_general3A_51, %dot_general3A_51, %dot_general3A_51, %dot_general3A_51 in 1 : vector<1x128xf32>, vector<1x128xf32>, vector<1x128xf32>, vector<1x128xf32> -> vector<1x512xf32>
    %concatenate3A_58 = tpu.concatenate %dot_general3A_55, %dot_general3A_55, %dot_general3A_55, %dot_general3A_55 in 1 : vector<1x128xf32>, vector<1x128xf32>, vector<1x128xf32>, vector<1x128xf32> -> vector<1x512xf32>
    %get3A_59 = arith.constant 0 : index
    %get3A_60 = arith.constant 0 : index
    %get3A_61 = vector.load %arg4[%get3A_59, %get3A_60] : memref<128x128xf32, #tpu.memory_space<vmem>>, vector<128x128xf32>
    %mul3A_62 = vector.broadcast %dot_general3A_51 : vector<1x128xf32> to vector<128x128xf32>
    %mul3A_63 = arith.mulf %get3A_61, %mul3A_62 : vector<128x128xf32>
    %get3A_64 = arith.constant 0 : index
    %get3A_65 = arith.constant 0 : index
    %get3A_66 = vector.load %arg5[%get3A_64, %get3A_65] : memref<128x512xf32, #tpu.memory_space<vmem>>, vector<128x512xf32>
    %mul3A_67 = vector.broadcast %concatenate3A : vector<1x512xf32> to vector<128x512xf32>
    %mul3A_68 = arith.mulf %get3A_66, %mul3A_67 : vector<128x512xf32>
    %get3A_69 = arith.constant 0 : index
    %get3A_70 = arith.constant 0 : index
    %get3A_71 = vector.load %arg6[%get3A_69, %get3A_70] : memref<64x128xf32, #tpu.memory_space<vmem>>, vector<64x128xf32>
    %mul3A_72 = vector.broadcast %dot_general3A_51 : vector<1x128xf32> to vector<64x128xf32>
    %mul3A_73 = arith.mulf %get3A_71, %mul3A_72 : vector<64x128xf32>
    %get3A_74 = arith.constant 0 : index
    %get3A_75 = arith.constant 0 : index
    %get3A_76 = vector.load %arg7[%get3A_74, %get3A_75] : memref<1x128xf32, #tpu.memory_space<vmem>>, vector<1x128xf32>
    %mul3A_77 = arith.mulf %get3A_76, %dot_general3A_51 : vector<1x128xf32>
    %add3A_78 = arith.addf %mul3A_77, %dot_general3A_53 : vector<1x128xf32>
    %get3A_79 = arith.constant 0 : index
    %get3A_80 = arith.constant 0 : index
    %get3A_81 = vector.load %arg1[%get3A_79, %get3A_80] : memref<8000x128xf32, #tpu.memory_space<vmem>>, vector<8000x128xf32>
    %dot_general3A_82 = arith.constant dense<0.000000e+00> : vector<8000x128xf32>
    %dot_general3A_83 = tpu.matmul %get3A_81, %mul3A_63, %dot_general3A_82 {dimension_numbers = #tpu.dot_dimension_numbers<[1], [0], [0], [1], [0, 0, 1, 1], [], []>, transpose_lhs_hint = false} : vector<8000x128xf32>, vector<128x128xf32>, vector<8000x128xf32> -> vector<8000x128xf32>
    %get3A_84 = arith.constant 0 : index
    %get3A_85 = arith.constant 0 : index
    %get3A_86 = vector.load %arg2[%get3A_84, %get3A_85] : memref<2000x128xf32, #tpu.memory_space<vmem>>, vector<2000x128xf32>
    %dot_general3A_87 = arith.constant dense<0.000000e+00> : vector<2000x512xf32>
    %dot_general3A_88 = tpu.matmul %get3A_86, %mul3A_68, %dot_general3A_87 {dimension_numbers = #tpu.dot_dimension_numbers<[1], [0], [0], [1], [0, 0, 1, 1], [], []>, transpose_lhs_hint = false} : vector<2000x128xf32>, vector<128x512xf32>, vector<2000x512xf32> -> vector<2000x512xf32>
    %slice3A_89 = vector.extract_strided_slice %dot_general3A_88 {offsets = [0, 0], sizes = [2000, 128], strides = [1, 1]} : vector<2000x512xf32> to vector<2000x128xf32>
    %slice3A_90 = vector.extract_strided_slice %dot_general3A_88 {offsets = [0, 128], sizes = [2000, 128], strides = [1, 1]} : vector<2000x512xf32> to vector<2000x128xf32>
    %slice3A_91 = vector.extract_strided_slice %dot_general3A_88 {offsets = [0, 256], sizes = [2000, 128], strides = [1, 1]} : vector<2000x512xf32> to vector<2000x128xf32>
    %slice3A_92 = vector.extract_strided_slice %dot_general3A_88 {offsets = [0, 384], sizes = [2000, 128], strides = [1, 1]} : vector<2000x512xf32> to vector<2000x128xf32>
    %concatenate3A_93 = tpu.concatenate %slice3A_89, %slice3A_90, %slice3A_91, %slice3A_92 in 0 : vector<2000x128xf32>, vector<2000x128xf32>, vector<2000x128xf32>, vector<2000x128xf32> -> vector<8000x128xf32>
    %add3A_94 = arith.addf %dot_general3A_83, %concatenate3A_93 : vector<8000x128xf32>
    %get3A_95 = arith.constant 0 : index
    %get3A_96 = arith.constant 0 : index
    %get3A_97 = vector.load %arg3[%get3A_95, %get3A_96] : memref<1000x64xf32, #tpu.memory_space<vmem>>, vector<1000x64xf32>
    %dot_general3A_98 = arith.constant dense<0.000000e+00> : vector<1000x128xf32>
    %dot_general3A_99 = tpu.matmul %get3A_97, %mul3A_73, %dot_general3A_98 {dimension_numbers = #tpu.dot_dimension_numbers<[1], [0], [0], [1], [0, 0, 1, 1], [], []>, transpose_lhs_hint = false} : vector<1000x64xf32>, vector<64x128xf32>, vector<1000x128xf32> -> vector<1000x128xf32>
    %add3A_100 = vector.broadcast %add3A_78 : vector<1x128xf32> to vector<1000x128xf32>
    %add3A_101 = arith.addf %dot_general3A_99, %add3A_100 : vector<1000x128xf32>
    %get3A_102 = arith.constant 0 : index
    %get3A_103 = arith.constant 0 : index
    %get3A_104 = vector.load %arg8[%get3A_102, %get3A_103] : memref<128x128xf32, #tpu.memory_space<vmem>>, vector<128x128xf32>
    %mul3A_105 = vector.broadcast %dot_general3A_55 : vector<1x128xf32> to vector<128x128xf32>
    %mul3A_106 = arith.mulf %get3A_104, %mul3A_105 : vector<128x128xf32>
    %get3A_107 = arith.constant 0 : index
    %get3A_108 = arith.constant 0 : index
    %get3A_109 = vector.load %arg9[%get3A_107, %get3A_108] : memref<128x512xf32, #tpu.memory_space<vmem>>, vector<128x512xf32>
    %mul3A_110 = vector.broadcast %concatenate3A_58 : vector<1x512xf32> to vector<128x512xf32>
    %mul3A_111 = arith.mulf %get3A_109, %mul3A_110 : vector<128x512xf32>
    %get3A_112 = arith.constant 0 : index
    %get3A_113 = arith.constant 0 : index
    %get3A_114 = vector.load %arg10[%get3A_112, %get3A_113] : memref<64x128xf32, #tpu.memory_space<vmem>>, vector<64x128xf32>
    %mul3A_115 = vector.broadcast %dot_general3A_55 : vector<1x128xf32> to vector<64x128xf32>
    %mul3A_116 = arith.mulf %get3A_114, %mul3A_115 : vector<64x128xf32>
    %get3A_117 = arith.constant 0 : index
    %get3A_118 = arith.constant 0 : index
    %get3A_119 = vector.load %arg11[%get3A_117, %get3A_118] : memref<1x128xf32, #tpu.memory_space<vmem>>, vector<1x128xf32>
    %mul3A_120 = arith.mulf %get3A_119, %dot_general3A_55 : vector<1x128xf32>
    %add3A_121 = arith.addf %mul3A_120, %dot_general3A_57 : vector<1x128xf32>
    %get3A_122 = arith.constant 0 : index
    %get3A_123 = arith.constant 0 : index
    %get3A_124 = vector.load %arg1[%get3A_122, %get3A_123] : memref<8000x128xf32, #tpu.memory_space<vmem>>, vector<8000x128xf32>
    %dot_general3A_125 = arith.constant dense<0.000000e+00> : vector<8000x128xf32>
    %dot_general3A_126 = tpu.matmul %get3A_124, %mul3A_106, %dot_general3A_125 {dimension_numbers = #tpu.dot_dimension_numbers<[1], [0], [0], [1], [0, 0, 1, 1], [], []>, transpose_lhs_hint = false} : vector<8000x128xf32>, vector<128x128xf32>, vector<8000x128xf32> -> vector<8000x128xf32>
    %get3A_127 = arith.constant 0 : index
    %get3A_128 = arith.constant 0 : index
    %get3A_129 = vector.load %arg2[%get3A_127, %get3A_128] : memref<2000x128xf32, #tpu.memory_space<vmem>>, vector<2000x128xf32>
    %dot_general3A_130 = arith.constant dense<0.000000e+00> : vector<2000x512xf32>
    %dot_general3A_131 = tpu.matmul %get3A_129, %mul3A_111, %dot_general3A_130 {dimension_numbers = #tpu.dot_dimension_numbers<[1], [0], [0], [1], [0, 0, 1, 1], [], []>, transpose_lhs_hint = false} : vector<2000x128xf32>, vector<128x512xf32>, vector<2000x512xf32> -> vector<2000x512xf32>
    %slice3A_132 = vector.extract_strided_slice %dot_general3A_131 {offsets = [0, 0], sizes = [2000, 128], strides = [1, 1]} : vector<2000x512xf32> to vector<2000x128xf32>
    %slice3A_133 = vector.extract_strided_slice %dot_general3A_131 {offsets = [0, 128], sizes = [2000, 128], strides = [1, 1]} : vector<2000x512xf32> to vector<2000x128xf32>
    %slice3A_134 = vector.extract_strided_slice %dot_general3A_131 {offsets = [0, 256], sizes = [2000, 128], strides = [1, 1]} : vector<2000x512xf32> to vector<2000x128xf32>
    %slice3A_135 = vector.extract_strided_slice %dot_general3A_131 {offsets = [0, 384], sizes = [2000, 128], strides = [1, 1]} : vector<2000x512xf32> to vector<2000x128xf32>
    %concatenate3A_136 = tpu.concatenate %slice3A_132, %slice3A_133, %slice3A_134, %slice3A_135 in 0 : vector<2000x128xf32>, vector<2000x128xf32>, vector<2000x128xf32>, vector<2000x128xf32> -> vector<8000x128xf32>
    %add3A_137 = arith.addf %dot_general3A_126, %concatenate3A_136 : vector<8000x128xf32>
    %get3A_138 = arith.constant 0 : index
    %get3A_139 = arith.constant 0 : index
    %get3A_140 = vector.load %arg3[%get3A_138, %get3A_139] : memref<1000x64xf32, #tpu.memory_space<vmem>>, vector<1000x64xf32>
    %dot_general3A_141 = arith.constant dense<0.000000e+00> : vector<1000x128xf32>
    %dot_general3A_142 = tpu.matmul %get3A_140, %mul3A_116, %dot_general3A_141 {dimension_numbers = #tpu.dot_dimension_numbers<[1], [0], [0], [1], [0, 0, 1, 1], [], []>, transpose_lhs_hint = false} : vector<1000x64xf32>, vector<64x128xf32>, vector<1000x128xf32> -> vector<1000x128xf32>
    %add3A_143 = vector.broadcast %add3A_121 : vector<1x128xf32> to vector<1000x128xf32>
    %add3A_144 = arith.addf %dot_general3A_142, %add3A_143 : vector<1000x128xf32>
    %reshape3A = vector.shape_cast %add3A_94 : vector<8000x128xf32> to vector<1000x8x128xf32>
    %broadcast_in_dim3A = vector.shape_cast %add3A_101 : vector<1000x128xf32> to vector<1000x1x128xf32>
    %add3A_145 = vector.broadcast %broadcast_in_dim3A : vector<1000x1x128xf32> to vector<1000x8x128xf32>
    %add3A_146 = arith.addf %reshape3A, %add3A_145 : vector<1000x8x128xf32>
    %logistic3A = arith.negf %add3A_146 : vector<1000x8x128xf32>
    %logistic3A_147 = math.exp %logistic3A : vector<1000x8x128xf32>
    %logistic3A_148 = arith.constant 1.000000e+00 : f32
    %logistic3A_149 = vector.broadcast %logistic3A_148 : f32 to vector<1000x8x128xf32>
    %logistic3A_150 = arith.addf %logistic3A_149, %logistic3A_147 : vector<1000x8x128xf32>
    %logistic3A_151 = arith.divf %logistic3A_149, %logistic3A_150 : vector<1000x8x128xf32>
    %reshape3A_152 = vector.shape_cast %add3A_137 : vector<8000x128xf32> to vector<1000x8x128xf32>
    %broadcast_in_dim3A_153 = vector.shape_cast %add3A_144 : vector<1000x128xf32> to vector<1000x1x128xf32>
    %add3A_154 = vector.broadcast %broadcast_in_dim3A_153 : vector<1000x1x128xf32> to vector<1000x8x128xf32>
    %add3A_155 = arith.addf %reshape3A_152, %add3A_154 : vector<1000x8x128xf32>
    %custom_jvp_call3A = arith.constant 0.000000e+00 : f32
    %max3A = vector.broadcast %custom_jvp_call3A : f32 to vector<1000x8x128xf32>
    %max3A_156 = arith.maximumf %add3A_155, %max3A : vector<1000x8x128xf32>
    %sub3A_157 = vector.broadcast %custom_jvp_call3A : f32 to vector<1000x8x128xf32>
    %sub3A_158 = arith.subf %add3A_155, %sub3A_157 : vector<1000x8x128xf32>
    %ne3A = arith.cmpf one, %sub3A_158, %sub3A_158 : vector<1000x8x128xf32>
    %add3A_159 = vector.broadcast %custom_jvp_call3A : f32 to vector<1000x8x128xf32>
    %add3A_160 = arith.addf %add3A_155, %add3A_159 : vector<1000x8x128xf32>
    %abs3A = math.absf %sub3A_158 : vector<1000x8x128xf32>
    %neg3A = arith.constant 0.000000e+00 : f32
    %neg3A_161 = vector.broadcast %neg3A : f32 to vector<1000x8x128xf32>
    %neg3A_162 = arith.subf %neg3A_161, %abs3A : vector<1000x8x128xf32>
    %exp3A = math.exp %neg3A_162 : vector<1000x8x128xf32>
    %log1p3A = math.log1p %exp3A : vector<1000x8x128xf32>
    %add3A_163 = arith.addf %max3A_156, %log1p3A : vector<1000x8x128xf32>
    %select_n3A = arith.select %ne3A, %add3A_160, %add3A_163 : vector<1000x8x128xi1>, vector<1000x8x128xf32>
    %mul3A_164 = arith.mulf %logistic3A_151, %select_n3A : vector<1000x8x128xf32>
    %reduce_sum3A = arith.constant dense<0.000000e+00> : vector<1000x128xf32>
    %reduce_sum3A_165 = vector.multi_reduction <add>, %mul3A_164, %reduce_sum3A [1] : vector<1000x8x128xf32> to vector<1000x128xf32>
    %dot_general3A_166 = arith.constant dense<0.000000e+00> : vector<1000x64xf32>
    %dot_general3A_167 = tpu.matmul %reduce_sum3A_165, %get3A_1, %dot_general3A_166 {dimension_numbers = #tpu.dot_dimension_numbers<[1], [0], [0], [1], [0, 0, 1, 1], [], []>, transpose_lhs_hint = false} : vector<1000x128xf32>, vector<128x64xf32>, vector<1000x64xf32> -> vector<1000x64xf32>
    %swap3A = arith.constant 0 : index
    %swap3A_168 = arith.constant 0 : index
    %swap3A_169 = vector.load %arg19[%swap3A, %swap3A_168] : memref<1000x64xf32, #tpu.memory_space<vmem>>, vector<1000x64xf32>
    tpu.vector_store %arg19[%swap3A, %swap3A_168], %dot_general3A_167 {strides = array<i32>} : memref<1000x64xf32, #tpu.memory_space<vmem>>, vector<1000x64xf32>,
    %eq3A = arith.constant 0 : i32
    %eq3A_170 = arith.cmpi eq, %arg0, %eq3A : i32
    %convert_element_type3A = arith.extui %eq3A_170 : i1 to i32
    %cond3A = arith.constant 0 : i32
    %cond3A_171 = arith.cmpi ne, %convert_element_type3A, %cond3A : i32
    scf.if %cond3A_171 {
      %broadcast_in_dim3A_193 = arith.constant 0.000000e+00 : f32
      %broadcast_in_dim3A_194 = vector.broadcast %broadcast_in_dim3A_193 : f32 to vector<8x64xf32>
      %swap3A_195 = arith.constant 0 : index
      %swap3A_196 = arith.constant 0 : index
      %swap3A_197 = vector.load %arg20[%swap3A_195, %swap3A_196] : memref<8x64xf32, #tpu.memory_space<vmem>>, vector<8x64xf32>
      tpu.vector_store %arg20[%swap3A_195, %swap3A_196], %broadcast_in_dim3A_194 {strides = array<i32>} : memref<8x64xf32, #tpu.memory_space<vmem>>, vector<8x64xf32>,
    } else {
    }
    %get3A_172 = arith.constant 0 : index
    %get3A_173 = arith.constant 0 : index
    %get3A_174 = vector.load %arg20[%get3A_172, %get3A_173] : memref<8x64xf32, #tpu.memory_space<vmem>>, vector<1x64xf32>
    %reduce_sum3A_175 = arith.constant dense<0.000000e+00> : vector<64xf32>
    %reduce_sum3A_176 = vector.multi_reduction <add>, %dot_general3A_167, %reduce_sum3A_175 [0] : vector<1000x64xf32> to vector<64xf32>
    %broadcast_in_dim3A_177 = vector.shape_cast %reduce_sum3A_176 : vector<64xf32> to vector<1x64xf32>
    %add3A_178 = arith.addf %get3A_174, %broadcast_in_dim3A_177 : vector<1x64xf32>
    %swap3A_179 = arith.constant 0 : index
    %swap3A_180 = arith.constant 0 : index
    %swap3A_181 = vector.load %arg20[%swap3A_179, %swap3A_180] : memref<8x64xf32, #tpu.memory_space<vmem>>, vector<1x64xf32>
    tpu.vector_store %arg20[%swap3A_179, %swap3A_180], %add3A_178 {strides = array<i32>} : memref<8x64xf32, #tpu.memory_space<vmem>>, vector<1x64xf32>,
    %get3A_182 = arith.constant 1 : index
    %get3A_183 = arith.constant 0 : index
    %get3A_184 = vector.load %arg20[%get3A_182, %get3A_183] : memref<8x64xf32, #tpu.memory_space<vmem>>, vector<1x64xf32>
    %mul3A_185 = arith.mulf %dot_general3A_167, %dot_general3A_167 : vector<1000x64xf32>
    %reduce_sum3A_186 = arith.constant dense<0.000000e+00> : vector<64xf32>
    %reduce_sum3A_187 = vector.multi_reduction <add>, %mul3A_185, %reduce_sum3A_186 [0] : vector<1000x64xf32> to vector<64xf32>
    %broadcast_in_dim3A_188 = vector.shape_cast %reduce_sum3A_187 : vector<64xf32> to vector<1x64xf32>
    %add3A_189 = arith.addf %get3A_184, %broadcast_in_dim3A_188 : vector<1x64xf32>
    %swap3A_190 = arith.constant 1 : index
    %swap3A_191 = arith.constant 0 : index
    %swap3A_192 = vector.load %arg20[%swap3A_190, %swap3A_191] : memref<8x64xf32, #tpu.memory_space<vmem>>, vector<1x64xf32>
    tpu.vector_store %arg20[%swap3A_190, %swap3A_191], %add3A_189 {strides = array<i32>} : memref<8x64xf32, #tpu.memory_space<vmem>>, vector<1x64xf32>,
    return
  }
  func.func @transform_0(%arg0: i32) -> (i32, i32) {
    %c0_i32 = arith.constant 0 : i32
    %c0_i32_0 = arith.constant 0 : i32
    return %arg0, %c0_i32 : i32, i32
  }
  func.func @transform_1(%arg0: i32) -> (i32, i32) {
    %c0_i32 = arith.constant 0 : i32
    %c0_i32_0 = arith.constant 0 : i32
    return %arg0, %c0_i32 : i32, i32
  }
  func.func @transform_2(%arg0: i32) -> (i32, i32) {
    %c0_i32 = arith.constant 0 : i32
    %c0_i32_0 = arith.constant 0 : i32
    return %arg0, %c0_i32 : i32, i32
  }
  func.func @transform_3(%arg0: i32) -> (i32, i32) {
    %c0_i32 = arith.constant 0 : i32
    %c0_i32_0 = arith.constant 0 : i32
    %c0_i32_1 = arith.constant 0 : i32
    return %c0_i32, %c0_i32_0 : i32, i32
  }
  func.func @transform_4(%arg0: i32) -> (i32, i32) {
    %c0_i32 = arith.constant 0 : i32
    %c0_i32_0 = arith.constant 0 : i32
    %c0_i32_1 = arith.constant 0 : i32
    return %c0_i32, %c0_i32_0 : i32, i32
  }
  func.func @transform_5(%arg0: i32) -> (i32, i32) {
    %c0_i32 = arith.constant 0 : i32
    %c0_i32_0 = arith.constant 0 : i32
    %c0_i32_1 = arith.constant 0 : i32
    return %c0_i32, %c0_i32_0 : i32, i32
  }
  func.func @transform_6(%arg0: i32) -> (i32, i32) {
    %c0_i32 = arith.constant 0 : i32
    %c0_i32_0 = arith.constant 0 : i32
    %c0_i32_1 = arith.constant 0 : i32
    return %c0_i32, %c0_i32_0 : i32, i32
  }
  func.func @transform_7(%arg0: i32) -> (i32, i32) {
    %c0_i32 = arith.constant 0 : i32
    %c0_i32_0 = arith.constant 0 : i32
    %c0_i32_1 = arith.constant 0 : i32
    return %c0_i32, %c0_i32_0 : i32, i32
  }
  func.func @transform_8(%arg0: i32) -> (i32, i32) {
    %c0_i32 = arith.constant 0 : i32
    %c0_i32_0 = arith.constant 0 : i32
    %c0_i32_1 = arith.constant 0 : i32
    return %c0_i32, %c0_i32_0 : i32, i32
  }
  func.func @transform_9(%arg0: i32) -> (i32, i32) {
    %c0_i32 = arith.constant 0 : i32
    %c0_i32_0 = arith.constant 0 : i32
    %c0_i32_1 = arith.constant 0 : i32
    return %c0_i32, %c0_i32_0 : i32, i32
  }
  func.func @transform_10(%arg0: i32) -> (i32, i32) {
    %c0_i32 = arith.constant 0 : i32
    %c0_i32_0 = arith.constant 0 : i32
    %c0_i32_1 = arith.constant 0 : i32
    return %c0_i32, %c0_i32_0 : i32, i32
  }
  func.func @transform_11(%arg0: i32) -> (i32, i32) {
    %c0_i32 = arith.constant 0 : i32
    %c0_i32_0 = arith.constant 0 : i32
    %c0_i32_1 = arith.constant 0 : i32
    return %c0_i32, %c0_i32_0 : i32, i32
  }
  func.func @transform_12(%arg0: i32) -> (i32, i32) {
    %c0_i32 = arith.constant 0 : i32
    %c0_i32_0 = arith.constant 0 : i32
    %c0_i32_1 = arith.constant 0 : i32
    return %c0_i32, %c0_i32_0 : i32, i32
  }
  func.func @transform_13(%arg0: i32) -> (i32, i32) {
    %c0_i32 = arith.constant 0 : i32
    %c0_i32_0 = arith.constant 0 : i32
    %c0_i32_1 = arith.constant 0 : i32
    return %c0_i32, %c0_i32_0 : i32, i32
  }
  func.func @transform_14(%arg0: i32) -> (i32, i32) {
    %c0_i32 = arith.constant 0 : i32
    %c0_i32_0 = arith.constant 0 : i32
    %c0_i32_1 = arith.constant 0 : i32
    return %c0_i32, %c0_i32_0 : i32, i32
  }
  func.func @transform_15(%arg0: i32) -> (i32, i32) {
    %c0_i32 = arith.constant 0 : i32
    %c0_i32_0 = arith.constant 0 : i32
    %c0_i32_1 = arith.constant 0 : i32
    return %c0_i32, %c0_i32_0 : i32, i32
  }
  func.func @transform_16(%arg0: i32) -> (i32, i32) {
    %c0_i32 = arith.constant 0 : i32
    %c0_i32_0 = arith.constant 0 : i32
    %c0_i32_1 = arith.constant 0 : i32
    return %c0_i32, %c0_i32_0 : i32, i32
  }
  func.func @transform_17(%arg0: i32) -> (i32, i32) {
    %c0_i32 = arith.constant 0 : i32
    %c0_i32_0 = arith.constant 0 : i32
    %c0_i32_1 = arith.constant 0 : i32
    return %c0_i32, %c0_i32_0 : i32, i32
  }
  func.func @transform_18(%arg0: i32) -> (i32, i32) {
    %c0_i32 = arith.constant 0 : i32
    %c0_i32_0 = arith.constant 0 : i32
    return %arg0, %c0_i32 : i32, i32
  }
  func.func @transform_19(%arg0: i32) -> (i32, i32) {
    %c0_i32 = arith.constant 0 : i32
    %c0_i32_0 = arith.constant 0 : i32
    %c0_i32_1 = arith.constant 0 : i32
    return %c0_i32, %c0_i32_0 : i32, i32
  }
}

module attributes {stable_mosaic.version = 14 : i64} {
  func.func @_update_body(%arg0: i32, %arg1: memref<2000x64xf32, #tpu.memory_space<vmem>>, %arg2: memref<2000x64xf32, #tpu.memory_space<vmem>>, %arg3: memref<8x64xf32, #tpu.memory_space<vmem>>, %arg4: memref<1x64xf32, #tpu.memory_space<vmem>>, %arg5: memref<1x64xf32, #tpu.memory_space<vmem>>, %arg6: memref<2000x64xf32, #tpu.memory_space<vmem>>) attributes {dimension_semantics = [#tpu.dimension_semantics<arbitrary>], iteration_bounds = array<i64: 25>, scalar_prefetch = 0 : i64, scratch_operands = 0 : i64, tpu.core_type = #tpu.core_type<tc>, window_params = [{transform_indices = @transform_0, window_bounds = array<i64: 2000, 64>}, {transform_indices = @transform_1, window_bounds = array<i64: 2000, 64>}, {pipeline_mode = #tpu.pipeline_mode<synchronous>, transform_indices = @transform_2, window_bounds = array<i64: 8, 64>}, {pipeline_mode = #tpu.pipeline_mode<synchronous>, transform_indices = @transform_3, window_bounds = array<i64: 1, 64>}, {pipeline_mode = #tpu.pipeline_mode<synchronous>, transform_indices = @transform_4, window_bounds = array<i64: 1, 64>}, {transform_indices = @transform_5, window_bounds = array<i64: 2000, 64>}]} {
    %get3A = arith.constant 0 : index
    %get3A_0 = arith.constant 0 : index
    %get3A_1 = vector.load %arg3[%get3A, %get3A_0] : memref<8x64xf32, #tpu.memory_space<vmem>>, vector<1x64xf32>
    %mul3A = arith.constant 2.000000e-05 : f32
    %mul3A_2 = vector.broadcast %mul3A : f32 to vector<1x64xf32>
    %mul3A_3 = arith.mulf %get3A_1, %mul3A_2 : vector<1x64xf32>
    %get3A_4 = arith.constant 1 : index
    %get3A_5 = arith.constant 0 : index
    %get3A_6 = vector.load %arg3[%get3A_4, %get3A_5] : memref<8x64xf32, #tpu.memory_space<vmem>>, vector<1x64xf32>
    %mul3A_7 = arith.constant 2.000000e-05 : f32
    %mul3A_8 = vector.broadcast %mul3A_7 : f32 to vector<1x64xf32>
    %mul3A_9 = arith.mulf %get3A_6, %mul3A_8 : vector<1x64xf32>
    %mul3A_10 = arith.mulf %mul3A_3, %mul3A_3 : vector<1x64xf32>
    %sub3A = arith.subf %mul3A_9, %mul3A_10 : vector<1x64xf32>
    %get3A_11 = arith.constant 0 : index
    %get3A_12 = arith.constant 0 : index
    %get3A_13 = vector.load %arg4[%get3A_11, %get3A_12] : memref<1x64xf32, #tpu.memory_space<vmem>>, vector<1x64xf32>
    %add3A = arith.constant 9.99999974E-6 : f32
    %add3A_14 = vector.broadcast %add3A : f32 to vector<1x64xf32>
    %add3A_15 = arith.addf %sub3A, %add3A_14 : vector<1x64xf32>
    %rsqrt3A = math.rsqrt %add3A_15 : vector<1x64xf32>
    %mul3A_16 = arith.mulf %get3A_13, %rsqrt3A : vector<1x64xf32>
    %get3A_17 = arith.constant 0 : index
    %get3A_18 = arith.constant 0 : index
    %get3A_19 = vector.load %arg5[%get3A_17, %get3A_18] : memref<1x64xf32, #tpu.memory_space<vmem>>, vector<1x64xf32>
    %mul3A_20 = arith.mulf %mul3A_3, %mul3A_16 : vector<1x64xf32>
    %sub3A_21 = arith.subf %get3A_19, %mul3A_20 : vector<1x64xf32>
    %get3A_22 = arith.constant 0 : index
    %get3A_23 = arith.constant 0 : index
    %get3A_24 = vector.load %arg1[%get3A_22, %get3A_23] : memref<2000x64xf32, #tpu.memory_space<vmem>>, vector<2000x64xf32>
    %get3A_25 = arith.constant 0 : index
    %get3A_26 = arith.constant 0 : index
    %get3A_27 = vector.load %arg2[%get3A_25, %get3A_26] : memref<2000x64xf32, #tpu.memory_space<vmem>>, vector<2000x64xf32>
    %mul3A_28 = vector.broadcast %mul3A_16 : vector<1x64xf32> to vector<2000x64xf32>
    %mul3A_29 = arith.mulf %get3A_27, %mul3A_28 : vector<2000x64xf32>
    %add3A_30 = arith.addf %get3A_24, %mul3A_29 : vector<2000x64xf32>
    %add3A_31 = vector.broadcast %sub3A_21 : vector<1x64xf32> to vector<2000x64xf32>
    %add3A_32 = arith.addf %add3A_30, %add3A_31 : vector<2000x64xf32>
    %custom_jvp_call3A = arith.constant 0.000000e+00 : f32
    %max3A = vector.broadcast %custom_jvp_call3A : f32 to vector<2000x64xf32>
    %max3A_33 = arith.maximumf %add3A_32, %max3A : vector<2000x64xf32>
    %sub3A_34 = vector.broadcast %custom_jvp_call3A : f32 to vector<2000x64xf32>
    %sub3A_35 = arith.subf %add3A_32, %sub3A_34 : vector<2000x64xf32>
    %ne3A = arith.cmpf one, %sub3A_35, %sub3A_35 : vector<2000x64xf32>
    %add3A_36 = vector.broadcast %custom_jvp_call3A : f32 to vector<2000x64xf32>
    %add3A_37 = arith.addf %add3A_32, %add3A_36 : vector<2000x64xf32>
    %abs3A = math.absf %sub3A_35 : vector<2000x64xf32>
    %neg3A = arith.constant 0.000000e+00 : f32
    %neg3A_38 = vector.broadcast %neg3A : f32 to vector<2000x64xf32>
    %neg3A_39 = arith.subf %neg3A_38, %abs3A : vector<2000x64xf32>
    %exp3A = math.exp %neg3A_39 : vector<2000x64xf32>
    %log1p3A = math.log1p %exp3A : vector<2000x64xf32>
    %add3A_40 = arith.addf %max3A_33, %log1p3A : vector<2000x64xf32>
    %select_n3A = arith.select %ne3A, %add3A_37, %add3A_40 : vector<2000x64xi1>, vector<2000x64xf32>
    %swap3A = arith.constant 0 : index
    %swap3A_41 = arith.constant 0 : index
    %swap3A_42 = vector.load %arg6[%swap3A, %swap3A_41] : memref<2000x64xf32, #tpu.memory_space<vmem>>, vector<2000x64xf32>
    tpu.vector_store %arg6[%swap3A, %swap3A_41], %select_n3A {strides = array<i32>} : memref<2000x64xf32, #tpu.memory_space<vmem>>, vector<2000x64xf32>,
    return
  }
  func.func @transform_0(%arg0: i32) -> (i32, i32) {
    %c0_i32 = arith.constant 0 : i32
    %c0_i32_0 = arith.constant 0 : i32
    return %arg0, %c0_i32 : i32, i32
  }
  func.func @transform_1(%arg0: i32) -> (i32, i32) {
    %c0_i32 = arith.constant 0 : i32
    %c0_i32_0 = arith.constant 0 : i32
    return %arg0, %c0_i32 : i32, i32
  }
  func.func @transform_2(%arg0: i32) -> (i32, i32) {
    %c0_i32 = arith.constant 0 : i32
    %c0_i32_0 = arith.constant 0 : i32
    %c0_i32_1 = arith.constant 0 : i32
    return %c0_i32, %c0_i32_0 : i32, i32
  }
  func.func @transform_3(%arg0: i32) -> (i32, i32) {
    %c0_i32 = arith.constant 0 : i32
    %c0_i32_0 = arith.constant 0 : i32
    %c0_i32_1 = arith.constant 0 : i32
    return %c0_i32, %c0_i32_0 : i32, i32
  }
  func.func @transform_4(%arg0: i32) -> (i32, i32) {
    %c0_i32 = arith.constant 0 : i32
    %c0_i32_0 = arith.constant 0 : i32
    %c0_i32_1 = arith.constant 0 : i32
    return %c0_i32, %c0_i32_0 : i32, i32
  }
  func.func @transform_5(%arg0: i32) -> (i32, i32) {
    %c0_i32 = arith.constant 0 : i32
    %c0_i32_0 = arith.constant 0 : i32
    return %arg0, %c0_i32 : i32, i32
  }
}

module attributes {stable_mosaic.version = 14 : i64} {
  func.func @_readout_body(%arg0: memref<16384x64xf32, #tpu.memory_space<vmem>>, %arg1: memref<64x64xf32, #tpu.memory_space<vmem>>, %arg2: memref<1x64xf32, #tpu.memory_space<vmem>>, %arg3: memref<64x64xf32, #tpu.memory_space<vmem>>, %arg4: memref<1x64xf32, #tpu.memory_space<vmem>>, %arg5: memref<64x128xf32, #tpu.memory_space<vmem>>, %arg6: memref<1x128xf32, #tpu.memory_space<vmem>>, %arg7: memref<256x128xf32, #tpu.memory_space<vmem>>) attributes {dimension_semantics = [], scalar_prefetch = 0 : i64, scratch_operands = 0 : i64, tpu.core_type = #tpu.core_type<tc>} {
    %get3A = arith.constant 0 : index
    %get3A_0 = arith.constant 0 : index
    %get3A_1 = vector.load %arg0[%get3A, %get3A_0] : memref<16384x64xf32, #tpu.memory_space<vmem>>, vector<16384x64xf32>
    %mul3A = arith.mulf %get3A_1, %get3A_1 : vector<16384x64xf32>
    %reduce_sum3A = arith.constant dense<0.000000e+00> : vector<16384xf32>
    %reduce_sum3A_2 = vector.multi_reduction <add>, %mul3A, %reduce_sum3A [1] : vector<16384x64xf32> to vector<16384xf32>
    %broadcast_in_dim3A = vector.shape_cast %reduce_sum3A_2 : vector<16384xf32> to vector<16384x1xf32>
    %sqrt3A = math.sqrt %broadcast_in_dim3A : vector<16384x1xf32>
    %max3A = arith.constant 9.99999996E-13 : f32
    %max3A_3 = vector.broadcast %max3A : f32 to vector<16384x1xf32>
    %max3A_4 = arith.maximumf %sqrt3A, %max3A_3 : vector<16384x1xf32>
    %div3A = vector.broadcast %max3A_4 : vector<16384x1xf32> to vector<16384x64xf32>
    %div3A_5 = arith.divf %get3A_1, %div3A : vector<16384x64xf32>
    %reshape3A = vector.shape_cast %div3A_5 : vector<16384x64xf32> to vector<256x64x64xf32>
    %reduce_sum3A_6 = arith.constant dense<0.000000e+00> : vector<256x64xf32>
    %reduce_sum3A_7 = vector.multi_reduction <add>, %reshape3A, %reduce_sum3A_6 [1] : vector<256x64x64xf32> to vector<256x64xf32>
    %div3A_8 = arith.constant 6.400000e+01 : f32
    %div3A_9 = vector.broadcast %div3A_8 : f32 to vector<256x64xf32>
    %div3A_10 = arith.divf %reduce_sum3A_7, %div3A_9 : vector<256x64xf32>
    %get3A_11 = arith.constant 0 : index
    %get3A_12 = arith.constant 0 : index
    %get3A_13 = vector.load %arg1[%get3A_11, %get3A_12] : memref<64x64xf32, #tpu.memory_space<vmem>>, vector<64x64xf32>
    %dot_general3A = arith.constant dense<0.000000e+00> : vector<256x64xf32>
    %dot_general3A_14 = tpu.matmul %div3A_10, %get3A_13, %dot_general3A {dimension_numbers = #tpu.dot_dimension_numbers<[1], [0], [0], [1], [0, 0, 1, 1], [], []>, transpose_lhs_hint = false} : vector<256x64xf32>, vector<64x64xf32>, vector<256x64xf32> -> vector<256x64xf32>
    %get3A_15 = arith.constant 0 : index
    %get3A_16 = arith.constant 0 : index
    %get3A_17 = vector.load %arg2[%get3A_15, %get3A_16] : memref<1x64xf32, #tpu.memory_space<vmem>>, vector<1x64xf32>
    %add3A = vector.broadcast %get3A_17 : vector<1x64xf32> to vector<256x64xf32>
    %add3A_18 = arith.addf %dot_general3A_14, %add3A : vector<256x64xf32>
    %custom_jvp_call3A = arith.constant 0.000000e+00 : f32
    %max3A_19 = vector.broadcast %custom_jvp_call3A : f32 to vector<256x64xf32>
    %max3A_20 = arith.maximumf %add3A_18, %max3A_19 : vector<256x64xf32>
    %sub3A = vector.broadcast %custom_jvp_call3A : f32 to vector<256x64xf32>
    %sub3A_21 = arith.subf %add3A_18, %sub3A : vector<256x64xf32>
    %ne3A = arith.cmpf one, %sub3A_21, %sub3A_21 : vector<256x64xf32>
    %add3A_22 = vector.broadcast %custom_jvp_call3A : f32 to vector<256x64xf32>
    %add3A_23 = arith.addf %add3A_18, %add3A_22 : vector<256x64xf32>
    %abs3A = math.absf %sub3A_21 : vector<256x64xf32>
    %neg3A = arith.constant 0.000000e+00 : f32
    %neg3A_24 = vector.broadcast %neg3A : f32 to vector<256x64xf32>
    %neg3A_25 = arith.subf %neg3A_24, %abs3A : vector<256x64xf32>
    %exp3A = math.exp %neg3A_25 : vector<256x64xf32>
    %log1p3A = math.log1p %exp3A : vector<256x64xf32>
    %add3A_26 = arith.addf %max3A_20, %log1p3A : vector<256x64xf32>
    %select_n3A = arith.select %ne3A, %add3A_23, %add3A_26 : vector<256x64xi1>, vector<256x64xf32>
    %get3A_27 = arith.constant 0 : index
    %get3A_28 = arith.constant 0 : index
    %get3A_29 = vector.load %arg3[%get3A_27, %get3A_28] : memref<64x64xf32, #tpu.memory_space<vmem>>, vector<64x64xf32>
    %dot_general3A_30 = arith.constant dense<0.000000e+00> : vector<256x64xf32>
    %dot_general3A_31 = tpu.matmul %select_n3A, %get3A_29, %dot_general3A_30 {dimension_numbers = #tpu.dot_dimension_numbers<[1], [0], [0], [1], [0, 0, 1, 1], [], []>, transpose_lhs_hint = false} : vector<256x64xf32>, vector<64x64xf32>, vector<256x64xf32> -> vector<256x64xf32>
    %get3A_32 = arith.constant 0 : index
    %get3A_33 = arith.constant 0 : index
    %get3A_34 = vector.load %arg4[%get3A_32, %get3A_33] : memref<1x64xf32, #tpu.memory_space<vmem>>, vector<1x64xf32>
    %add3A_35 = vector.broadcast %get3A_34 : vector<1x64xf32> to vector<256x64xf32>
    %add3A_36 = arith.addf %dot_general3A_31, %add3A_35 : vector<256x64xf32>
    %custom_jvp_call3A_37 = arith.constant 0.000000e+00 : f32
    %max3A_38 = vector.broadcast %custom_jvp_call3A_37 : f32 to vector<256x64xf32>
    %max3A_39 = arith.maximumf %add3A_36, %max3A_38 : vector<256x64xf32>
    %sub3A_40 = vector.broadcast %custom_jvp_call3A_37 : f32 to vector<256x64xf32>
    %sub3A_41 = arith.subf %add3A_36, %sub3A_40 : vector<256x64xf32>
    %ne3A_42 = arith.cmpf one, %sub3A_41, %sub3A_41 : vector<256x64xf32>
    %add3A_43 = vector.broadcast %custom_jvp_call3A_37 : f32 to vector<256x64xf32>
    %add3A_44 = arith.addf %add3A_36, %add3A_43 : vector<256x64xf32>
    %abs3A_45 = math.absf %sub3A_41 : vector<256x64xf32>
    %neg3A_46 = arith.constant 0.000000e+00 : f32
    %neg3A_47 = vector.broadcast %neg3A_46 : f32 to vector<256x64xf32>
    %neg3A_48 = arith.subf %neg3A_47, %abs3A_45 : vector<256x64xf32>
    %exp3A_49 = math.exp %neg3A_48 : vector<256x64xf32>
    %log1p3A_50 = math.log1p %exp3A_49 : vector<256x64xf32>
    %add3A_51 = arith.addf %max3A_39, %log1p3A_50 : vector<256x64xf32>
    %select_n3A_52 = arith.select %ne3A_42, %add3A_44, %add3A_51 : vector<256x64xi1>, vector<256x64xf32>
    %get3A_53 = arith.constant 0 : index
    %get3A_54 = arith.constant 0 : index
    %get3A_55 = vector.load %arg5[%get3A_53, %get3A_54] : memref<64x128xf32, #tpu.memory_space<vmem>>, vector<64x128xf32>
    %dot_general3A_56 = arith.constant dense<0.000000e+00> : vector<256x128xf32>
    %dot_general3A_57 = tpu.matmul %select_n3A_52, %get3A_55, %dot_general3A_56 {dimension_numbers = #tpu.dot_dimension_numbers<[1], [0], [0], [1], [0, 0, 1, 1], [], []>, transpose_lhs_hint = false} : vector<256x64xf32>, vector<64x128xf32>, vector<256x128xf32> -> vector<256x128xf32>
    %get3A_58 = arith.constant 0 : index
    %get3A_59 = arith.constant 0 : index
    %get3A_60 = vector.load %arg6[%get3A_58, %get3A_59] : memref<1x128xf32, #tpu.memory_space<vmem>>, vector<1x128xf32>
    %add3A_61 = vector.broadcast %get3A_60 : vector<1x128xf32> to vector<256x128xf32>
    %add3A_62 = arith.addf %dot_general3A_57, %add3A_61 : vector<256x128xf32>
    %swap3A = arith.constant 0 : index
    %swap3A_63 = arith.constant 0 : index
    %swap3A_64 = vector.load %arg7[%swap3A, %swap3A_63] : memref<256x128xf32, #tpu.memory_space<vmem>>, vector<256x128xf32>
    tpu.vector_store %arg7[%swap3A, %swap3A_63], %add3A_62 {strides = array<i32>} : memref<256x128xf32, #tpu.memory_space<vmem>>, vector<256x128xf32>,
    return
  }
}

</mosaic_0001>

<sc_bundles>
// kernel: kernel.17.cloned.1.call-start
scs
__scs_entry_jumppad:
0x0: {  	(pc) =	sbr.rel $0x88, $3  }
0x1: {  	(tag) =	ssettag $0x0;
	lr =	simm.s32 $0x1  }
0x2: {  	[smem:$0x3F83] =	sst lr;
	_ =	strace $0xD0000000  }
0x3: {  	_ = 	snop  }
0x4: {  	_ = 	snop  }
0x5: {  	_ = 	snop  }
0x6: {  	_ = 	snop  }
0x7: {  	_ = 	snop  }
__scs_overlays_trampoline_lowered:
0x8: {  	[smem:$0x3F92] =	sst s0  }
0x9: {  	[smem:$0x3F93] =	sst s1  }
0xa: {  	[smem:$0x3F94] =	sst s2  }
0xb: {  	[smem:$0x3F95] =	sst s3  }
0xc: {  	[smem:$0x3F96] =	sst s4  }
0xd: {  	[smem:$0x3F97] =	sst s5  }
0xe: {  	[smem:$0x3F98] =	sst s6  }
0xf: {  	[smem:$0x3F99] =	sst s7  }
0x10: {  	[smem:$0x3F9A] =	sst s8  }
0x11: {  	[smem:$0x3F9B] =	sst s9;
	s0 =	simm.s32 @!p0 $0x0  }
0x12: {  	s1 =	sld [smem:$0x3F81];
	s0 =	simm.s32 @p0 $0x1  }
0x13: {  	[smem:$0x3F9C] =	sst s0;
	s0 =	simm.s32 @!p1 $0x0  }
0x14: {  	s2 =	sld [smem:$0x3F80];
	s0 =	simm.s32 @p1 $0x1  }
0x15: {  	[smem:$0x3F9D] =	sst s0;
	s0 =	simm.s32 @!p2 $0x0  }
0x16: {  	s3 =	sld [smem:$0x3FDB];
	s0 =	simm.s32 @p2 $0x1  }
0x17: {  	s4 =	simm.s32 $0x1BF5;
	[smem:$0x3F9F] =	sst s0  }
0x18: {  	s0 =	sld [smem:$0x3F82];
	_ =	swait.ge [sflag:s4], $0x0  }
0x19: {  	s7 =	sld [smem:$0x3F83]  }
0x1a: {  	s8 =	sadd.s32 $0xFFFFE003, lr  }
0x1b: {  	s9 =	sadd.s32 $0xFFFFFEF7, lr;
	s5 =	simm.s32 $0xFFFFFFFF;
	p2 =	slt.u32 s8, $0xFFFFF086  }
0x1c: {  	p1 =	slt.u32 s9, $0xF7A;
	s5 =	simm.s32 @!p2 $0x0  }
0x1d: {  	s5 =	simm.s32 @p1 $0x1;
	p0 =	seq.s32 s7, s2  }
0x1e: {  	s7 =	smul.u32 @!p0 $0xF7A, s2;
	p2 =	seq.s32 @!p0 s5, $0x0  }
0x1f: {  	s9 =	smul.u32 $0xF7A, s1;
	s8 =	simm.s32 @!p0 $0x1BF5;
	p2 =	por !p2, p0  }
0x20: {  	[sflag:s8] =	ssyncset.s32 @!p0 $0xFFFFF086;
	s6 =	sadd.s32 @!p0 s3, s7;
	s7 =	simm.s32 @!p0 $0x108  }
0x21: {  	s3 =	sadd.s32 s3, s9;
	s6 =	sadd.s32 @!p0 $0x88, s6;
	s7 =	simm.s32 @p2 $0x1082  }
0x22: {  	[simem:s7], [sflag:s8] =	dma.local @!p0 [hbm:s6], $0xF7A  }
0x23: {  	s9 =	sor.u32 $0xD0000000, s2;
	s6 =	simm.s32 $0x108;
	_ =	swait.ge @!p0 [sflag:s8], $0x0  }
0x24: {  	s3 =	sadd.s32 $0x88, s3;
	s6 =	simm.s32 @!p1 $0x1082;
	[sflag:s4] =	ssyncset.s32 $0xFFFFF086  }
0x25: {  	[simem:s6], [sflag:s4] =	dma.local [hbm:s3], $0xF7A  }
0x26: {  	[smem:$0x3F83] =	sst s1;
	(tag) =	ssettag s2;
	_ =	strace s9  }
0x27: {  	s1 =	sld [smem:$0x3F93]  }
0x28: {  	s2 =	sld [smem:$0x3F94]  }
0x29: {  	s4 =	sld [smem:$0x3F96]  }
0x2a: {  	p0 =	seq.s32 s5, $0x0;
	s5 =	sld [smem:$0x3F97]  }
0x2b: {  	s6 =	sld [smem:$0x3F98]  }
0x2c: {  	s7 =	sld [smem:$0x3F99]  }
0x2d: {  	s3 =	simm.s32 $0x108;
	s8 =	sld [smem:$0x3F9A]  }
0x2e: {  	s3 =	simm.s32 @!p0 $0x1082;
	s9 =	sld [smem:$0x3F9B]  }
0x2f: {  	lr =	sadd.s32 s0, s3;
	s0 =	sld [smem:$0x3F92]  }
0x30: {  	s3 =	sld [smem:$0x3F95]  }
0x31: {  	[smem:$0x3F9E] =	sst s10  }
0x32: {  	s10 =	sld [smem:$0x3F9C];
	_ =	sdelay $0x3  }
0x33: {  	p0 =	seq.s32 s10, $0x1;
	s10 =	sld [smem:$0x3F9E];
	_ =	sdelay $0x3  }
0x34: {  	[smem:$0x3F9E] =	sst s10  }
0x35: {  	s10 =	sld [smem:$0x3F9D];
	_ =	sdelay $0x3  }
0x36: {  	p1 =	seq.s32 s10, $0x1;
	s10 =	sld [smem:$0x3F9E];
	_ =	sdelay $0x3  }
0x37: {  	[smem:$0x3F9E] =	sst s10  }
0x38: {  	s10 =	sld [smem:$0x3F9F]  }
0x39: {  	_ = 	snop;
	(pc) =	sbr.ind lr, $3  }
0x3a: {  	_ = 	snop  }
0x3b: {  	_ = 	snop  }
0x3c: {  	p2 =	seq.s32 s10, $0x1;
	s10 =	sld [smem:$0x3F9E]  }
0x3d: {  	_ =	shalt  }
0x3e: {  	_ =	shalt  }
0x3f: {  	_ =	shalt  }
0x40: {  	_ =	shalt  }
0x41: {  	_ =	shalt  }
0x42: {  	_ =	shalt  }
0x43: {  	_ =	shalt  }
0x44: {  	_ =	shalt  }
0x45: {  	_ =	shalt  }
0x46: {  	_ =	shalt  }
0x47: {  	_ =	shalt  }
0x48: {  	_ =	shalt  }
0x49: {  	_ =	shalt  }
0x4a: {  	_ =	shalt  }
0x4b: {  	_ =	shalt  }
0x4c: {  	_ =	shalt  }
0x4d: {  	_ =	shalt  }
0x4e: {  	_ =	shalt  }
0x4f: {  	_ =	shalt  }
0x50: {  	_ =	shalt  }
0x51: {  	_ =	shalt  }
0x52: {  	_ =	shalt  }
0x53: {  	_ =	shalt  }
0x54: {  	_ =	shalt  }
0x55: {  	_ =	shalt  }
0x56: {  	_ =	shalt  }
0x57: {  	_ =	shalt  }
0x58: {  	_ =	shalt  }
0x59: {  	_ =	shalt  }
0x5a: {  	_ =	shalt  }
0x5b: {  	_ =	shalt  }
0x5c: {  	_ =	shalt  }
0x5d: {  	_ =	shalt  }
0x5e: {  	_ =	shalt  }
0x5f: {  	_ =	shalt  }
0x60: {  	_ =	shalt  }
0x61: {  	_ =	shalt  }
0x62: {  	_ =	shalt  }
0x63: {  	_ =	shalt  }
0x64: {  	_ =	shalt  }
0x65: {  	_ =	shalt  }
0x66: {  	_ =	shalt  }
0x67: {  	_ =	shalt  }
0x68: {  	_ =	shalt  }
0x69: {  	_ =	shalt  }
0x6a: {  	_ =	shalt  }
0x6b: {  	_ =	shalt  }
0x6c: {  	_ =	shalt  }
0x6d: {  	_ =	shalt  }
0x6e: {  	_ =	shalt  }
0x6f: {  	_ =	shalt  }
0x70: {  	_ =	shalt  }
0x71: {  	_ =	shalt  }
0x72: {  	_ =	shalt  }
0x73: {  	_ =	shalt  }
0x74: {  	_ =	shalt  }
0x75: {  	_ =	shalt  }
0x76: {  	_ =	shalt  }
0x77: {  	_ =	shalt  }
0x78: {  	_ =	shalt  }
0x79: {  	_ =	shalt  }
0x7a: {  	_ =	shalt  }
0x7b: {  	_ =	shalt  }
0x7c: {  	_ =	shalt  }
0x7d: {  	_ =	shalt  }
0x7e: {  	_ =	shalt  }
0x7f: {  	_ =	shalt  }
0x80: {  	_ =	shalt  }
0x81: {  	_ =	shalt  }
0x82: {  	_ =	shalt  }
0x83: {  	_ =	shalt  }
0x84: {  	_ =	shalt  }
0x85: {  	_ =	shalt  }
0x86: {  	_ =	shalt  }
0x87: {  	_ =	shalt  }
.Lfunc_end0:
.L_simem_size_0:
called_computation.1_lowered:
.L_overlay_start_0:
0x88: {  	s2 =	sld [smem:$0x3FD9]  }
0x89: {  	s3 =	sld [smem:$0x3FFE];
	_ =	sdelay $0x1  }
0x8a: {  	s1 =	srdreg.scid  }
0x8b: {  	s0 =	sand.u32 $0x1, s1  }
0x8c: {  	s17 =	sshll.u32 s0, $0xA;
	s2 =	sadd.s32 s3, s2  }
0x8d: {  	s2 =	sadd.s32 s2, s17  }
0x8e: {  	[smem:$0x3FAA] =	sst s2  }
0x8f: {  	_ = 	snop  }
0x90: {  	(tm) =	ssettm $0x1  }
0x91: {  	s18 =	sld [smem:$0x3FFB];
	_ =	sdelay $0x3  }
0x92: {  	_ =	strace s18  }
0x93: {  	s2 =	sld [smem:$0x3FFC];
	_ =	sdelay $0x3  }
0x94: {  	_ =	strace s2  }
0x95: {  	s2 =	sld [smem:$0x3FFD];
	_ =	sdelay $0x3  }
0x96: {  	_ =	strace s2  }
0x97: {  	_ =	strace $0x8FFFFFFF  }
0x98: {  	s19 =	sld [smem:$0x3FDB];
	_ =	sdelay $0x1  }
0x99: {  	s20 =	simm.s32 $_scs_section_size  }
0x9a: {  	s4 =	simm.s32 $_size__tile_overlayer_lowered;
	s5 =	simm.s32 $_tile_overlayer_lowered  }
0x9b: {  	s6 =	simm.s32 $0x1BFF;
	s21 =	sshll.u32 s5, $0x1;
	s3 =	sadd.s32 s20, s19  }
0x9c: {  	s22 =	simm.s32 $0x0;
	s4 =	sshll.u32 s4, $0x1;
	s5 =	sadd.s32 s21, s3  }
0x9d: {  	[timem:s22], [sflag:s6] =	dma.local [hbm:s5], s4  }
0x9e: {  	_ =	swait.ge [sflag:s6], s4  }
0x9f: {  	s4 =	ssub.s32 $0x0, s4;
	[sflag:s6] =	ssyncset.done $0x0  }
0xa0: {  	[sflag:s6] =	ssyncadd.s32 s4;
	_ =	sdelay $0x1  }
0xa1: {  	s23 =	simm.s32 $0x1B8B  }
0xa2: {  	_ =	swait.ge [sflag:s23], $0x1  }
0xa3: {  	[sflag:s23] =	ssyncset.done $0x0  }
0xa4: {  	[sflag:s23] =	ssyncadd.s32 $0xFFFFFFFF  }
0xa5: {  	s4 =	sld [smem:$0x0]  }
0xa6: {  	s5 =	sand.u32 $0xFFFFFFFE, s1  }
0xa7: {  	p0 =	sne.s32 s1, s5  }
0xa8: {  	s5 =	sshll.u32 @p0 s5, $0xE  }
0xa9: {  	s5 =	sadd.s32 @p0 $0x11B8D, s5;
	s6 =	sshll.u32 @p0 s4, $0x11  }
0xaa: {  	s5 =	sor.u32 @p0 s6, s5  }
0xab: {  	[sflag:s5] =	ssyncadd.remote.s32 @p0 $0x1;
	_ =	sdelay $0x1  }
0xac: {  	s5 =	simm.s32 @p0 $0x1B8D  }
0xad: {  	_ =	swait.eq @p0 [sflag:s5], $0x1  }
0xae: {  	[sflag:s5] =	ssyncadd.s32 @p0 $0xFFFFFFFF  }
0xaf: {  	s6 =	sshll.u32 @!p0 s1, $0xE  }
0xb0: {  	s6 =	sor.u32 @!p0 $0x4000, s6;
	s5 =	simm.s32 @!p0 $0x1B8D  }
0xb1: {  	s4 =	sshll.u32 @!p0 s4, $0x11;
	s6 =	sadd.s32 @!p0 $0x11B8D, s6;
	_ =	swait.eq @!p0 [sflag:s5], $0x1  }
0xb2: {  	s4 =	sor.u32 @!p0 s4, s6;
	[sflag:s5] =	ssyncadd.s32 @!p0 $0xFFFFFFFF  }
0xb3: {  	s25 =	simm.s32 $0x1B8E;
	s24 =	sld [smem:$0x3FFE];
	[sflag:s4] =	ssyncadd.remote.s32 @!p0 $0x1  }
0xb4: {  	s26 =	simm.s32 $execute0_lowered;
	[smem:$0x3FD2] =	sst s25  }
0xb5: {  	s5 =	sshll.u32 s26, $0x1;
	_ =	strace $0x80000049;
	[dreg:$0x1] =	wrdreg $0xFFFFFFFF  }
0xb6: {  	s28 =	simm.s32 $_size_execute0_lowered;
	s3 =	sadd.s32 s3, s5;
	[dreg:$0x0] =	wrdreg $0x0  }
0xb7: {  	s5 =	sshll.u32 s28, $0x1;
	[dreg:$0x2] =	wrdreg s3  }
0xb8: {  	[dreg:$0x3] =	wrdreg s5  }
0xb9: {  	[dreg:$0x4] =	wrdreg $0xC0  }
0xba: {  	_ =	task [dreg:s22], $0x5FFFF  }
0xbb: {  	[dreg:$0x1] =	wrdreg $0xFFFFFFFF  }
0xbc: {  	[dreg:$0x0] =	wrdreg $0x60  }
0xbd: {  	[dreg:$0x2] =	wrdreg s24  }
0xbe: {  	[dreg:$0x3] =	wrdreg $0xA  }
0xbf: {  	_ =	task.clear_ibuf [dreg:s22], $0x4FFFF;
	_ =	strace $0x90000049  }
0xc0: {  	s29 =	simm.s32 $0xA;
	_ =	strace $0x8000004B  }
0xc1: {  	_ =	swait.ge [sflag:s29], $0x1  }
0xc2: {  	[sflag:s29] =	ssyncadd.s32 $0xFFFFFFFF  }
0xc3: {  	_ =	strace $0x9000004B  }
0xc4: {  	_ =	sfence  }
0xc5: {  	s30 =	sld [smem:$0x0];
	_ =	sdelay $0x2  }
0xc6: {  	s31 =	sshll.u32 s1, $0xD;
	s1 =	sshrl.u32 s1, $0x2  }
0xc7: {  	s4 =	sand.u32 $0x4000, s31;
	s1 =	sadd.s32 s1, s30  }
0xc8: {  	s0 =	sor.u32 s4, s0;
	s1 =	sshll.u32 s1, $0x11  }
0xc9: {  	s0 =	sor.u32 s1, s0  }
0xca: {  	s0 =	sadd.s32 $0x8F2B, s0  }
0xcb: {  	[sflag:s0] =	ssyncadd.remote.s32 $0x1  }
0xcc: {  	_ =	sfence.sel $0xFFFF  }
0xcd: {  	[dreg:$0x0] =	wrdreg $0xFFFFFFFF;
	(pc) =	sbr.abs _section_cstart, $3  }
0xce: {  	[dreg:$0x1] =	wrdreg $0xFFFFFFFF  }
0xcf: {  	_ =	task.clear_ibuf [dreg:s22], $0x2FFFF;
	_ =	strace $0x9FFFFFFF  }
0xd0: {  	(tm) =	ssettm $0x7FFFFFFF  }
0xd1: {  	_ =	shalt  }
tec
execute0_lowered:
.L_overlay_start_1:
0x0: {  	(tag) =	ssettag $0x1  }
0x1: {  	s0 =	rddreg [dreg:$0x0];
	s10 =	stileid.u32  }
0x2: {  	s2 =	simm.s32 $0x0;
	s3 =	srdreg.scid;
	s11 =	simm.s32 $0x2500  }
0x3: {  	s12 =	simm.s32 $0x100;
	s13 =	simm.s32 $0x4500;
	s14 =	simm.s32 $0x180  }
0x4: {  	s15 =	simm.s32 $0x6500;
	s16 =	simm.s32 $0x200;
	s17 =	simm.s32 $0x8500  }
0x5: {  	s18 =	simm.s32 $0x280;
	s19 =	simm.s32 $0xA500;
	s20 =	simm.s32 $0x300  }
0x6: {  	s21 =	simm.s32 $0xC500;
	s22 =	simm.s32 $0x380;
	s23 =	simm.s32 $0xE500  }
0x7: {  	s24 =	simm.s32 $0x400;
	s28 =	simm.s32 $0x12500;
	s29 =	simm.s32 $0x1  }
0x8: {  	s30 =	simm.s32 $0x2;
	s31 =	simm.s32 $0x0;
	s1 =	smul.u32 $0x140, s10  }
0x9: {  	[smem:$0x7FF] =	sst s2;
	s4 =	smul.u32 $0x5000, s10;
	s5 =	sand.u32 $0x1, s3  }
0xa: {  	s3 =	sadd.s32 $0x28B800, s0;
	s26 =	sshll.u32 s10, $0x1;
	s10 =	simm.s32 $0x500  }
0xb: {  	_ =	strace $0x8000004A;
	s6 =	ssub.s32 $0x2, s5;
	s7 =	smul.u32 $0xA0, s5  }
0xc: {  	s9 =	smul.u32 $0x2800, s5;
	s8 =	sshrl.u32 s6, $0x1;
	s1 =	sadd.s32 s1, s0  }
.Ltmp0:
0xd: {  	s0 =	sadd.s32 s4, s0;
	s25 =	ssub.s32 s6, s8;
	(pc) =	sbr.rel .LBB2_1-.Ltmp0, $4  }
0xe: {  	s1 =	sadd.s32 s7, s1;
	s0 =	sadd.s32 s9, s0;
	s7 =	sor.u32 s5, s26  }
0xf: {  	s8 =	simm.s32 $0x3;
	s9 =	simm.s32 $0x80;
	s4 =	smax.u32 s25, $0x1  }
0x10: {  	s26 =	simm.s32 $0x480;
	s1 =	sadd.s32 $0x2ED400, s1;
	[dreg:$0x2] =	wrdreg s4  }
0x11: {  	s0 =	sadd.s32 $0x305C00, s0;
	s25 =	simm.s32 $0x10500;
	[dreg:$0x3] =	wrdreg s1  }
.LBB2_5:
0x12: {  	s31 =	sadd.s32 $0x1, s31;
	s1 =	rddreg [dreg:$0x2]  }
0x13: {  	p0 =	sne.s32 s31, s1  }
.Ltmp1:
0x14: {  	_ = 	snop;
	(pc) =	sbr.rel @!p0 .LBB2_6-.Ltmp1, $1  }
0x15: {  	_ =	sdelay $0x3  }
.LBB2_1:
.Ltmp2:
0x16: {  	(pc) =	sbr.rel .LBB2_2-.Ltmp2, $2  }
0x17: {  	_ =	sdelay $0x2  }
0x18: {  	s6 =	smov.u32 s0;
	s5 =	rddreg [dreg:$0x3];
	s4 =	simm.s32 $0x0  }
.LBB2_4:
0x19: {  	s4 =	sadd.s32 $0x20, s4  }
0x1a: {  	p0 =	sne.s32 s4, $0x280  }
.Ltmp3:
0x1b: {  	_ = 	snop;
	(pc) =	sbr.rel @!p0 .LBB2_5-.Ltmp3, $2  }
0x1c: {  	_ =	sdelay $0x2  }
0x1d: {  	s5 =	sadd.s32 $0x1400, s5;
	s6 =	sadd.s32 $0x50000, s6  }
.LBB2_2:
0x1e: {  	s1 =	sadd.s32 s4, s7  }
0x1f: {  	p0 =	sgt.u32 s1, $0x270  }
.Ltmp4:
0x20: {  	_ = 	snop;
	(pc) =	sbr.rel @p0 .LBB2_4-.Ltmp4, $1  }
0x21: {  	_ =	sdelay $0x3  }
0x22: {  	[tilespmem:s2], [sflag:$0x3] =	stream.linear.gather [hbm4b:s5+s2], $0x500, $0x38;
	[tilespmem:$0x14500] =	vst v63  }
0x23: {  	_ =	swait.ge [sflag:s8], $0x500  }
0x24: {  	[sflag:s8] =	ssyncset.done $0x0  }
0x25: {  	[sflag:s8] =	ssyncadd.s32 $0xFFFFFB00  }
0x26: {  	[tilespmem:s10], [sflag:$0x1] =	stream.indirect.gather [hbm4b:s3+s9], $0x40, s2, s9, $0xb8;
	[tilespmem:$0x14500] =	vst v63  }
0x27: {  	_ = 	snop  }
0x28: {  	[tilespmem:s11], [sflag:$0x1] =	stream.indirect.gather [hbm4b:s3+s9], $0x40, s9, s9, $0xb8;
	[tilespmem:$0x14500] =	vst v63  }
0x29: {  	_ = 	snop  }
0x2a: {  	[tilespmem:s13], [sflag:$0x1] =	stream.indirect.gather [hbm4b:s3+s9], $0x40, s12, s9, $0xb8;
	[tilespmem:$0x14500] =	vst v63  }
0x2b: {  	_ = 	snop  }
0x2c: {  	[tilespmem:s15], [sflag:$0x1] =	stream.indirect.gather [hbm4b:s3+s9], $0x40, s14, s9, $0xb8;
	[tilespmem:$0x14500] =	vst v63  }
0x2d: {  	_ = 	snop  }
0x2e: {  	[tilespmem:s17], [sflag:$0x1] =	stream.indirect.gather [hbm4b:s3+s9], $0x40, s16, s9, $0xb8;
	[tilespmem:$0x14500] =	vst v63  }
0x2f: {  	_ = 	snop  }
0x30: {  	[tilespmem:s19], [sflag:$0x1] =	stream.indirect.gather [hbm4b:s3+s9], $0x40, s18, s9, $0xb8;
	[tilespmem:$0x14500] =	vst v63  }
0x31: {  	_ = 	snop  }
0x32: {  	[tilespmem:s21], [sflag:$0x1] =	stream.indirect.gather [hbm4b:s3+s9], $0x40, s20, s9, $0xb8;
	[tilespmem:$0x14500] =	vst v63  }
0x33: {  	_ = 	snop  }
0x34: {  	[tilespmem:s23], [sflag:$0x1] =	stream.indirect.gather [hbm4b:s3+s9], $0x40, s22, s9, $0xb8;
	[tilespmem:$0x14500] =	vst v63  }
0x35: {  	_ = 	snop  }
0x36: {  	[tilespmem:s25], [sflag:$0x1] =	stream.indirect.gather [hbm4b:s3+s9], $0x40, s24, s9, $0xb8;
	[tilespmem:$0x14500] =	vst v63  }
0x37: {  	_ = 	snop  }
0x38: {  	[tilespmem:s28], [sflag:$0x1] =	stream.indirect.gather [hbm4b:s3+s9], $0x40, s26, s9, $0xb8;
	[tilespmem:$0x14500] =	vst v63  }
0x39: {  	_ =	swait.ge [sflag:s29], $0x2000  }
0x3a: {  	[sflag:s29] =	ssyncset.done $0x0  }
0x3b: {  	[sflag:s29] =	ssyncadd.s32 $0xFFFFE000  }
0x3c: {  	_ =	swait.ge [sflag:s29], $0x2000  }
0x3d: {  	[sflag:s29] =	ssyncset.done $0x0  }
0x3e: {  	[sflag:s29] =	ssyncadd.s32 $0xFFFFE000  }
0x3f: {  	_ =	swait.ge [sflag:s29], $0x2000  }
0x40: {  	[sflag:s29] =	ssyncset.done $0x0  }
0x41: {  	[sflag:s29] =	ssyncadd.s32 $0xFFFFE000  }
0x42: {  	_ =	swait.ge [sflag:s29], $0x2000  }
0x43: {  	[sflag:s29] =	ssyncset.done $0x0  }
0x44: {  	[sflag:s29] =	ssyncadd.s32 $0xFFFFE000  }
0x45: {  	_ =	swait.ge [sflag:s29], $0x2000  }
0x46: {  	[sflag:s29] =	ssyncset.done $0x0  }
0x47: {  	[sflag:s29] =	ssyncadd.s32 $0xFFFFE000  }
0x48: {  	_ =	swait.ge [sflag:s29], $0x2000  }
0x49: {  	[sflag:s29] =	ssyncset.done $0x0  }
0x4a: {  	[sflag:s29] =	ssyncadd.s32 $0xFFFFE000  }
0x4b: {  	_ =	swait.ge [sflag:s29], $0x2000  }
0x4c: {  	[sflag:s29] =	ssyncset.done $0x0  }
0x4d: {  	[sflag:s29] =	ssyncadd.s32 $0xFFFFE000  }
0x4e: {  	_ =	swait.ge [sflag:s29], $0x2000  }
0x4f: {  	[sflag:s29] =	ssyncset.done $0x0  }
0x50: {  	[sflag:s29] =	ssyncadd.s32 $0xFFFFE000  }
0x51: {  	_ =	swait.ge [sflag:s29], $0x2000  }
0x52: {  	[sflag:s29] =	ssyncset.done $0x0  }
0x53: {  	[sflag:s29] =	ssyncadd.s32 $0xFFFFE000  }
0x54: {  	_ =	swait.ge [sflag:s29], $0x2000  }
0x55: {  	[sflag:s29] =	ssyncset.done $0x0  }
.Ltmp5:
0x56: {  	[sflag:s29] =	ssyncadd.s32 $0xFFFFE000;
	(pc) =	sbr.rel .LBB2_4-.Ltmp5, $4  }
0x57: {  	[hbm4b:s6+s2] =	stream.linear.scatter [tilespmem:s10], [sflag:$0x2], $0x14000, $0x38;
	[tilespmem:$0x14500] =	vst v63  }
0x58: {  	_ =	swait.ge [sflag:s30], $0x14000  }
0x59: {  	[sflag:s30] =	ssyncset.done $0x0  }
0x5a: {  	[sflag:s30] =	ssyncadd.s32 $0xFFFEC000  }
.LBB2_6:
0x5b: {  	_ =	sfence.sel $0x180000  }
0x5c: {  	[bflag:$0x0] =	sbarrier.arrive $0xFFFF  }
0x5d: {  	_ =	strace $0x9000004A  }
0x5e: {  	s0 =	stileid.u32;
	[bflag:$0x2] =	sbarrier.arrive $0xFFFF  }
0x5f: {  	p0 =	sne.s32 s0, $0x0;
	s0 =	rddreg [dreg:$0x1]  }
0x60: {  	s0 =	sadd.s32 @!p0 $0x100000, s0  }
0x61: {  	[sflag:s0] =	ssyncadd.tile.s32 @!p0 $0x1;
	_ =	shalt  }
.Lfunc_end2:
_tile_overlayer_lowered:
.L_overlay_start_2:
0x62: {  	(tag) =	ssettag $0x2  }
0x63: {  	s0 =	rddreg [dreg:$0x0];
	s2 =	stileid.u32  }
0x64: {  	s1 =	rddreg [dreg:$0x1];
	p0 =	sne.s32 s2, $0x0  }
0x65: {  	s3 =	rddreg [dreg:$0x2];
	[bflag:$0x3] =	sbarrier.arrive $0xFFFF;
	s2 =	simm.s32 @!p0 $0x1C02  }
0x66: {  	[timem:s3], [sflag:s2] =	dma.local @!p0 [hbm:s0], s1  }
0x67: {  	s0 =	simm.s32 @!p0 $0x2  }
0x68: {  	_ =	swait.ge @!p0 [sflag:s0], s1  }
0x69: {  	s1 =	ssub.s32 @!p0 $0x0, s1;
	[sflag:s0] =	ssyncset.done @!p0 $0x0  }
0x6a: {  	[sflag:s0] =	ssyncadd.s32 @!p0 s1  }
0x6b: {  	[bflag:$0x3] =	sbarrier.arrive $0xFFFF  }
0x6c: {  	_ =	shalt  }

// kernel: kernel.20.cloned.1.call-start
scs
__scs_entry_jumppad:
0x0: {  	(pc) =	sbr.rel $0x88, $3  }
0x1: {  	(tag) =	ssettag $0x0;
	lr =	simm.s32 $0x1  }
0x2: {  	[smem:$0x3F83] =	sst lr;
	_ =	strace $0xD0000000  }
0x3: {  	_ = 	snop  }
0x4: {  	_ = 	snop  }
0x5: {  	_ = 	snop  }
0x6: {  	_ = 	snop  }
0x7: {  	_ = 	snop  }
__scs_overlays_trampoline_lowered:
0x8: {  	[smem:$0x3F92] =	sst s0  }
0x9: {  	[smem:$0x3F93] =	sst s1  }
0xa: {  	[smem:$0x3F94] =	sst s2  }
0xb: {  	[smem:$0x3F95] =	sst s3  }
0xc: {  	[smem:$0x3F96] =	sst s4  }
0xd: {  	[smem:$0x3F97] =	sst s5  }
0xe: {  	[smem:$0x3F98] =	sst s6  }
0xf: {  	[smem:$0x3F99] =	sst s7  }
0x10: {  	[smem:$0x3F9A] =	sst s8  }
0x11: {  	[smem:$0x3F9B] =	sst s9;
	s0 =	simm.s32 @!p0 $0x0  }
0x12: {  	s1 =	sld [smem:$0x3F81];
	s0 =	simm.s32 @p0 $0x1  }
0x13: {  	[smem:$0x3F9C] =	sst s0;
	s0 =	simm.s32 @!p1 $0x0  }
0x14: {  	s2 =	sld [smem:$0x3F80];
	s0 =	simm.s32 @p1 $0x1  }
0x15: {  	[smem:$0x3F9D] =	sst s0;
	s0 =	simm.s32 @!p2 $0x0  }
0x16: {  	s3 =	sld [smem:$0x3FDB];
	s0 =	simm.s32 @p2 $0x1  }
0x17: {  	s4 =	simm.s32 $0x1BF5;
	[smem:$0x3F9F] =	sst s0  }
0x18: {  	s0 =	sld [smem:$0x3F82];
	_ =	swait.ge [sflag:s4], $0x0  }
0x19: {  	s7 =	sld [smem:$0x3F83]  }
0x1a: {  	s8 =	sadd.s32 $0xFFFFE003, lr  }
0x1b: {  	s9 =	sadd.s32 $0xFFFFFEF7, lr;
	s5 =	simm.s32 $0xFFFFFFFF;
	p2 =	slt.u32 s8, $0xFFFFF086  }
0x1c: {  	p1 =	slt.u32 s9, $0xF7A;
	s5 =	simm.s32 @!p2 $0x0  }
0x1d: {  	s5 =	simm.s32 @p1 $0x1;
	p0 =	seq.s32 s7, s2  }
0x1e: {  	s7 =	smul.u32 @!p0 $0xF7A, s2;
	p2 =	seq.s32 @!p0 s5, $0x0  }
0x1f: {  	s9 =	smul.u32 $0xF7A, s1;
	s8 =	simm.s32 @!p0 $0x1BF5;
	p2 =	por !p2, p0  }
0x20: {  	[sflag:s8] =	ssyncset.s32 @!p0 $0xFFFFF086;
	s6 =	sadd.s32 @!p0 s3, s7;
	s7 =	simm.s32 @!p0 $0x108  }
0x21: {  	s3 =	sadd.s32 s3, s9;
	s6 =	sadd.s32 @!p0 $0x88, s6;
	s7 =	simm.s32 @p2 $0x1082  }
0x22: {  	[simem:s7], [sflag:s8] =	dma.local @!p0 [hbm:s6], $0xF7A  }
0x23: {  	s9 =	sor.u32 $0xD0000000, s2;
	s6 =	simm.s32 $0x108;
	_ =	swait.ge @!p0 [sflag:s8], $0x0  }
0x24: {  	s3 =	sadd.s32 $0x88, s3;
	s6 =	simm.s32 @!p1 $0x1082;
	[sflag:s4] =	ssyncset.s32 $0xFFFFF086  }
0x25: {  	[simem:s6], [sflag:s4] =	dma.local [hbm:s3], $0xF7A  }
0x26: {  	[smem:$0x3F83] =	sst s1;
	(tag) =	ssettag s2;
	_ =	strace s9  }
0x27: {  	s1 =	sld [smem:$0x3F93]  }
0x28: {  	s2 =	sld [smem:$0x3F94]  }
0x29: {  	s4 =	sld [smem:$0x3F96]  }
0x2a: {  	p0 =	seq.s32 s5, $0x0;
	s5 =	sld [smem:$0x3F97]  }
0x2b: {  	s6 =	sld [smem:$0x3F98]  }
0x2c: {  	s7 =	sld [smem:$0x3F99]  }
0x2d: {  	s3 =	simm.s32 $0x108;
	s8 =	sld [smem:$0x3F9A]  }
0x2e: {  	s3 =	simm.s32 @!p0 $0x1082;
	s9 =	sld [smem:$0x3F9B]  }
0x2f: {  	lr =	sadd.s32 s0, s3;
	s0 =	sld [smem:$0x3F92]  }
0x30: {  	s3 =	sld [smem:$0x3F95]  }
0x31: {  	[smem:$0x3F9E] =	sst s10  }
0x32: {  	s10 =	sld [smem:$0x3F9C];
	_ =	sdelay $0x3  }
0x33: {  	p0 =	seq.s32 s10, $0x1;
	s10 =	sld [smem:$0x3F9E];
	_ =	sdelay $0x3  }
0x34: {  	[smem:$0x3F9E] =	sst s10  }
0x35: {  	s10 =	sld [smem:$0x3F9D];
	_ =	sdelay $0x3  }
0x36: {  	p1 =	seq.s32 s10, $0x1;
	s10 =	sld [smem:$0x3F9E];
	_ =	sdelay $0x3  }
0x37: {  	[smem:$0x3F9E] =	sst s10  }
0x38: {  	s10 =	sld [smem:$0x3F9F]  }
0x39: {  	_ = 	snop;
	(pc) =	sbr.ind lr, $3  }
0x3a: {  	_ = 	snop  }
0x3b: {  	_ = 	snop  }
0x3c: {  	p2 =	seq.s32 s10, $0x1;
	s10 =	sld [smem:$0x3F9E]  }
0x3d: {  	_ =	shalt  }
0x3e: {  	_ =	shalt  }
0x3f: {  	_ =	shalt  }
0x40: {  	_ =	shalt  }
0x41: {  	_ =	shalt  }
0x42: {  	_ =	shalt  }
0x43: {  	_ =	shalt  }
0x44: {  	_ =	shalt  }
0x45: {  	_ =	shalt  }
0x46: {  	_ =	shalt  }
0x47: {  	_ =	shalt  }
0x48: {  	_ =	shalt  }
0x49: {  	_ =	shalt  }
0x4a: {  	_ =	shalt  }
0x4b: {  	_ =	shalt  }
0x4c: {  	_ =	shalt  }
0x4d: {  	_ =	shalt  }
0x4e: {  	_ =	shalt  }
0x4f: {  	_ =	shalt  }
0x50: {  	_ =	shalt  }
0x51: {  	_ =	shalt  }
0x52: {  	_ =	shalt  }
0x53: {  	_ =	shalt  }
0x54: {  	_ =	shalt  }
0x55: {  	_ =	shalt  }
0x56: {  	_ =	shalt  }
0x57: {  	_ =	shalt  }
0x58: {  	_ =	shalt  }
0x59: {  	_ =	shalt  }
0x5a: {  	_ =	shalt  }
0x5b: {  	_ =	shalt  }
0x5c: {  	_ =	shalt  }
0x5d: {  	_ =	shalt  }
0x5e: {  	_ =	shalt  }
0x5f: {  	_ =	shalt  }
0x60: {  	_ =	shalt  }
0x61: {  	_ =	shalt  }
0x62: {  	_ =	shalt  }
0x63: {  	_ =	shalt  }
0x64: {  	_ =	shalt  }
0x65: {  	_ =	shalt  }
0x66: {  	_ =	shalt  }
0x67: {  	_ =	shalt  }
0x68: {  	_ =	shalt  }
0x69: {  	_ =	shalt  }
0x6a: {  	_ =	shalt  }
0x6b: {  	_ =	shalt  }
0x6c: {  	_ =	shalt  }
0x6d: {  	_ =	shalt  }
0x6e: {  	_ =	shalt  }
0x6f: {  	_ =	shalt  }
0x70: {  	_ =	shalt  }
0x71: {  	_ =	shalt  }
0x72: {  	_ =	shalt  }
0x73: {  	_ =	shalt  }
0x74: {  	_ =	shalt  }
0x75: {  	_ =	shalt  }
0x76: {  	_ =	shalt  }
0x77: {  	_ =	shalt  }
0x78: {  	_ =	shalt  }
0x79: {  	_ =	shalt  }
0x7a: {  	_ =	shalt  }
0x7b: {  	_ =	shalt  }
0x7c: {  	_ =	shalt  }
0x7d: {  	_ =	shalt  }
0x7e: {  	_ =	shalt  }
0x7f: {  	_ =	shalt  }
0x80: {  	_ =	shalt  }
0x81: {  	_ =	shalt  }
0x82: {  	_ =	shalt  }
0x83: {  	_ =	shalt  }
0x84: {  	_ =	shalt  }
0x85: {  	_ =	shalt  }
0x86: {  	_ =	shalt  }
0x87: {  	_ =	shalt  }
.Lfunc_end0:
.L_simem_size_0:
called_computation.2_lowered:
.L_overlay_start_0:
0x88: {  	s2 =	sld [smem:$0x3FD9]  }
0x89: {  	s3 =	sld [smem:$0x3FFE];
	_ =	sdelay $0x1  }
0x8a: {  	s1 =	srdreg.scid  }
0x8b: {  	s0 =	sand.u32 $0x1, s1  }
0x8c: {  	s16 =	sshll.u32 s0, $0xA;
	s2 =	sadd.s32 s3, s2  }
0x8d: {  	s2 =	sadd.s32 s2, s16  }
0x8e: {  	[smem:$0x3FAA] =	sst s2  }
0x8f: {  	_ = 	snop  }
0x90: {  	(tm) =	ssettm $0x1  }
0x91: {  	s17 =	sld [smem:$0x3FFB];
	_ =	sdelay $0x3  }
0x92: {  	_ =	strace s17  }
0x93: {  	s2 =	sld [smem:$0x3FFC];
	_ =	sdelay $0x3  }
0x94: {  	_ =	strace s2  }
0x95: {  	s2 =	sld [smem:$0x3FFD];
	_ =	sdelay $0x3  }
0x96: {  	_ =	strace s2  }
0x97: {  	_ =	strace $0x8FFFFFFF  }
0x98: {  	s18 =	sld [smem:$0x3FDB];
	_ =	sdelay $0x1  }
0x99: {  	s19 =	simm.s32 $_scs_section_size  }
0x9a: {  	s4 =	simm.s32 $_size__tile_overlayer_lowered;
	s5 =	simm.s32 $_tile_overlayer_lowered  }
0x9b: {  	s22 =	simm.s32 $0x1BFF;
	s21 =	sshll.u32 s5, $0x1;
	s2 =	sadd.s32 s19, s18  }
0x9c: {  	s6 =	simm.s32 $0x0;
	s20 =	sshll.u32 s4, $0x1;
	s4 =	sadd.s32 s21, s2  }
0x9d: {  	[timem:s6], [sflag:s22] =	dma.local [hbm:s4], s20  }
0x9e: {  	_ =	swait.ge [sflag:s22], s20  }
0x9f: {  	s3 =	ssub.s32 $0x0, s20;
	[sflag:s22] =	ssyncset.done $0x0  }
0xa0: {  	[sflag:s22] =	ssyncadd.s32 s3;
	_ =	sdelay $0x1  }
0xa1: {  	s23 =	simm.s32 $0x1B8B  }
0xa2: {  	_ =	swait.ge [sflag:s23], $0x1  }
0xa3: {  	[sflag:s23] =	ssyncset.done $0x0  }
0xa4: {  	s25 =	simm.s32 $0x1B8E;
	s24 =	sld [smem:$0x3FFE];
	[sflag:s23] =	ssyncadd.s32 $0xFFFFFFFF  }
0xa5: {  	s26 =	simm.s32 $execute0_lowered;
	[smem:$0x3FD2] =	sst s25  }
0xa6: {  	s4 =	sshll.u32 s26, $0x1;
	_ =	strace $0x8000004C;
	[dreg:$0x1] =	wrdreg $0xFFFFFFFF  }
0xa7: {  	s28 =	simm.s32 $_size_execute0_lowered;
	s2 =	sadd.s32 s2, s4;
	[dreg:$0x0] =	wrdreg $0x0  }
0xa8: {  	s4 =	sshll.u32 s28, $0x1;
	[dreg:$0x2] =	wrdreg s2  }
0xa9: {  	[dreg:$0x3] =	wrdreg s4  }
0xaa: {  	[dreg:$0x4] =	wrdreg $0xC0  }
0xab: {  	_ =	task [dreg:s6], $0x5FFFF  }
0xac: {  	[dreg:$0x1] =	wrdreg $0xFFFFFFFF  }
0xad: {  	[dreg:$0x0] =	wrdreg $0x60  }
0xae: {  	[dreg:$0x2] =	wrdreg s24  }
0xaf: {  	[dreg:$0x3] =	wrdreg $0x9  }
0xb0: {  	_ =	task.clear_ibuf [dreg:s6], $0x4FFFF;
	_ =	strace $0x9000004C  }
0xb1: {  	s29 =	simm.s32 $0x9;
	_ =	strace $0x8000004E  }
0xb2: {  	_ =	swait.ge [sflag:s29], $0x1  }
0xb3: {  	[sflag:s29] =	ssyncadd.s32 $0xFFFFFFFF  }
0xb4: {  	_ =	strace $0x9000004E  }
0xb5: {  	_ =	sfence  }
0xb6: {  	s30 =	sld [smem:$0x0];
	_ =	sdelay $0x2  }
0xb7: {  	s31 =	sshll.u32 s1, $0xD;
	s1 =	sshrl.u32 s1, $0x2  }
0xb8: {  	s3 =	sand.u32 $0x4000, s31;
	s1 =	sadd.s32 s1, s30  }
0xb9: {  	s0 =	sor.u32 s3, s0;
	s1 =	sshll.u32 s1, $0x11  }
0xba: {  	s0 =	sor.u32 s1, s0  }
0xbb: {  	s0 =	sadd.s32 $0x8F2B, s0  }
0xbc: {  	[sflag:s0] =	ssyncadd.remote.s32 $0x1  }
0xbd: {  	_ =	sfence.sel $0xFFFF  }
0xbe: {  	[dreg:$0x0] =	wrdreg $0xFFFFFFFF;
	(pc) =	sbr.abs _section_cstart, $3  }
0xbf: {  	[dreg:$0x1] =	wrdreg $0xFFFFFFFF  }
0xc0: {  	_ =	task.clear_ibuf [dreg:s6], $0x2FFFF;
	_ =	strace $0x9FFFFFFF  }
0xc1: {  	(tm) =	ssettm $0x7FFFFFFF  }
tec
execute0_lowered:
.L_overlay_start_1:
0x0: {  	(tag) =	ssettag $0x1  }
0x1: {  	s0 =	rddreg [dreg:$0x0];
	s10 =	stileid.u32  }
0x2: {  	s2 =	simm.s32 $0x0;
	s3 =	srdreg.scid;
	s11 =	simm.s32 $0x2500  }
0x3: {  	s12 =	simm.s32 $0x100;
	s13 =	simm.s32 $0x4500;
	s14 =	simm.s32 $0x180  }
0x4: {  	s15 =	simm.s32 $0x6500;
	s16 =	simm.s32 $0x200;
	s17 =	simm.s32 $0x8500  }
0x5: {  	s18 =	simm.s32 $0x280;
	s19 =	simm.s32 $0xA500;
	s20 =	simm.s32 $0x300  }
0x6: {  	s21 =	simm.s32 $0xC500;
	s22 =	simm.s32 $0x380;
	s23 =	simm.s32 $0xE500  }
0x7: {  	s24 =	simm.s32 $0x400;
	s28 =	simm.s32 $0x12500;
	s29 =	simm.s32 $0x1  }
0x8: {  	s30 =	simm.s32 $0x2;
	s31 =	simm.s32 $0x0;
	s1 =	smul.u32 $0x140, s10  }
0x9: {  	[smem:$0x7FF] =	sst s2;
	s4 =	smul.u32 $0x5000, s10;
	s5 =	sand.u32 $0x1, s3  }
0xa: {  	s3 =	sadd.s32 $0x18EC00, s0;
	s26 =	sshll.u32 s10, $0x1;
	s10 =	simm.s32 $0x500  }
0xb: {  	_ =	strace $0x8000004D;
	s6 =	ssub.s32 $0x2, s5;
	s7 =	smul.u32 $0xA0, s5  }
0xc: {  	s9 =	smul.u32 $0x2800, s5;
	s8 =	sshrl.u32 s6, $0x1;
	s1 =	sadd.s32 s1, s0  }
.Ltmp0:
0xd: {  	s0 =	sadd.s32 s4, s0;
	s25 =	ssub.s32 s6, s8;
	(pc) =	sbr.rel .LBB2_1-.Ltmp0, $4  }
0xe: {  	s1 =	sadd.s32 s7, s1;
	s0 =	sadd.s32 s9, s0;
	s7 =	sor.u32 s5, s26  }
0xf: {  	s8 =	simm.s32 $0x3;
	s9 =	simm.s32 $0x80;
	s4 =	smax.u32 s25, $0x1  }
0x10: {  	s26 =	simm.s32 $0x480;
	s1 =	sadd.s32 $0x2ED400, s1;
	[dreg:$0x2] =	wrdreg s4  }
0x11: {  	s0 =	sadd.s32 $0x921000, s0;
	s25 =	simm.s32 $0x10500;
	[dreg:$0x3] =	wrdreg s1  }
.LBB2_5:
0x12: {  	s31 =	sadd.s32 $0x1, s31;
	s1 =	rddreg [dreg:$0x2]  }
0x13: {  	p0 =	sne.s32 s31, s1  }
.Ltmp1:
0x14: {  	_ = 	snop;
	(pc) =	sbr.rel @!p0 .LBB2_6-.Ltmp1, $1  }
0x15: {  	_ =	sdelay $0x3  }
.LBB2_1:
.Ltmp2:
0x16: {  	(pc) =	sbr.rel .LBB2_2-.Ltmp2, $2  }
0x17: {  	_ =	sdelay $0x2  }
0x18: {  	s6 =	smov.u32 s0;
	s5 =	rddreg [dreg:$0x3];
	s4 =	simm.s32 $0x0  }
.LBB2_4:
0x19: {  	s4 =	sadd.s32 $0x20, s4  }
0x1a: {  	p0 =	sne.s32 s4, $0x280  }
.Ltmp3:
0x1b: {  	_ = 	snop;
	(pc) =	sbr.rel @!p0 .LBB2_5-.Ltmp3, $2  }
0x1c: {  	_ =	sdelay $0x2  }
0x1d: {  	s5 =	sadd.s32 $0x1400, s5;
	s6 =	sadd.s32 $0x50000, s6  }
.LBB2_2:
0x1e: {  	s1 =	sadd.s32 s4, s7  }
0x1f: {  	p0 =	sgt.u32 s1, $0x270  }
.Ltmp4:
0x20: {  	_ = 	snop;
	(pc) =	sbr.rel @p0 .LBB2_4-.Ltmp4, $1  }
0x21: {  	_ =	sdelay $0x3  }
0x22: {  	[tilespmem:s2], [sflag:$0x3] =	stream.linear.gather [hbm4b:s5+s2], $0x500, $0x38;
	[tilespmem:$0x14500] =	vst v63  }
0x23: {  	_ =	swait.ge [sflag:s8], $0x500  }
0x24: {  	[sflag:s8] =	ssyncset.done $0x0  }
0x25: {  	[sflag:s8] =	ssyncadd.s32 $0xFFFFFB00  }
0x26: {  	[tilespmem:s10], [sflag:$0x1] =	stream.indirect.gather [hbm4b:s3+s9], $0x40, s2, s9, $0xb8;
	[tilespmem:$0x14500] =	vst v63  }
0x27: {  	_ = 	snop  }
0x28: {  	[tilespmem:s11], [sflag:$0x1] =	stream.indirect.gather [hbm4b:s3+s9], $0x40, s9, s9, $0xb8;
	[tilespmem:$0x14500] =	vst v63  }
0x29: {  	_ = 	snop  }
0x2a: {  	[tilespmem:s13], [sflag:$0x1] =	stream.indirect.gather [hbm4b:s3+s9], $0x40, s12, s9, $0xb8;
	[tilespmem:$0x14500] =	vst v63  }
0x2b: {  	_ = 	snop  }
0x2c: {  	[tilespmem:s15], [sflag:$0x1] =	stream.indirect.gather [hbm4b:s3+s9], $0x40, s14, s9, $0xb8;
	[tilespmem:$0x14500] =	vst v63  }
0x2d: {  	_ = 	snop  }
0x2e: {  	[tilespmem:s17], [sflag:$0x1] =	stream.indirect.gather [hbm4b:s3+s9], $0x40, s16, s9, $0xb8;
	[tilespmem:$0x14500] =	vst v63  }
0x2f: {  	_ = 	snop  }
0x30: {  	[tilespmem:s19], [sflag:$0x1] =	stream.indirect.gather [hbm4b:s3+s9], $0x40, s18, s9, $0xb8;
	[tilespmem:$0x14500] =	vst v63  }
0x31: {  	_ = 	snop  }
0x32: {  	[tilespmem:s21], [sflag:$0x1] =	stream.indirect.gather [hbm4b:s3+s9], $0x40, s20, s9, $0xb8;
	[tilespmem:$0x14500] =	vst v63  }
0x33: {  	_ = 	snop  }
0x34: {  	[tilespmem:s23], [sflag:$0x1] =	stream.indirect.gather [hbm4b:s3+s9], $0x40, s22, s9, $0xb8;
	[tilespmem:$0x14500] =	vst v63  }
0x35: {  	_ = 	snop  }
0x36: {  	[tilespmem:s25], [sflag:$0x1] =	stream.indirect.gather [hbm4b:s3+s9], $0x40, s24, s9, $0xb8;
	[tilespmem:$0x14500] =	vst v63  }
0x37: {  	_ = 	snop  }
0x38: {  	[tilespmem:s28], [sflag:$0x1] =	stream.indirect.gather [hbm4b:s3+s9], $0x40, s26, s9, $0xb8;
	[tilespmem:$0x14500] =	vst v63  }
0x39: {  	_ =	swait.ge [sflag:s29], $0x2000  }
0x3a: {  	[sflag:s29] =	ssyncset.done $0x0  }
0x3b: {  	[sflag:s29] =	ssyncadd.s32 $0xFFFFE000  }
0x3c: {  	_ =	swait.ge [sflag:s29], $0x2000  }
0x3d: {  	[sflag:s29] =	ssyncset.done $0x0  }
0x3e: {  	[sflag:s29] =	ssyncadd.s32 $0xFFFFE000  }
0x3f: {  	_ =	swait.ge [sflag:s29], $0x2000  }
0x40: {  	[sflag:s29] =	ssyncset.done $0x0  }
0x41: {  	[sflag:s29] =	ssyncadd.s32 $0xFFFFE000  }
0x42: {  	_ =	swait.ge [sflag:s29], $0x2000  }
0x43: {  	[sflag:s29] =	ssyncset.done $0x0  }
0x44: {  	[sflag:s29] =	ssyncadd.s32 $0xFFFFE000  }
0x45: {  	_ =	swait.ge [sflag:s29], $0x2000  }
0x46: {  	[sflag:s29] =	ssyncset.done $0x0  }
0x47: {  	[sflag:s29] =	ssyncadd.s32 $0xFFFFE000  }
0x48: {  	_ =	swait.ge [sflag:s29], $0x2000  }
0x49: {  	[sflag:s29] =	ssyncset.done $0x0  }
0x4a: {  	[sflag:s29] =	ssyncadd.s32 $0xFFFFE000  }
0x4b: {  	_ =	swait.ge [sflag:s29], $0x2000  }
0x4c: {  	[sflag:s29] =	ssyncset.done $0x0  }
0x4d: {  	[sflag:s29] =	ssyncadd.s32 $0xFFFFE000  }
0x4e: {  	_ =	swait.ge [sflag:s29], $0x2000  }
0x4f: {  	[sflag:s29] =	ssyncset.done $0x0  }
0x50: {  	[sflag:s29] =	ssyncadd.s32 $0xFFFFE000  }
0x51: {  	_ =	swait.ge [sflag:s29], $0x2000  }
0x52: {  	[sflag:s29] =	ssyncset.done $0x0  }
0x53: {  	[sflag:s29] =	ssyncadd.s32 $0xFFFFE000  }
0x54: {  	_ =	swait.ge [sflag:s29], $0x2000  }
0x55: {  	[sflag:s29] =	ssyncset.done $0x0  }
.Ltmp5:
0x56: {  	[sflag:s29] =	ssyncadd.s32 $0xFFFFE000;
	(pc) =	sbr.rel .LBB2_4-.Ltmp5, $4  }
0x57: {  	[hbm4b:s6+s2] =	stream.linear.scatter [tilespmem:s10], [sflag:$0x2], $0x14000, $0x38;
	[tilespmem:$0x14500] =	vst v63  }
0x58: {  	_ =	swait.ge [sflag:s30], $0x14000  }
0x59: {  	[sflag:s30] =	ssyncset.done $0x0  }
0x5a: {  	[sflag:s30] =	ssyncadd.s32 $0xFFFEC000  }
.LBB2_6:
0x5b: {  	_ =	sfence.sel $0x180000  }
0x5c: {  	[bflag:$0x0] =	sbarrier.arrive $0xFFFF  }
0x5d: {  	_ =	strace $0x9000004D  }
0x5e: {  	s0 =	stileid.u32;
	[bflag:$0x2] =	sbarrier.arrive $0xFFFF  }
0x5f: {  	p0 =	sne.s32 s0, $0x0;
	s0 =	rddreg [dreg:$0x1]  }
0x60: {  	s0 =	sadd.s32 @!p0 $0x100000, s0  }
0x61: {  	[sflag:s0] =	ssyncadd.tile.s32 @!p0 $0x1;
	_ =	shalt  }
.Lfunc_end2:
_tile_overlayer_lowered:
.L_overlay_start_2:
0x62: {  	(tag) =	ssettag $0x2  }
0x63: {  	s0 =	rddreg [dreg:$0x0];
	s2 =	stileid.u32  }
0x64: {  	s1 =	rddreg [dreg:$0x1];
	p0 =	sne.s32 s2, $0x0  }
0x65: {  	s3 =	rddreg [dreg:$0x2];
	[bflag:$0x3] =	sbarrier.arrive $0xFFFF;
	s2 =	simm.s32 @!p0 $0x1C02  }
0x66: {  	[timem:s3], [sflag:s2] =	dma.local @!p0 [hbm:s0], s1  }
0x67: {  	s0 =	simm.s32 @!p0 $0x2  }
0x68: {  	_ =	swait.ge @!p0 [sflag:s0], s1  }
0x69: {  	s1 =	ssub.s32 @!p0 $0x0, s1;
	[sflag:s0] =	ssyncset.done @!p0 $0x0  }
0x6a: {  	[sflag:s0] =	ssyncadd.s32 @!p0 s1  }
0x6b: {  	[bflag:$0x3] =	sbarrier.arrive $0xFFFF  }
0x6c: {  	_ =	shalt  }

// kernel: kernel.23.cloned.1.call-start
scs
__scs_entry_jumppad:
0x0: {  	(pc) =	sbr.rel $0x88, $3  }
0x1: {  	(tag) =	ssettag $0x0;
	lr =	simm.s32 $0x1  }
0x2: {  	[smem:$0x3F83] =	sst lr;
	_ =	strace $0xD0000000  }
0x3: {  	_ = 	snop  }
0x4: {  	_ = 	snop  }
0x5: {  	_ = 	snop  }
0x6: {  	_ = 	snop  }
0x7: {  	_ = 	snop  }
__scs_overlays_trampoline_lowered:
0x8: {  	[smem:$0x3F92] =	sst s0  }
0x9: {  	[smem:$0x3F93] =	sst s1  }
0xa: {  	[smem:$0x3F94] =	sst s2  }
0xb: {  	[smem:$0x3F95] =	sst s3  }
0xc: {  	[smem:$0x3F96] =	sst s4  }
0xd: {  	[smem:$0x3F97] =	sst s5  }
0xe: {  	[smem:$0x3F98] =	sst s6  }
0xf: {  	[smem:$0x3F99] =	sst s7  }
0x10: {  	[smem:$0x3F9A] =	sst s8  }
0x11: {  	[smem:$0x3F9B] =	sst s9;
	s0 =	simm.s32 @!p0 $0x0  }
0x12: {  	s1 =	sld [smem:$0x3F81];
	s0 =	simm.s32 @p0 $0x1  }
0x13: {  	[smem:$0x3F9C] =	sst s0;
	s0 =	simm.s32 @!p1 $0x0  }
0x14: {  	s2 =	sld [smem:$0x3F80];
	s0 =	simm.s32 @p1 $0x1  }
0x15: {  	[smem:$0x3F9D] =	sst s0;
	s0 =	simm.s32 @!p2 $0x0  }
0x16: {  	s3 =	sld [smem:$0x3FDB];
	s0 =	simm.s32 @p2 $0x1  }
0x17: {  	s4 =	simm.s32 $0x1BF5;
	[smem:$0x3F9F] =	sst s0  }
0x18: {  	s0 =	sld [smem:$0x3F82];
	_ =	swait.ge [sflag:s4], $0x0  }
0x19: {  	s7 =	sld [smem:$0x3F83]  }
0x1a: {  	s8 =	sadd.s32 $0xFFFFE003, lr  }
0x1b: {  	s9 =	sadd.s32 $0xFFFFFEF7, lr;
	s5 =	simm.s32 $0xFFFFFFFF;
	p2 =	slt.u32 s8, $0xFFFFF086  }
0x1c: {  	p1 =	slt.u32 s9, $0xF7A;
	s5 =	simm.s32 @!p2 $0x0  }
0x1d: {  	s5 =	simm.s32 @p1 $0x1;
	p0 =	seq.s32 s7, s2  }
0x1e: {  	s7 =	smul.u32 @!p0 $0xF7A, s2;
	p2 =	seq.s32 @!p0 s5, $0x0  }
0x1f: {  	s9 =	smul.u32 $0xF7A, s1;
	s8 =	simm.s32 @!p0 $0x1BF5;
	p2 =	por !p2, p0  }
0x20: {  	[sflag:s8] =	ssyncset.s32 @!p0 $0xFFFFF086;
	s6 =	sadd.s32 @!p0 s3, s7;
	s7 =	simm.s32 @!p0 $0x108  }
0x21: {  	s3 =	sadd.s32 s3, s9;
	s6 =	sadd.s32 @!p0 $0x88, s6;
	s7 =	simm.s32 @p2 $0x1082  }
0x22: {  	[simem:s7], [sflag:s8] =	dma.local @!p0 [hbm:s6], $0xF7A  }
0x23: {  	s9 =	sor.u32 $0xD0000000, s2;
	s6 =	simm.s32 $0x108;
	_ =	swait.ge @!p0 [sflag:s8], $0x0  }
0x24: {  	s3 =	sadd.s32 $0x88, s3;
	s6 =	simm.s32 @!p1 $0x1082;
	[sflag:s4] =	ssyncset.s32 $0xFFFFF086  }
0x25: {  	[simem:s6], [sflag:s4] =	dma.local [hbm:s3], $0xF7A  }
0x26: {  	[smem:$0x3F83] =	sst s1;
	(tag) =	ssettag s2;
	_ =	strace s9  }
0x27: {  	s1 =	sld [smem:$0x3F93]  }
0x28: {  	s2 =	sld [smem:$0x3F94]  }
0x29: {  	s4 =	sld [smem:$0x3F96]  }
0x2a: {  	p0 =	seq.s32 s5, $0x0;
	s5 =	sld [smem:$0x3F97]  }
0x2b: {  	s6 =	sld [smem:$0x3F98]  }
0x2c: {  	s7 =	sld [smem:$0x3F99]  }
0x2d: {  	s3 =	simm.s32 $0x108;
	s8 =	sld [smem:$0x3F9A]  }
0x2e: {  	s3 =	simm.s32 @!p0 $0x1082;
	s9 =	sld [smem:$0x3F9B]  }
0x2f: {  	lr =	sadd.s32 s0, s3;
	s0 =	sld [smem:$0x3F92]  }
0x30: {  	s3 =	sld [smem:$0x3F95]  }
0x31: {  	[smem:$0x3F9E] =	sst s10  }
0x32: {  	s10 =	sld [smem:$0x3F9C];
	_ =	sdelay $0x3  }
0x33: {  	p0 =	seq.s32 s10, $0x1;
	s10 =	sld [smem:$0x3F9E];
	_ =	sdelay $0x3  }
0x34: {  	[smem:$0x3F9E] =	sst s10  }
0x35: {  	s10 =	sld [smem:$0x3F9D];
	_ =	sdelay $0x3  }
0x36: {  	p1 =	seq.s32 s10, $0x1;
	s10 =	sld [smem:$0x3F9E];
	_ =	sdelay $0x3  }
0x37: {  	[smem:$0x3F9E] =	sst s10  }
0x38: {  	s10 =	sld [smem:$0x3F9F]  }
0x39: {  	_ = 	snop;
	(pc) =	sbr.ind lr, $3  }
0x3a: {  	_ = 	snop  }
0x3b: {  	_ = 	snop  }
0x3c: {  	p2 =	seq.s32 s10, $0x1;
	s10 =	sld [smem:$0x3F9E]  }
0x3d: {  	_ =	shalt  }
0x3e: {  	_ =	shalt  }
0x3f: {  	_ =	shalt  }
0x40: {  	_ =	shalt  }
0x41: {  	_ =	shalt  }
0x42: {  	_ =	shalt  }
0x43: {  	_ =	shalt  }
0x44: {  	_ =	shalt  }
0x45: {  	_ =	shalt  }
0x46: {  	_ =	shalt  }
0x47: {  	_ =	shalt  }
0x48: {  	_ =	shalt  }
0x49: {  	_ =	shalt  }
0x4a: {  	_ =	shalt  }
0x4b: {  	_ =	shalt  }
0x4c: {  	_ =	shalt  }
0x4d: {  	_ =	shalt  }
0x4e: {  	_ =	shalt  }
0x4f: {  	_ =	shalt  }
0x50: {  	_ =	shalt  }
0x51: {  	_ =	shalt  }
0x52: {  	_ =	shalt  }
0x53: {  	_ =	shalt  }
0x54: {  	_ =	shalt  }
0x55: {  	_ =	shalt  }
0x56: {  	_ =	shalt  }
0x57: {  	_ =	shalt  }
0x58: {  	_ =	shalt  }
0x59: {  	_ =	shalt  }
0x5a: {  	_ =	shalt  }
0x5b: {  	_ =	shalt  }
0x5c: {  	_ =	shalt  }
0x5d: {  	_ =	shalt  }
0x5e: {  	_ =	shalt  }
0x5f: {  	_ =	shalt  }
0x60: {  	_ =	shalt  }
0x61: {  	_ =	shalt  }
0x62: {  	_ =	shalt  }
0x63: {  	_ =	shalt  }
0x64: {  	_ =	shalt  }
0x65: {  	_ =	shalt  }
0x66: {  	_ =	shalt  }
0x67: {  	_ =	shalt  }
0x68: {  	_ =	shalt  }
0x69: {  	_ =	shalt  }
0x6a: {  	_ =	shalt  }
0x6b: {  	_ =	shalt  }
0x6c: {  	_ =	shalt  }
0x6d: {  	_ =	shalt  }
0x6e: {  	_ =	shalt  }
0x6f: {  	_ =	shalt  }
0x70: {  	_ =	shalt  }
0x71: {  	_ =	shalt  }
0x72: {  	_ =	shalt  }
0x73: {  	_ =	shalt  }
0x74: {  	_ =	shalt  }
0x75: {  	_ =	shalt  }
0x76: {  	_ =	shalt  }
0x77: {  	_ =	shalt  }
0x78: {  	_ =	shalt  }
0x79: {  	_ =	shalt  }
0x7a: {  	_ =	shalt  }
0x7b: {  	_ =	shalt  }
0x7c: {  	_ =	shalt  }
0x7d: {  	_ =	shalt  }
0x7e: {  	_ =	shalt  }
0x7f: {  	_ =	shalt  }
0x80: {  	_ =	shalt  }
0x81: {  	_ =	shalt  }
0x82: {  	_ =	shalt  }
0x83: {  	_ =	shalt  }
0x84: {  	_ =	shalt  }
0x85: {  	_ =	shalt  }
0x86: {  	_ =	shalt  }
0x87: {  	_ =	shalt  }
.Lfunc_end0:
.L_simem_size_0:
called_computation.3_lowered:
.L_overlay_start_0:
0x88: {  	s2 =	sld [smem:$0x3FD9]  }
0x89: {  	s3 =	sld [smem:$0x3FFE];
	_ =	sdelay $0x1  }
0x8a: {  	s1 =	srdreg.scid  }
0x8b: {  	s0 =	sand.u32 $0x1, s1  }
0x8c: {  	s16 =	sshll.u32 s0, $0xA;
	s2 =	sadd.s32 s3, s2  }
0x8d: {  	s2 =	sadd.s32 s2, s16  }
0x8e: {  	[smem:$0x3FAA] =	sst s2  }
0x8f: {  	_ = 	snop  }
0x90: {  	(tm) =	ssettm $0x1  }
0x91: {  	s17 =	sld [smem:$0x3FFB];
	_ =	sdelay $0x3  }
0x92: {  	_ =	strace s17  }
0x93: {  	s2 =	sld [smem:$0x3FFC];
	_ =	sdelay $0x3  }
0x94: {  	_ =	strace s2  }
0x95: {  	s2 =	sld [smem:$0x3FFD];
	_ =	sdelay $0x3  }
0x96: {  	_ =	strace s2  }
0x97: {  	_ =	strace $0x8FFFFFFF  }
0x98: {  	s18 =	sld [smem:$0x3FDB];
	_ =	sdelay $0x1  }
0x99: {  	s19 =	simm.s32 $_scs_section_size  }
0x9a: {  	s4 =	simm.s32 $_size__tile_overlayer_lowered;
	s5 =	simm.s32 $_tile_overlayer_lowered  }
0x9b: {  	s22 =	simm.s32 $0x1BFF;
	s21 =	sshll.u32 s5, $0x1;
	s2 =	sadd.s32 s19, s18  }
0x9c: {  	s6 =	simm.s32 $0x0;
	s20 =	sshll.u32 s4, $0x1;
	s4 =	sadd.s32 s21, s2  }
0x9d: {  	[timem:s6], [sflag:s22] =	dma.local [hbm:s4], s20  }
0x9e: {  	_ =	swait.ge [sflag:s22], s20  }
0x9f: {  	s3 =	ssub.s32 $0x0, s20;
	[sflag:s22] =	ssyncset.done $0x0  }
0xa0: {  	[sflag:s22] =	ssyncadd.s32 s3;
	_ =	sdelay $0x1  }
0xa1: {  	s23 =	simm.s32 $0x1B8B  }
0xa2: {  	_ =	swait.ge [sflag:s23], $0x1  }
0xa3: {  	[sflag:s23] =	ssyncset.done $0x0  }
0xa4: {  	s25 =	simm.s32 $0x1B8E;
	s24 =	sld [smem:$0x3FFE];
	[sflag:s23] =	ssyncadd.s32 $0xFFFFFFFF  }
0xa5: {  	s26 =	simm.s32 $execute0_lowered;
	[smem:$0x3FD2] =	sst s25  }
0xa6: {  	s4 =	sshll.u32 s26, $0x1;
	_ =	strace $0x8000004F;
	[dreg:$0x1] =	wrdreg $0xFFFFFFFF  }
0xa7: {  	s28 =	simm.s32 $_size_execute0_lowered;
	s2 =	sadd.s32 s2, s4;
	[dreg:$0x0] =	wrdreg $0x0  }
0xa8: {  	s4 =	sshll.u32 s28, $0x1;
	[dreg:$0x2] =	wrdreg s2  }
0xa9: {  	[dreg:$0x3] =	wrdreg s4  }
0xaa: {  	[dreg:$0x4] =	wrdreg $0xC0  }
0xab: {  	_ =	task [dreg:s6], $0x5FFFF  }
0xac: {  	[dreg:$0x1] =	wrdreg $0xFFFFFFFF  }
0xad: {  	[dreg:$0x0] =	wrdreg $0x60  }
0xae: {  	[dreg:$0x2] =	wrdreg s24  }
0xaf: {  	[dreg:$0x3] =	wrdreg $0x9  }
0xb0: {  	_ =	task.clear_ibuf [dreg:s6], $0x4FFFF;
	_ =	strace $0x9000004F  }
0xb1: {  	s29 =	simm.s32 $0x9;
	_ =	strace $0x80000051  }
0xb2: {  	_ =	swait.ge [sflag:s29], $0x1  }
0xb3: {  	[sflag:s29] =	ssyncadd.s32 $0xFFFFFFFF  }
0xb4: {  	_ =	strace $0x90000051  }
0xb5: {  	_ =	sfence  }
0xb6: {  	s30 =	sld [smem:$0x0];
	_ =	sdelay $0x2  }
0xb7: {  	s31 =	sshll.u32 s1, $0xD;
	s1 =	sshrl.u32 s1, $0x2  }
0xb8: {  	s3 =	sand.u32 $0x4000, s31;
	s1 =	sadd.s32 s1, s30  }
0xb9: {  	s0 =	sor.u32 s3, s0;
	s1 =	sshll.u32 s1, $0x11  }
0xba: {  	s0 =	sor.u32 s1, s0  }
0xbb: {  	s0 =	sadd.s32 $0x8F2B, s0  }
0xbc: {  	[sflag:s0] =	ssyncadd.remote.s32 $0x1  }
0xbd: {  	_ =	sfence.sel $0xFFFF  }
0xbe: {  	[dreg:$0x0] =	wrdreg $0xFFFFFFFF;
	(pc) =	sbr.abs _section_cstart, $3  }
0xbf: {  	[dreg:$0x1] =	wrdreg $0xFFFFFFFF  }
0xc0: {  	_ =	task.clear_ibuf [dreg:s6], $0x2FFFF;
	_ =	strace $0x9FFFFFFF  }
0xc1: {  	(tm) =	ssettm $0x7FFFFFFF  }
tec
execute0_lowered:
.L_overlay_start_1:
0x0: {  	(tag) =	ssettag $0x1  }
0x1: {  	s0 =	rddreg [dreg:$0x0];
	s10 =	stileid.u32  }
0x2: {  	s2 =	simm.s32 $0x0;
	s3 =	srdreg.scid;
	s11 =	simm.s32 $0x2500  }
0x3: {  	s12 =	simm.s32 $0x100;
	s13 =	simm.s32 $0x4500;
	s14 =	simm.s32 $0x180  }
0x4: {  	s15 =	simm.s32 $0x6500;
	s16 =	simm.s32 $0x200;
	s17 =	simm.s32 $0x8500  }
0x5: {  	s18 =	simm.s32 $0x280;
	s19 =	simm.s32 $0xA500;
	s20 =	simm.s32 $0x300  }
0x6: {  	s21 =	simm.s32 $0xC500;
	s22 =	simm.s32 $0x380;
	s23 =	simm.s32 $0xE500  }
0x7: {  	s24 =	simm.s32 $0x400;
	s28 =	simm.s32 $0x12500;
	s29 =	simm.s32 $0x1  }
0x8: {  	s30 =	simm.s32 $0x2;
	s31 =	simm.s32 $0x0;
	s1 =	smul.u32 $0x140, s10  }
0x9: {  	[smem:$0x7FF] =	sst s2;
	s4 =	smul.u32 $0x5000, s10;
	s5 =	sand.u32 $0x1, s3  }
0xa: {  	s3 =	sadd.s32 $0x305C00, s0;
	s26 =	sshll.u32 s10, $0x1;
	s10 =	simm.s32 $0x500  }
0xb: {  	_ =	strace $0x80000050;
	s6 =	ssub.s32 $0x2, s5;
	s7 =	smul.u32 $0xA0, s5  }
0xc: {  	s9 =	smul.u32 $0x2800, s5;
	s8 =	sshrl.u32 s6, $0x1;
	s1 =	sadd.s32 s1, s0  }
.Ltmp0:
0xd: {  	s0 =	sadd.s32 s4, s0;
	s25 =	ssub.s32 s6, s8;
	(pc) =	sbr.rel .LBB2_1-.Ltmp0, $4  }
0xe: {  	s1 =	sadd.s32 s7, s1;
	s0 =	sadd.s32 s9, s0;
	s7 =	sor.u32 s5, s26  }
0xf: {  	s8 =	simm.s32 $0x3;
	s9 =	simm.s32 $0x80;
	s4 =	smax.u32 s25, $0x1  }
0x10: {  	s26 =	simm.s32 $0x480;
	s1 =	sadd.s32 $0x2ED400, s1;
	[dreg:$0x2] =	wrdreg s4  }
0x11: {  	s0 =	sadd.s32 $0x921000, s0;
	s25 =	simm.s32 $0x10500;
	[dreg:$0x3] =	wrdreg s1  }
.LBB2_5:
0x12: {  	s31 =	sadd.s32 $0x1, s31;
	s1 =	rddreg [dreg:$0x2]  }
0x13: {  	p0 =	sne.s32 s31, s1  }
.Ltmp1:
0x14: {  	_ = 	snop;
	(pc) =	sbr.rel @!p0 .LBB2_6-.Ltmp1, $1  }
0x15: {  	_ =	sdelay $0x3  }
.LBB2_1:
.Ltmp2:
0x16: {  	(pc) =	sbr.rel .LBB2_2-.Ltmp2, $2  }
0x17: {  	_ =	sdelay $0x2  }
0x18: {  	s6 =	smov.u32 s0;
	s5 =	rddreg [dreg:$0x3];
	s4 =	simm.s32 $0x0  }
.LBB2_4:
0x19: {  	s4 =	sadd.s32 $0x20, s4  }
0x1a: {  	p0 =	sne.s32 s4, $0x280  }
.Ltmp3:
0x1b: {  	_ = 	snop;
	(pc) =	sbr.rel @!p0 .LBB2_5-.Ltmp3, $2  }
0x1c: {  	_ =	sdelay $0x2  }
0x1d: {  	s5 =	sadd.s32 $0x1400, s5;
	s6 =	sadd.s32 $0x50000, s6  }
.LBB2_2:
0x1e: {  	s1 =	sadd.s32 s4, s7  }
0x1f: {  	p0 =	sgt.u32 s1, $0x270  }
.Ltmp4:
0x20: {  	_ = 	snop;
	(pc) =	sbr.rel @p0 .LBB2_4-.Ltmp4, $1  }
0x21: {  	_ =	sdelay $0x3  }
0x22: {  	[tilespmem:s2], [sflag:$0x3] =	stream.linear.gather [hbm4b:s5+s2], $0x500, $0x38;
	[tilespmem:$0x14500] =	vst v63  }
0x23: {  	_ =	swait.ge [sflag:s8], $0x500  }
0x24: {  	[sflag:s8] =	ssyncset.done $0x0  }
0x25: {  	[sflag:s8] =	ssyncadd.s32 $0xFFFFFB00  }
0x26: {  	[tilespmem:s10], [sflag:$0x1] =	stream.indirect.gather [hbm4b:s3+s9], $0x40, s2, s9, $0xb8;
	[tilespmem:$0x14500] =	vst v63  }
0x27: {  	_ = 	snop  }
0x28: {  	[tilespmem:s11], [sflag:$0x1] =	stream.indirect.gather [hbm4b:s3+s9], $0x40, s9, s9, $0xb8;
	[tilespmem:$0x14500] =	vst v63  }
0x29: {  	_ = 	snop  }
0x2a: {  	[tilespmem:s13], [sflag:$0x1] =	stream.indirect.gather [hbm4b:s3+s9], $0x40, s12, s9, $0xb8;
	[tilespmem:$0x14500] =	vst v63  }
0x2b: {  	_ = 	snop  }
0x2c: {  	[tilespmem:s15], [sflag:$0x1] =	stream.indirect.gather [hbm4b:s3+s9], $0x40, s14, s9, $0xb8;
	[tilespmem:$0x14500] =	vst v63  }
0x2d: {  	_ = 	snop  }
0x2e: {  	[tilespmem:s17], [sflag:$0x1] =	stream.indirect.gather [hbm4b:s3+s9], $0x40, s16, s9, $0xb8;
	[tilespmem:$0x14500] =	vst v63  }
0x2f: {  	_ = 	snop  }
0x30: {  	[tilespmem:s19], [sflag:$0x1] =	stream.indirect.gather [hbm4b:s3+s9], $0x40, s18, s9, $0xb8;
	[tilespmem:$0x14500] =	vst v63  }
0x31: {  	_ = 	snop  }
0x32: {  	[tilespmem:s21], [sflag:$0x1] =	stream.indirect.gather [hbm4b:s3+s9], $0x40, s20, s9, $0xb8;
	[tilespmem:$0x14500] =	vst v63  }
0x33: {  	_ = 	snop  }
0x34: {  	[tilespmem:s23], [sflag:$0x1] =	stream.indirect.gather [hbm4b:s3+s9], $0x40, s22, s9, $0xb8;
	[tilespmem:$0x14500] =	vst v63  }
0x35: {  	_ = 	snop  }
0x36: {  	[tilespmem:s25], [sflag:$0x1] =	stream.indirect.gather [hbm4b:s3+s9], $0x40, s24, s9, $0xb8;
	[tilespmem:$0x14500] =	vst v63  }
0x37: {  	_ = 	snop  }
0x38: {  	[tilespmem:s28], [sflag:$0x1] =	stream.indirect.gather [hbm4b:s3+s9], $0x40, s26, s9, $0xb8;
	[tilespmem:$0x14500] =	vst v63  }
0x39: {  	_ =	swait.ge [sflag:s29], $0x2000  }
0x3a: {  	[sflag:s29] =	ssyncset.done $0x0  }
0x3b: {  	[sflag:s29] =	ssyncadd.s32 $0xFFFFE000  }
0x3c: {  	_ =	swait.ge [sflag:s29], $0x2000  }
0x3d: {  	[sflag:s29] =	ssyncset.done $0x0  }
0x3e: {  	[sflag:s29] =	ssyncadd.s32 $0xFFFFE000  }
0x3f: {  	_ =	swait.ge [sflag:s29], $0x2000  }
0x40: {  	[sflag:s29] =	ssyncset.done $0x0  }
0x41: {  	[sflag:s29] =	ssyncadd.s32 $0xFFFFE000  }
0x42: {  	_ =	swait.ge [sflag:s29], $0x2000  }
0x43: {  	[sflag:s29] =	ssyncset.done $0x0  }
0x44: {  	[sflag:s29] =	ssyncadd.s32 $0xFFFFE000  }
0x45: {  	_ =	swait.ge [sflag:s29], $0x2000  }
0x46: {  	[sflag:s29] =	ssyncset.done $0x0  }
0x47: {  	[sflag:s29] =	ssyncadd.s32 $0xFFFFE000  }
0x48: {  	_ =	swait.ge [sflag:s29], $0x2000  }
0x49: {  	[sflag:s29] =	ssyncset.done $0x0  }
0x4a: {  	[sflag:s29] =	ssyncadd.s32 $0xFFFFE000  }
0x4b: {  	_ =	swait.ge [sflag:s29], $0x2000  }
0x4c: {  	[sflag:s29] =	ssyncset.done $0x0  }
0x4d: {  	[sflag:s29] =	ssyncadd.s32 $0xFFFFE000  }
0x4e: {  	_ =	swait.ge [sflag:s29], $0x2000  }
0x4f: {  	[sflag:s29] =	ssyncset.done $0x0  }
0x50: {  	[sflag:s29] =	ssyncadd.s32 $0xFFFFE000  }
0x51: {  	_ =	swait.ge [sflag:s29], $0x2000  }
0x52: {  	[sflag:s29] =	ssyncset.done $0x0  }
0x53: {  	[sflag:s29] =	ssyncadd.s32 $0xFFFFE000  }
0x54: {  	_ =	swait.ge [sflag:s29], $0x2000  }
0x55: {  	[sflag:s29] =	ssyncset.done $0x0  }
.Ltmp5:
0x56: {  	[sflag:s29] =	ssyncadd.s32 $0xFFFFE000;
	(pc) =	sbr.rel .LBB2_4-.Ltmp5, $4  }
0x57: {  	[hbm4b:s6+s2] =	stream.linear.scatter [tilespmem:s10], [sflag:$0x2], $0x14000, $0x38;
	[tilespmem:$0x14500] =	vst v63  }
0x58: {  	_ =	swait.ge [sflag:s30], $0x14000  }
0x59: {  	[sflag:s30] =	ssyncset.done $0x0  }
0x5a: {  	[sflag:s30] =	ssyncadd.s32 $0xFFFEC000  }
.LBB2_6:
0x5b: {  	_ =	sfence.sel $0x180000  }
0x5c: {  	[bflag:$0x0] =	sbarrier.arrive $0xFFFF  }
0x5d: {  	_ =	strace $0x90000050  }
0x5e: {  	s0 =	stileid.u32;
	[bflag:$0x2] =	sbarrier.arrive $0xFFFF  }
0x5f: {  	p0 =	sne.s32 s0, $0x0;
	s0 =	rddreg [dreg:$0x1]  }
0x60: {  	s0 =	sadd.s32 @!p0 $0x100000, s0  }
0x61: {  	[sflag:s0] =	ssyncadd.tile.s32 @!p0 $0x1;
	_ =	shalt  }
.Lfunc_end2:
_tile_overlayer_lowered:
.L_overlay_start_2:
0x62: {  	(tag) =	ssettag $0x2  }
0x63: {  	s0 =	rddreg [dreg:$0x0];
	s2 =	stileid.u32  }
0x64: {  	s1 =	rddreg [dreg:$0x1];
	p0 =	sne.s32 s2, $0x0  }
0x65: {  	s3 =	rddreg [dreg:$0x2];
	[bflag:$0x3] =	sbarrier.arrive $0xFFFF;
	s2 =	simm.s32 @!p0 $0x1C02  }
0x66: {  	[timem:s3], [sflag:s2] =	dma.local @!p0 [hbm:s0], s1  }
0x67: {  	s0 =	simm.s32 @!p0 $0x2  }
0x68: {  	_ =	swait.ge @!p0 [sflag:s0], s1  }
0x69: {  	s1 =	ssub.s32 @!p0 $0x0, s1;
	[sflag:s0] =	ssyncset.done @!p0 $0x0  }
0x6a: {  	[sflag:s0] =	ssyncadd.s32 @!p0 s1  }
0x6b: {  	[bflag:$0x3] =	sbarrier.arrive $0xFFFF  }
0x6c: {  	_ =	shalt  }

// kernel: kernel.26.cloned.1.call-start
scs
__scs_entry_jumppad:
0x0: {  	(pc) =	sbr.rel $0x88, $3  }
0x1: {  	(tag) =	ssettag $0x0;
	lr =	simm.s32 $0x1  }
0x2: {  	[smem:$0x3F83] =	sst lr;
	_ =	strace $0xD0000000  }
0x3: {  	_ = 	snop  }
0x4: {  	_ = 	snop  }
0x5: {  	_ = 	snop  }
0x6: {  	_ = 	snop  }
0x7: {  	_ = 	snop  }
__scs_overlays_trampoline_lowered:
0x8: {  	[smem:$0x3F92] =	sst s0  }
0x9: {  	[smem:$0x3F93] =	sst s1  }
0xa: {  	[smem:$0x3F94] =	sst s2  }
0xb: {  	[smem:$0x3F95] =	sst s3  }
0xc: {  	[smem:$0x3F96] =	sst s4  }
0xd: {  	[smem:$0x3F97] =	sst s5  }
0xe: {  	[smem:$0x3F98] =	sst s6  }
0xf: {  	[smem:$0x3F99] =	sst s7  }
0x10: {  	[smem:$0x3F9A] =	sst s8  }
0x11: {  	[smem:$0x3F9B] =	sst s9;
	s0 =	simm.s32 @!p0 $0x0  }
0x12: {  	s1 =	sld [smem:$0x3F81];
	s0 =	simm.s32 @p0 $0x1  }
0x13: {  	[smem:$0x3F9C] =	sst s0;
	s0 =	simm.s32 @!p1 $0x0  }
0x14: {  	s2 =	sld [smem:$0x3F80];
	s0 =	simm.s32 @p1 $0x1  }
0x15: {  	[smem:$0x3F9D] =	sst s0;
	s0 =	simm.s32 @!p2 $0x0  }
0x16: {  	s3 =	sld [smem:$0x3FDB];
	s0 =	simm.s32 @p2 $0x1  }
0x17: {  	s4 =	simm.s32 $0x1BF5;
	[smem:$0x3F9F] =	sst s0  }
0x18: {  	s0 =	sld [smem:$0x3F82];
	_ =	swait.ge [sflag:s4], $0x0  }
0x19: {  	s7 =	sld [smem:$0x3F83]  }
0x1a: {  	s8 =	sadd.s32 $0xFFFFE003, lr  }
0x1b: {  	s9 =	sadd.s32 $0xFFFFFEF7, lr;
	s5 =	simm.s32 $0xFFFFFFFF;
	p2 =	slt.u32 s8, $0xFFFFF086  }
0x1c: {  	p1 =	slt.u32 s9, $0xF7A;
	s5 =	simm.s32 @!p2 $0x0  }
0x1d: {  	s5 =	simm.s32 @p1 $0x1;
	p0 =	seq.s32 s7, s2  }
0x1e: {  	s7 =	smul.u32 @!p0 $0xF7A, s2;
	p2 =	seq.s32 @!p0 s5, $0x0  }
0x1f: {  	s9 =	smul.u32 $0xF7A, s1;
	s8 =	simm.s32 @!p0 $0x1BF5;
	p2 =	por !p2, p0  }
0x20: {  	[sflag:s8] =	ssyncset.s32 @!p0 $0xFFFFF086;
	s6 =	sadd.s32 @!p0 s3, s7;
	s7 =	simm.s32 @!p0 $0x108  }
0x21: {  	s3 =	sadd.s32 s3, s9;
	s6 =	sadd.s32 @!p0 $0x88, s6;
	s7 =	simm.s32 @p2 $0x1082  }
0x22: {  	[simem:s7], [sflag:s8] =	dma.local @!p0 [hbm:s6], $0xF7A  }
0x23: {  	s9 =	sor.u32 $0xD0000000, s2;
	s6 =	simm.s32 $0x108;
	_ =	swait.ge @!p0 [sflag:s8], $0x0  }
0x24: {  	s3 =	sadd.s32 $0x88, s3;
	s6 =	simm.s32 @!p1 $0x1082;
	[sflag:s4] =	ssyncset.s32 $0xFFFFF086  }
0x25: {  	[simem:s6], [sflag:s4] =	dma.local [hbm:s3], $0xF7A  }
0x26: {  	[smem:$0x3F83] =	sst s1;
	(tag) =	ssettag s2;
	_ =	strace s9  }
0x27: {  	s1 =	sld [smem:$0x3F93]  }
0x28: {  	s2 =	sld [smem:$0x3F94]  }
0x29: {  	s4 =	sld [smem:$0x3F96]  }
0x2a: {  	p0 =	seq.s32 s5, $0x0;
	s5 =	sld [smem:$0x3F97]  }
0x2b: {  	s6 =	sld [smem:$0x3F98]  }
0x2c: {  	s7 =	sld [smem:$0x3F99]  }
0x2d: {  	s3 =	simm.s32 $0x108;
	s8 =	sld [smem:$0x3F9A]  }
0x2e: {  	s3 =	simm.s32 @!p0 $0x1082;
	s9 =	sld [smem:$0x3F9B]  }
0x2f: {  	lr =	sadd.s32 s0, s3;
	s0 =	sld [smem:$0x3F92]  }
0x30: {  	s3 =	sld [smem:$0x3F95]  }
0x31: {  	[smem:$0x3F9E] =	sst s10  }
0x32: {  	s10 =	sld [smem:$0x3F9C];
	_ =	sdelay $0x3  }
0x33: {  	p0 =	seq.s32 s10, $0x1;
	s10 =	sld [smem:$0x3F9E];
	_ =	sdelay $0x3  }
0x34: {  	[smem:$0x3F9E] =	sst s10  }
0x35: {  	s10 =	sld [smem:$0x3F9D];
	_ =	sdelay $0x3  }
0x36: {  	p1 =	seq.s32 s10, $0x1;
	s10 =	sld [smem:$0x3F9E];
	_ =	sdelay $0x3  }
0x37: {  	[smem:$0x3F9E] =	sst s10  }
0x38: {  	s10 =	sld [smem:$0x3F9F]  }
0x39: {  	_ = 	snop;
	(pc) =	sbr.ind lr, $3  }
0x3a: {  	_ = 	snop  }
0x3b: {  	_ = 	snop  }
0x3c: {  	p2 =	seq.s32 s10, $0x1;
	s10 =	sld [smem:$0x3F9E]  }
0x3d: {  	_ =	shalt  }
0x3e: {  	_ =	shalt  }
0x3f: {  	_ =	shalt  }
0x40: {  	_ =	shalt  }
0x41: {  	_ =	shalt  }
0x42: {  	_ =	shalt  }
0x43: {  	_ =	shalt  }
0x44: {  	_ =	shalt  }
0x45: {  	_ =	shalt  }
0x46: {  	_ =	shalt  }
0x47: {  	_ =	shalt  }
0x48: {  	_ =	shalt  }
0x49: {  	_ =	shalt  }
0x4a: {  	_ =	shalt  }
0x4b: {  	_ =	shalt  }
0x4c: {  	_ =	shalt  }
0x4d: {  	_ =	shalt  }
0x4e: {  	_ =	shalt  }
0x4f: {  	_ =	shalt  }
0x50: {  	_ =	shalt  }
0x51: {  	_ =	shalt  }
0x52: {  	_ =	shalt  }
0x53: {  	_ =	shalt  }
0x54: {  	_ =	shalt  }
0x55: {  	_ =	shalt  }
0x56: {  	_ =	shalt  }
0x57: {  	_ =	shalt  }
0x58: {  	_ =	shalt  }
0x59: {  	_ =	shalt  }
0x5a: {  	_ =	shalt  }
0x5b: {  	_ =	shalt  }
0x5c: {  	_ =	shalt  }
0x5d: {  	_ =	shalt  }
0x5e: {  	_ =	shalt  }
0x5f: {  	_ =	shalt  }
0x60: {  	_ =	shalt  }
0x61: {  	_ =	shalt  }
0x62: {  	_ =	shalt  }
0x63: {  	_ =	shalt  }
0x64: {  	_ =	shalt  }
0x65: {  	_ =	shalt  }
0x66: {  	_ =	shalt  }
0x67: {  	_ =	shalt  }
0x68: {  	_ =	shalt  }
0x69: {  	_ =	shalt  }
0x6a: {  	_ =	shalt  }
0x6b: {  	_ =	shalt  }
0x6c: {  	_ =	shalt  }
0x6d: {  	_ =	shalt  }
0x6e: {  	_ =	shalt  }
0x6f: {  	_ =	shalt  }
0x70: {  	_ =	shalt  }
0x71: {  	_ =	shalt  }
0x72: {  	_ =	shalt  }
0x73: {  	_ =	shalt  }
0x74: {  	_ =	shalt  }
0x75: {  	_ =	shalt  }
0x76: {  	_ =	shalt  }
0x77: {  	_ =	shalt  }
0x78: {  	_ =	shalt  }
0x79: {  	_ =	shalt  }
0x7a: {  	_ =	shalt  }
0x7b: {  	_ =	shalt  }
0x7c: {  	_ =	shalt  }
0x7d: {  	_ =	shalt  }
0x7e: {  	_ =	shalt  }
0x7f: {  	_ =	shalt  }
0x80: {  	_ =	shalt  }
0x81: {  	_ =	shalt  }
0x82: {  	_ =	shalt  }
0x83: {  	_ =	shalt  }
0x84: {  	_ =	shalt  }
0x85: {  	_ =	shalt  }
0x86: {  	_ =	shalt  }
0x87: {  	_ =	shalt  }
.Lfunc_end0:
.L_simem_size_0:
called_computation.4_lowered:
.L_overlay_start_0:
0x88: {  	s2 =	sld [smem:$0x3FD9]  }
0x89: {  	s3 =	sld [smem:$0x3FFE];
	_ =	sdelay $0x1  }
0x8a: {  	s1 =	srdreg.scid  }
0x8b: {  	s0 =	sand.u32 $0x1, s1  }
0x8c: {  	s16 =	sshll.u32 s0, $0xA;
	s2 =	sadd.s32 s3, s2  }
0x8d: {  	s2 =	sadd.s32 s2, s16  }
0x8e: {  	[smem:$0x3FAA] =	sst s2  }
0x8f: {  	_ = 	snop  }
0x90: {  	(tm) =	ssettm $0x1  }
0x91: {  	s17 =	sld [smem:$0x3FFB];
	_ =	sdelay $0x3  }
0x92: {  	_ =	strace s17  }
0x93: {  	s2 =	sld [smem:$0x3FFC];
	_ =	sdelay $0x3  }
0x94: {  	_ =	strace s2  }
0x95: {  	s2 =	sld [smem:$0x3FFD];
	_ =	sdelay $0x3  }
0x96: {  	_ =	strace s2  }
0x97: {  	_ =	strace $0x8FFFFFFF  }
0x98: {  	s18 =	sld [smem:$0x3FDB];
	_ =	sdelay $0x1  }
0x99: {  	s19 =	simm.s32 $_scs_section_size  }
0x9a: {  	s4 =	simm.s32 $_size__tile_overlayer_lowered;
	s5 =	simm.s32 $_tile_overlayer_lowered  }
0x9b: {  	s22 =	simm.s32 $0x1BFF;
	s21 =	sshll.u32 s5, $0x1;
	s2 =	sadd.s32 s19, s18  }
0x9c: {  	s6 =	simm.s32 $0x0;
	s20 =	sshll.u32 s4, $0x1;
	s4 =	sadd.s32 s21, s2  }
0x9d: {  	[timem:s6], [sflag:s22] =	dma.local [hbm:s4], s20  }
0x9e: {  	_ =	swait.ge [sflag:s22], s20  }
0x9f: {  	s3 =	ssub.s32 $0x0, s20;
	[sflag:s22] =	ssyncset.done $0x0  }
0xa0: {  	[sflag:s22] =	ssyncadd.s32 s3;
	_ =	sdelay $0x1  }
0xa1: {  	s23 =	simm.s32 $0x1B8B  }
0xa2: {  	_ =	swait.ge [sflag:s23], $0x1  }
0xa3: {  	[sflag:s23] =	ssyncset.done $0x0  }
0xa4: {  	s25 =	simm.s32 $0x1B8E;
	s24 =	sld [smem:$0x3FFE];
	[sflag:s23] =	ssyncadd.s32 $0xFFFFFFFF  }
0xa5: {  	s26 =	simm.s32 $execute0_lowered;
	[smem:$0x3FD2] =	sst s25  }
0xa6: {  	s4 =	sshll.u32 s26, $0x1;
	_ =	strace $0x80000052;
	[dreg:$0x1] =	wrdreg $0xFFFFFFFF  }
0xa7: {  	s28 =	simm.s32 $_size_execute0_lowered;
	s2 =	sadd.s32 s2, s4;
	[dreg:$0x0] =	wrdreg $0x0  }
0xa8: {  	s4 =	sshll.u32 s28, $0x1;
	[dreg:$0x2] =	wrdreg s2  }
0xa9: {  	[dreg:$0x3] =	wrdreg s4  }
0xaa: {  	[dreg:$0x4] =	wrdreg $0xC0  }
0xab: {  	_ =	task [dreg:s6], $0x5FFFF  }
0xac: {  	[dreg:$0x1] =	wrdreg $0xFFFFFFFF  }
0xad: {  	[dreg:$0x0] =	wrdreg $0x60  }
0xae: {  	[dreg:$0x2] =	wrdreg s24  }
0xaf: {  	[dreg:$0x3] =	wrdreg $0x9  }
0xb0: {  	_ =	task.clear_ibuf [dreg:s6], $0x4FFFF;
	_ =	strace $0x90000052  }
0xb1: {  	s29 =	simm.s32 $0x9;
	_ =	strace $0x80000054  }
0xb2: {  	_ =	swait.ge [sflag:s29], $0x1  }
0xb3: {  	[sflag:s29] =	ssyncadd.s32 $0xFFFFFFFF  }
0xb4: {  	_ =	strace $0x90000054  }
0xb5: {  	_ =	sfence  }
0xb6: {  	s30 =	sld [smem:$0x0];
	_ =	sdelay $0x2  }
0xb7: {  	s31 =	sshll.u32 s1, $0xD;
	s1 =	sshrl.u32 s1, $0x2  }
0xb8: {  	s3 =	sand.u32 $0x4000, s31;
	s1 =	sadd.s32 s1, s30  }
0xb9: {  	s0 =	sor.u32 s3, s0;
	s1 =	sshll.u32 s1, $0x11  }
0xba: {  	s0 =	sor.u32 s1, s0  }
0xbb: {  	s0 =	sadd.s32 $0x8F2B, s0  }
0xbc: {  	[sflag:s0] =	ssyncadd.remote.s32 $0x1  }
0xbd: {  	_ =	sfence.sel $0xFFFF  }
0xbe: {  	[dreg:$0x0] =	wrdreg $0xFFFFFFFF;
	(pc) =	sbr.abs _section_cstart, $3  }
0xbf: {  	[dreg:$0x1] =	wrdreg $0xFFFFFFFF  }
0xc0: {  	_ =	task.clear_ibuf [dreg:s6], $0x2FFFF;
	_ =	strace $0x9FFFFFFF  }
0xc1: {  	(tm) =	ssettm $0x7FFFFFFF  }
tec
execute0_lowered:
.L_overlay_start_1:
0x0: {  	(tag) =	ssettag $0x1  }
0x1: {  	s1 =	srdreg.scid;
	s0 =	stileid.u32  }
0x2: {  	s14 =	sand.u32 $0x1, s1;
	s29 =	sshll.u32 s0, $0x1  }
0x3: {  	s15 =	rddreg [dreg:$0x0];
	s16 =	sor.u32 s14, s29  }
0x4: {  	s2 =	simm.s32 $0x0;
	s1 =	rddreg [dreg:$0x1];
	s3 =	sshll.u32 s16, $0x6  }
0x5: {  	[smem:$0x7FF] =	sst s2;
	s3 =	sadd.s32 s3, s15  }
0x6: {  	_ =	strace $0x80000053;
	s4 =	sadd.s32 $0x367800, s3;
	s3 =	simm.s32 $0x2  }
0x7: {  	[tilespmem:s2], [sflag:$0x2] =	stream.linear.gather [hbm4b:s4+s2], $0x200, $0x38;
	[tilespmem:$0x8200] =	vst v63  }
0x8: {  	_ =	swait.ge [sflag:s3], $0x200  }
0x9: {  	s6 =	simm.s32 $0x80;
	[sflag:s3] =	ssyncset.done $0x0  }
0xa: {  	s7 =	simm.s32 $0x200;
	s5 =	sadd.s32 $0x8200, s15;
	[sflag:s3] =	ssyncadd.s32 $0xFFFFFE00  }
0xb: {  	[tilespmem:s7], [sflag:$0x1] =	stream.indirect.gather [hbm4b:s5+s6], $0x40, s2, s6, $0xb8;
	[tilespmem:$0x8200] =	vst v63  }
0xc: {  	s8 =	simm.s32 $0x2200  }
0xd: {  	[tilespmem:s8], [sflag:$0x1] =	stream.indirect.gather [hbm4b:s5+s6], $0x40, s6, s6, $0xb8;
	[tilespmem:$0x8200] =	vst v63  }
0xe: {  	s9 =	simm.s32 $0x100;
	s10 =	simm.s32 $0x4200  }
0xf: {  	[tilespmem:s10], [sflag:$0x1] =	stream.indirect.gather [hbm4b:s5+s6], $0x40, s9, s6, $0xb8;
	[tilespmem:$0x8200] =	vst v63  }
0x10: {  	s11 =	simm.s32 $0x180;
	s12 =	simm.s32 $0x6200;
	s13 =	simm.s32 $0x1  }
0x11: {  	[tilespmem:s12], [sflag:$0x1] =	stream.indirect.gather [hbm4b:s5+s6], $0x40, s11, s6, $0xb8;
	[tilespmem:$0x8200] =	vst v63  }
0x12: {  	_ =	swait.ge [sflag:s13], $0x2000  }
0x13: {  	[sflag:s13] =	ssyncset.done $0x0  }
0x14: {  	[sflag:s13] =	ssyncadd.s32 $0xFFFFE000  }
0x15: {  	_ =	swait.ge [sflag:s13], $0x2000  }
0x16: {  	[sflag:s13] =	ssyncset.done $0x0  }
0x17: {  	s14 =	ssub.s32 $0x2, s14;
	[sflag:s13] =	ssyncadd.s32 $0xFFFFE000  }
0x18: {  	s17 =	sshrl.u32 s14, $0x1;
	_ =	swait.ge [sflag:s13], $0x2000  }
0x19: {  	s30 =	ssub.s32 s14, s17;
	[sflag:s13] =	ssyncset.done $0x0  }
0x1a: {  	s31 =	smax.u32 s30, $0x1;
	[sflag:s13] =	ssyncadd.s32 $0xFFFFE000  }
0x1b: {  	s16 =	sshll.u32 s16, $0xC;
	p0 =	sne.s32 s31, $0x1;
	_ =	swait.ge [sflag:s13], $0x2000  }
.Ltmp0:
0x1c: {  	s15 =	sadd.s32 s16, s15;
	[sflag:s13] =	ssyncset.done $0x0;
	(pc) =	sbr.rel @!p0 .LBB2_2-.Ltmp0, $4  }
0x1d: {  	s14 =	sadd.s32 $0x69E00, s15;
	[sflag:s13] =	ssyncadd.s32 $0xFFFFE000  }
0x1e: {  	[hbm4b:s14+s2] =	stream.linear.scatter [tilespmem:s7], [sflag:$0x2], $0x8000, $0x38;
	[tilespmem:$0x8200] =	vst v63  }
0x1f: {  	_ =	swait.ge [sflag:s3], $0x8000  }
0x20: {  	s15 =	sadd.s32 $0xFFFFFFFF, s31;
	[sflag:s3] =	ssyncset.done $0x0  }
.LBB2_1:
0x21: {  	p0 =	sne.s32 s15, $0x1;
	s15 =	sadd.s32 $0xFFFFFFFF, s15;
	[sflag:s3] =	ssyncadd.s32 $0xFFFF8000  }
0x22: {  	[tilespmem:s2], [sflag:$0x2] =	stream.linear.gather [hbm4b:s4+s2], $0x200, $0x38;
	[tilespmem:$0x8200] =	vst v63  }
0x23: {  	_ =	swait.ge [sflag:s3], $0x200  }
0x24: {  	[sflag:s3] =	ssyncset.done $0x0  }
0x25: {  	[sflag:s3] =	ssyncadd.s32 $0xFFFFFE00  }
0x26: {  	[tilespmem:s7], [sflag:$0x1] =	stream.indirect.gather [hbm4b:s5+s6], $0x40, s2, s6, $0xb8;
	[tilespmem:$0x8200] =	vst v63  }
0x27: {  	_ = 	snop  }
0x28: {  	[tilespmem:s8], [sflag:$0x1] =	stream.indirect.gather [hbm4b:s5+s6], $0x40, s6, s6, $0xb8;
	[tilespmem:$0x8200] =	vst v63  }
0x29: {  	_ = 	snop  }
0x2a: {  	[tilespmem:s10], [sflag:$0x1] =	stream.indirect.gather [hbm4b:s5+s6], $0x40, s9, s6, $0xb8;
	[tilespmem:$0x8200] =	vst v63  }
0x2b: {  	_ = 	snop  }
0x2c: {  	[tilespmem:s12], [sflag:$0x1] =	stream.indirect.gather [hbm4b:s5+s6], $0x40, s11, s6, $0xb8;
	[tilespmem:$0x8200] =	vst v63  }
0x2d: {  	_ =	swait.ge [sflag:s13], $0x2000  }
0x2e: {  	[sflag:s13] =	ssyncset.done $0x0  }
0x2f: {  	[sflag:s13] =	ssyncadd.s32 $0xFFFFE000  }
0x30: {  	_ =	swait.ge [sflag:s13], $0x2000  }
0x31: {  	[sflag:s13] =	ssyncset.done $0x0  }
0x32: {  	[sflag:s13] =	ssyncadd.s32 $0xFFFFE000  }
0x33: {  	_ =	swait.ge [sflag:s13], $0x2000  }
0x34: {  	[sflag:s13] =	ssyncset.done $0x0  }
0x35: {  	[sflag:s13] =	ssyncadd.s32 $0xFFFFE000  }
0x36: {  	_ =	swait.ge [sflag:s13], $0x2000  }
.Ltmp1:
0x37: {  	[sflag:s13] =	ssyncset.done $0x0;
	(pc) =	sbr.rel @p0 .LBB2_1-.Ltmp1, $4  }
0x38: {  	[sflag:s13] =	ssyncadd.s32 $0xFFFFE000  }
0x39: {  	[hbm4b:s14+s2] =	stream.linear.scatter [tilespmem:s7], [sflag:$0x2], $0x8000, $0x38;
	[tilespmem:$0x8200] =	vst v63  }
0x3a: {  	_ =	swait.ge [sflag:s3], $0x8000  }
0x3b: {  	[sflag:s3] =	ssyncset.done $0x0  }
.LBB2_2:
0x3c: {  	[sflag:s3] =	ssyncadd.s32 $0xFFFF8000  }
0x3d: {  	_ =	sfence.sel $0x180000  }
0x3e: {  	[bflag:$0x0] =	sbarrier.arrive $0xFFFF  }
0x3f: {  	p0 =	sne.s32 s0, $0x0;
	_ =	strace $0x90000053  }
0x40: {  	s0 =	sadd.s32 @!p0 $0x100000, s1;
	[bflag:$0x2] =	sbarrier.arrive $0xFFFF  }
0x41: {  	[sflag:s0] =	ssyncadd.tile.s32 @!p0 $0x1;
	_ =	shalt  }
.Lfunc_end2:
_tile_overlayer_lowered:
.L_overlay_start_2:
0x42: {  	(tag) =	ssettag $0x2  }
0x43: {  	s0 =	rddreg [dreg:$0x0];
	s2 =	stileid.u32  }
0x44: {  	s1 =	rddreg [dreg:$0x1];
	p0 =	sne.s32 s2, $0x0  }
0x45: {  	s3 =	rddreg [dreg:$0x2];
	[bflag:$0x3] =	sbarrier.arrive $0xFFFF;
	s2 =	simm.s32 @!p0 $0x1C02  }
0x46: {  	[timem:s3], [sflag:s2] =	dma.local @!p0 [hbm:s0], s1  }
0x47: {  	s0 =	simm.s32 @!p0 $0x2  }
0x48: {  	_ =	swait.ge @!p0 [sflag:s0], s1  }
0x49: {  	s1 =	ssub.s32 @!p0 $0x0, s1;
	[sflag:s0] =	ssyncset.done @!p0 $0x0  }
0x4a: {  	[sflag:s0] =	ssyncadd.s32 @!p0 s1  }
0x4b: {  	[bflag:$0x3] =	sbarrier.arrive $0xFFFF  }
0x4c: {  	_ =	shalt  }

// kernel: sparse-core-data-format-call.cloned.1.call-start
scs
called_computation_lowered:
.L_overlay_start_0:
0x0: {  	s1 =	sld [smem:$0x3FD9]  }
0x1: {  	s2 =	sld [smem:$0x3FFE];
	_ =	sdelay $0x1  }
0x2: {  	s3 =	srdreg.scid  }
0x3: {  	s0 =	sand.u32 $0x1, s3  }
0x4: {  	s17 =	sshll.u32 s0, $0xA;
	s1 =	sadd.s32 s2, s1  }
0x5: {  	s1 =	sadd.s32 s1, s17  }
0x6: {  	[smem:$0x3FAA] =	sst s1  }
0x7: {  	_ = 	snop  }
0x8: {  	(tm) =	ssettm $0x1  }
0x9: {  	s18 =	sld [smem:$0x3FFB];
	_ =	sdelay $0x3  }
0xa: {  	_ =	strace s18  }
0xb: {  	s1 =	sld [smem:$0x3FFC];
	_ =	sdelay $0x3  }
0xc: {  	_ =	strace s1  }
0xd: {  	s1 =	sld [smem:$0x3FFD];
	_ =	sdelay $0x3  }
0xe: {  	_ =	strace s1  }
0xf: {  	_ =	strace $0x8FFFFFFF  }
0x10: {  	s19 =	sld [smem:$0x3FDB];
	_ =	sdelay $0x1  }
0x11: {  	s20 =	simm.s32 $_scs_section_size  }
0x12: {  	s4 =	simm.s32 $_size__tile_overlayer_lowered;
	s5 =	simm.s32 $_tile_overlayer_lowered  }
0x13: {  	s23 =	simm.s32 $0x1BFF;
	s22 =	sshll.u32 s5, $0x1;
	s1 =	sadd.s32 s20, s19  }
0x14: {  	s6 =	simm.s32 $0x0;
	s21 =	sshll.u32 s4, $0x1;
	s4 =	sadd.s32 s22, s1  }
0x15: {  	[timem:s6], [sflag:s23] =	dma.local [hbm:s4], s21  }
0x16: {  	_ =	swait.ge [sflag:s23], s21  }
0x17: {  	s2 =	ssub.s32 $0x0, s21;
	[sflag:s23] =	ssyncset.done $0x0  }
0x18: {  	[sflag:s23] =	ssyncadd.s32 s2;
	_ =	sdelay $0x1  }
0x19: {  	s24 =	simm.s32 $0x1B8B  }
0x1a: {  	_ =	swait.ge [sflag:s24], $0x1  }
0x1b: {  	[sflag:s24] =	ssyncset.done $0x0  }
0x1c: {  	s26 =	simm.s32 $0x1B8E;
	s25 =	sld [smem:$0x3FFE];
	[sflag:s24] =	ssyncadd.s32 $0xFFFFFFFF  }
0x1d: {  	s27 =	simm.s32 $execute0_lowered;
	[smem:$0x3FD2] =	sst s26  }
0x1e: {  	s4 =	sshll.u32 s27, $0x1;
	_ =	strace $0x80000046;
	[dreg:$0x1] =	wrdreg $0xFFFFFFFF  }
0x1f: {  	s28 =	simm.s32 $_size_execute0_lowered;
	s1 =	sadd.s32 s1, s4;
	[dreg:$0x0] =	wrdreg $0x0  }
0x20: {  	s4 =	sshll.u32 s28, $0x1;
	[dreg:$0x2] =	wrdreg s1  }
0x21: {  	[dreg:$0x3] =	wrdreg s4  }
0x22: {  	[dreg:$0x4] =	wrdreg $0xC0  }
0x23: {  	_ =	task [dreg:s6], $0x5FFFF  }
0x24: {  	[dreg:$0x1] =	wrdreg $0xFFFFFFFF  }
0x25: {  	[dreg:$0x0] =	wrdreg $0x60  }
0x26: {  	[dreg:$0x2] =	wrdreg s25  }
0x27: {  	[dreg:$0x3] =	wrdreg $0x9  }
0x28: {  	_ =	task.clear_ibuf [dreg:s6], $0x4FFFF;
	_ =	strace $0x90000046  }
0x29: {  	s29 =	simm.s32 $0x9;
	_ =	strace $0x80000048  }
0x2a: {  	_ =	swait.ge [sflag:s29], $0x1  }
0x2b: {  	[sflag:s29] =	ssyncadd.s32 $0xFFFFFFFF  }
0x2c: {  	_ =	strace $0x90000048  }
0x2d: {  	_ =	sfence  }
0x2e: {  	s30 =	sld [smem:$0x0];
	_ =	sdelay $0x2  }
0x2f: {  	s31 =	sshll.u32 s3, $0xD;
	s3 =	sshrl.u32 s3, $0x2  }
0x30: {  	s2 =	sand.u32 $0x4000, s31;
	s1 =	sadd.s32 s3, s30  }
0x31: {  	s0 =	sor.u32 s2, s0;
	s1 =	sshll.u32 s1, $0x11  }
0x32: {  	s0 =	sor.u32 s1, s0  }
0x33: {  	s0 =	sadd.s32 $0x8F2B, s0  }
0x34: {  	[sflag:s0] =	ssyncadd.remote.s32 $0x1  }
0x35: {  	_ =	sfence.sel $0xFFFF  }
0x36: {  	[dreg:$0x0] =	wrdreg $0xFFFFFFFF;
	(pc) =	sbr.abs _section_cstart, $3  }
0x37: {  	[dreg:$0x1] =	wrdreg $0xFFFFFFFF  }
0x38: {  	_ =	task.clear_ibuf [dreg:s6], $0x2FFFF;
	_ =	strace $0x9FFFFFFF  }
0x39: {  	(tm) =	ssettm $0x7FFFFFFF  }
tec
execute0_lowered:
.L_overlay_start_1:
0x0: {  	(tag) =	ssettag $0x1  }
0x1: {  	s3 =	rddreg [dreg:$0x0]  }
0x2: {  	s0 =	rddreg [dreg:$0x1]  }
0x3: {  	_ =	strace $0x80000047;
	s1 =	stileid.u32;
	s5 =	srdreg.scid  }
0x4: {  	s31 =	simm.s32 $0x2;
	s12 =	simm.s32 $0x0;
	p0 =	por $0x0, $0x0  }
0x5: {  	s13 =	simm.s32 $0x0;
	s14 =	simm.s32 $0x0;
	s11 =	simm.s32 $0x0  }
.Ltmp0:
0x6: {  	s8 =	simm.s32 $0x0;
	s2 =	sadd.s32 $0xC3D200, s3;
	(pc) =	sbr.rel .LBB1_1-.Ltmp0, $4  }
0x7: {  	s3 =	sadd.s32 $0x8200, s3;
	s6 =	sshll.u32 s1, $0x5;
	s7 =	sshll.u32 s5, $0x9  }
0x8: {  	s4 =	sand.u32 $0x3, s1;
	s5 =	simm.s32 $0x1;
	s6 =	sor.u32 s6, s7  }
0x9: {  	[sflag:s5] =	ssyncpa.u1 $0x0;
	s7 =	simm.s32 $0x1C000;
	s6 =	sand.u32 $0x380, s6  }
0xa: {  	s10 =	smov.u32 s4;
	[sflag:s31] =	ssyncpa.u1 $0x0;
	s9 =	smov.u32 s6  }
.LBB1_5:
0xb: {  	s15 =	sadd.s32 $0x400, s9  }
0xc: {  	s12 =	sadd.s32 $0x4, s10;
	s16 =	smov.u32 s10;
	p2 =	sgt.s32 s15, $0x7CF  }
0xd: {  	s16 =	smov.u32 @p2 s12  }
0xe: {  	s12 =	simm.s32 $0x1;
	p3 =	sgt.s32 s16, $0x3  }
0xf: {  	s12 =	simm.s32 @!p3 $0x0  }
0x10: {  	p1 =	slt.u32 s8, $0x2;
	s18 =	sadd.s32 s12, s11  }
0x11: {  	s8 =	sadd.s32 $0x1, s8;
	s15 =	smov.u32 @p2 s6;
	p2 =	sgt.s32 s18, $0x31  }
0x12: {  	s18 =	simm.s32 @p2 $0x0;
	p2 =	sne.s32 s8, $0x66  }
.Ltmp1:
0x13: {  	s17 =	simm.s32 @!p1 $0x2;
	(pc) =	sbr.rel @!p2 .LBB1_6-.Ltmp1, $4  }
0x14: {  	s13 =	smov.u32 s10;
	_ =	swait.ge @!p1 [sflag:s17], $0x1000  }
0x15: {  	s14 =	smov.u32 s11;
	p0 =	por !p0, !p0;
	[sflag:s17] =	ssyncset.done @!p1 $0x0  }
0x16: {  	s16 =	smov.u32 @p3 s4;
	[sflag:s17] =	ssyncadd.s32 @!p1 $0xFFFFF000;
	s12 =	smov.u32 s9  }
0x17: {  	s9 =	smov.u32 s15;
	s10 =	smov.u32 s16;
	s11 =	smov.u32 s18  }
.LBB1_1:
0x18: {  	p1 =	sgt.u32 s8, $0x63;
	s17 =	smov.u32 s11  }
0x19: {  	s19 =	smov.u32 s10;
	s15 =	sand.u32 @!p1 $0x1FFFFFF, s9;
	p2 =	sgt.s32 @!p1 s11, $0x31  }
0x1a: {  	s18 =	sshra.s32 @!p1 s11, $0x1F;
	s20 =	sshra.s32 @!p1 s10, $0x1F;
	p2 =	por !p2, p1  }
0x1b: {  	s16 =	smulhi.u32 @!p1 $0x20C49BB, s15;
	s17 =	simm.s32 @p2 $0x31;
	p2 =	sgt.s32 @!p1 s10, $0x3  }
0x1c: {  	s18 =	sand.u32 @!p1 s18, s11;
	s20 =	sand.u32 @!p1 s20, s10;
	p2 =	por !p2, p1  }
0x1d: {  	s16 =	sshrl.u32 @!p1 s16, $0x4;
	s17 =	ssub.s32 @!p1 s17, s18;
	s19 =	simm.s32 @p2 $0x3  }
0x1e: {  	p2 =	sgt.s32 @!p1 s9, $0x750;
	s17 =	sadd.s32 @!p1 $0xFFFFFFCF, s17;
	s18 =	ssub.s32 @!p1 s19, s20  }
0x1f: {  	p2 =	por !p2, p1;
	s20 =	smov.u32 s9;
	s19 =	sadd.s32 @!p1 $0xFFFFFFFD, s18  }
0x20: {  	s20 =	simm.s32 @p2 $0x750;
	p3 =	sgt.s32 @!p1 s19, $0x0;
	s19 =	sshra.s32 @!p1 s9, $0x1F  }
0x21: {  	p2 =	sgt.s32 @!p1 s17, $0x0;
	s17 =	sshll.u32 @!p1 s17, $0x5;
	s19 =	sand.u32 @!p1 s19, s9  }
0x22: {  	s18 =	ssub.s32 @!p1 $0x4, s18;
	s17 =	ssub.s32 @!p1 $0x20, s17;
	s19 =	ssub.s32 @!p1 s20, s19  }
0x23: {  	p2 =	por !p2, p1;
	p3 =	por !p3, p1;
	s20 =	sadd.s32 @!p1 $0xFFFFF8B0, s19  }
0x24: {  	s17 =	simm.s32 @!p2 $0x0;
	s18 =	simm.s32 @!p3 $0x0;
	p3 =	sgt.s32 @!p1 s20, $0x7F  }
0x25: {  	s19 =	ssub.s32 @!p1 $0x7D0, s19;
	s17 =	smul.u32 @!p1 s18, s17;
	p2 =	por !p3, p1  }
0x26: {  	s16 =	smul.u32 @!p1 $0x7D0, s16;
	s19 =	simm.s32 @!p2 $0x0  }
0x27: {  	s17 =	smul.u32 @!p1 s19, s17  }
0x28: {  	s19 =	smul.u32 @!p1 $0x1F400, s11  }
0x29: {  	s15 =	ssub.s32 @!p1 s15, s16;
	s18 =	sxor.u32 @!p1 $0xFFFFFFFF, s8;
	s20 =	smul.u32 @!p1 $0x7D00, s10  }
0x2a: {  	s15 =	sshll.u32 @!p1 s15, $0x4;
	s18 =	sshll.u32 @!p1 s18, $0xC;
	s16 =	sadd.s32 @!p1 s2, s19  }
0x2b: {  	s18 =	sand.u32 @!p1 $0x1000, s18;
	s17 =	sand.u32 @!p1 $0x3FFFFFE0, s17;
	s16 =	sadd.s32 @!p1 s20, s16  }
0x2c: {  	s19 =	simm.s32 @!p1 $0x80;
	s15 =	sadd.s32 @!p1 s15, s16;
	s16 =	simm.s32 @!p1 $0x20  }
0x2d: {  	[tilespmem:s18], [sflag:$0x1] =	stream.strided.gather @!p1 [hbm4b:s15+s16], s17, s19, s16, $0x38;
	[tilespmem:$0x4040] =	vst v63  }
0x2e: {  	p1 =	seq.s32 s8, $0x0  }
0x2f: {  	p2 =	seq.s32 @!p1 s8, $0x65  }
0x30: {  	p1 =	por p1, p2  }
.Ltmp2:
0x31: {  	_ = 	snop;
	(pc) =	sbr.rel @p1 .LBB1_5-.Ltmp2, $1  }
0x32: {  	_ =	sdelay $0x3  }
0x33: {  	p1 =	sgt.s32 s14, $0x31  }
0x34: {  	s15 =	smov.u32 s14;
	s16 =	sshra.s32 s14, $0x1F;
	s17 =	sshra.s32 s13, $0x1F  }
0x35: {  	p2 =	sgt.s32 s12, $0x750;
	s15 =	simm.s32 @!p1 $0x31;
	s16 =	sand.u32 s16, s14  }
0x36: {  	s19 =	sshra.s32 s12, $0x1F;
	p1 =	sgt.s32 s13, $0x3;
	s15 =	ssub.s32 s15, s16  }
0x37: {  	s17 =	sand.u32 s17, s13;
	s16 =	smov.u32 s13;
	s15 =	sadd.s32 $0xFFFFFFCF, s15  }
0x38: {  	s26 =	sand.u32 s19, s12;
	s16 =	simm.s32 @!p1 $0x3;
	p1 =	sgt.s32 s15, $0x0  }
0x39: {  	s16 =	ssub.s32 s16, s17;
	s17 =	smov.u32 s12;
	s15 =	sshll.u32 s15, $0x5  }
0x3a: {  	s18 =	sadd.s32 $0xFFFFFFFD, s16;
	s17 =	simm.s32 @!p2 $0x750;
	s16 =	ssub.s32 $0x4, s16  }
0x3b: {  	s15 =	ssub.s32 $0x20, s15;
	p2 =	sgt.s32 s18, $0x0;
	s17 =	ssub.s32 s17, s26  }
0x3c: {  	s15 =	simm.s32 @p1 $0x0;
	s16 =	simm.s32 @p2 $0x0;
	s18 =	sadd.s32 $0xFFFFF8B0, s17  }
0x3d: {  	s17 =	ssub.s32 $0x7D0, s17;
	p1 =	sgt.s32 s18, $0x7F;
	s15 =	smul.u32 s16, s15  }
0x3e: {  	s17 =	simm.s32 @p1 $0x0  }
0x3f: {  	s15 =	smul.u32 s17, s15;
	_ =	sdelay $0x1  }
0x40: {  	s16 =	simm.s32 $0x1;
	s15 =	sand.u32 $0x3FFFFFE0, s15  }
0x41: {  	s16 =	simm.s32 @!p0 $0x0;
	_ =	swait.ge [sflag:s5], s15  }
0x42: {  	s27 =	sshll.u32 s16, $0xC;
	s15 =	ssub.s32 $0x0, s15;
	[sflag:s5] =	ssyncset.done $0x0  }
0x43: {  	s28 =	sor.u32 $0x10, s27;
	[sflag:s5] =	ssyncadd.s32 s15  }
0x44: {  	s29 =	smul.u32 $0x4080, s16;
	v1 =	vld [tilespmem:s28+$0x0]  }
0x45: {  	s30 =	sand.u32 $0x1, s8;
	v0 =	vld [tilespmem:s28+$0xFFFFFFF0]  }
0x46: {  	s16 =	smul.u32 $0x4080, s30;
	s15 =	sshrl.u32 s29, $0x2  }
0x47: {  	s17 =	sor.u32 $0x2000, s15  }
0x48: {  	s31 =	sshrl.u32 s16, $0x2;
	s16 =	sadd.s32 $0x0, s17  }
0x49: {  	s18 =	simm.s32 $0x4;
	s19 =	sadd.s32 $0x20, s28;
	s15 =	sor.u32 $0x2000, s31;
	[tilespmem:s16+$0x810 ss:$0x81] =	vst.msk $0xffff, v1  }
.LBB1_3:
0x4a: {  	v1 =	vld [tilespmem:s19+$0x0];
	p1 =	sne.s32 s18, $0x1FC;
	[tilespmem:s16+$0x0 ss:$0x81] =	vst.msk $0xffff, v0;
	s16 =	smov.u32 s18;
	s18 =	sadd.s32 $0x4, s18  }
.Ltmp3:
0x4b: {  	v0 =	vld [tilespmem:s19+$0xFFFFFFF0];
	(pc) =	sbr.rel @p1 .LBB1_3-.Ltmp3, $4  }
0x4c: {  	_ = 	snop  }
0x4d: {  	s16 =	sshra.s32 s16, $0x2  }
0x4e: {  	s16 =	sadd.s32 s16, s17  }
0x4f: {  	s19 =	sadd.s32 $0x20, s19;
	[tilespmem:s16+$0x810 ss:$0x81] =	vst.msk $0xffff, v1  }
0x50: {  	s17 =	sshll.u32 s14, $0xB  }
0x51: {  	s18 =	sshll.u32 s12, $0x3;
	s17 =	sand.u32 $0xFFFFC000, s17  }
0x52: {  	s17 =	sadd.s32 s17, s18  }
0x53: {  	s17 =	sshrl.u32 s17, $0xB  }
0x54: {  	s30 =	sshll.u32 s14, $0x7;
	s19 =	smulhi.u32 $0x4924925, s17  }
0x55: {  	s20 =	sand.u32 $0x78, s12;
	s13 =	smul.u32 $0x70000, s13;
	s14 =	sand.u32 $0x380, s30  }
0x56: {  	s14 =	sor.u32 s14, s20;
	s18 =	sand.u32 $0x400, s18;
	s19 =	smul.u32 $0x38, s19  }
.Ltmp4:
0x57: {  	s31 =	sand.u32 $0x7, s12;
	s14 =	sor.u32 s18, s14;
	(pc) =	sbr.rel .LBB1_5-.Ltmp4, $4  }
0x58: {  	s13 =	sadd.s32 s3, s13;
	s14 =	sshrl.u32 s14, $0x3;
	s17 =	ssub.s32 s17, s19  }
0x59: {  	s12 =	sshll.u32 s31, $0x12;
	s13 =	sadd.s32 s14, s13;
	s17 =	sshll.u32 s17, $0x8  }
0x5a: {  	[tilespmem:s16+$0x0 ss:$0x81] =	vst.msk $0xffff, v0;
	s12 =	sor.u32 $0x80, s12;
	s13 =	sadd.s32 s17, s13  }
0x5b: {  	[hbm4b:s13+s12] =	stream.strided.scatter [tilespmem:s15], [sflag:$0x2], $0x1000, s7, s12, $0x20;
	[tilespmem:$0x4040] =	vst v63  }
.LBB1_6:
0x5c: {  	_ =	sfence.sel $0x180000  }
0x5d: {  	s2 =	simm.s32 $0x1;
	[bflag:$0x0] =	sbarrier.arrive $0xFFFF  }
0x5e: {  	s31 =	simm.s32 $0x2;
	[sflag:s2] =	ssyncpa.u1 $0x1  }
0x5f: {  	[sflag:s31] =	ssyncpa.u1 $0x1  }
0x60: {  	p0 =	sne.s32 s1, $0x0;
	_ =	strace $0x90000047  }
0x61: {  	s0 =	sadd.s32 @!p0 $0x100000, s0;
	[bflag:$0x2] =	sbarrier.arrive $0xFFFF  }
0x62: {  	[sflag:s0] =	ssyncadd.tile.s32 @!p0 $0x1;
	_ =	shalt  }
.Lfunc_end1:
_tile_overlayer_lowered:
.L_overlay_start_2:
0x63: {  	(tag) =	ssettag $0x2  }
0x64: {  	s0 =	rddreg [dreg:$0x0];
	s2 =	stileid.u32  }
0x65: {  	s1 =	rddreg [dreg:$0x1];
	p0 =	sne.s32 s2, $0x0  }
0x66: {  	s3 =	rddreg [dreg:$0x2];
	[bflag:$0x3] =	sbarrier.arrive $0xFFFF;
	s2 =	simm.s32 @!p0 $0x1C01  }
0x67: {  	[timem:s3], [sflag:s2] =	dma.local @!p0 [hbm:s0], s1  }
0x68: {  	s0 =	simm.s32 @!p0 $0x1  }
0x69: {  	_ =	swait.ge @!p0 [sflag:s0], s1  }
0x6a: {  	s1 =	ssub.s32 @!p0 $0x0, s1;
	[sflag:s0] =	ssyncset.done @!p0 $0x0  }
0x6b: {  	[sflag:s0] =	ssyncadd.s32 @!p0 s1  }
0x6c: {  	[bflag:$0x3] =	sbarrier.arrive $0xFFFF  }
0x6d: {  	_ =	shalt  }

</sc_bundles>
